<compile_context>
chip_gen: v7x
topology: tpu7x:2x2x1
jax: 0.10.2.dev20260603
libtpu: 0.0.44.dev20260713+nightly
codegen_flags: <defaults>
</compile_context>

<pallas_src>
import functools

import jax
import jax.numpy as jnp
from jax import lax
from jax.experimental import pallas as pl
from jax.experimental.pallas import tpu as pltpu
from jax.experimental.pallas import tpu_sc as plsc

SEQ = 32768
VOCAB = 5
D = 384
LANES = 16
NC = 2
NS = 16
NW = NC * NS
BPW = SEQ // NW
C = 64
NCHUNK = BPW // C
NBUF = 4

_mesh = plsc.VectorSubcoreMesh(core_axis_name="c", subcore_axis_name="s")


@functools.partial(
    pl.kernel,
    mesh=_mesh,
    compiler_params=pltpu.CompilerParams(needs_layout_passes=False),
    out_type=jax.ShapeDtypeStruct((SEQ, D), jnp.float32),
    scratch_types=[
        pltpu.VMEM((BPW,), jnp.int32),
        pltpu.VMEM((NBUF, C, D), jnp.float32),
        pltpu.VMEM((VOCAB * D,), jnp.float32),
        pltpu.SemaphoreType.DMA,
    ],
)
def _embed(ids_hbm, table_hbm, out_hbm, idx_v, rows_v, table_v, wsem):
    wid = lax.axis_index("s") * NC + lax.axis_index("c")
    base = wid * BPW

    cp_tab = pltpu.async_copy(table_hbm, table_v, wsem)
    cp_ids = pltpu.async_copy(ids_hbm.at[pl.ds(base, BPW)], idx_v, wsem)
    cp_tab.wait()
    cp_ids.wait()

    coliota = lax.iota(jnp.int32, LANES)

    def drain(b):
        pltpu.make_async_copy(
            rows_v.at[b], out_hbm.at[pl.ds(base, C)], wsem).wait()

    @pl.loop(0, NCHUNK, step=NBUF)
    def _round(k0):
        for b in range(NBUF):
            k = k0 + b

            @pl.when(k0 > 0)
            def _():
                drain(b)

            buf = rows_v.at[b]

            @plsc.parallel_loop(0, C, unroll=2)
            def _row(i, buf=buf, k=k):
                r = lax.rem(i, LANES)
                g16 = i - r
                ids16 = idx_v[pl.ds(k * C + g16, LANES)]
                rid16 = jnp.take(ids16, jnp.full((LANES,), 0, jnp.int32) + r)
                off = rid16 * D + coliota
                vals = [
                    plsc.load_gather(
                        table_v.at[pl.ds(j * LANES, VOCAB * D - j * LANES)],
                        [off])
                    for j in range(D // LANES)
                ]
                for j in range(D // LANES):
                    buf[i, pl.ds(j * LANES, LANES)] = vals[j]

            pltpu.async_copy(buf, out_hbm.at[pl.ds(base + k * C, C)], wsem)

    for b in range(NBUF):
        drain(b)


def kernel(ids, table):
    return _embed(ids.astype(jnp.int32), table.reshape(VOCAB * D))

# --- scband reference (transcript-rebuilt; emitter-appended) ---
"""Pipeline reference for scband-rnatoken-embedder-67851893342606 (READ-ONLY COPY).

The authoritative reference and input builder live on the scoring server;
editing this copy changes nothing except your own understanding.
"""

import jax, jax.numpy as jnp
import numpy as np

SEQ_LEN = 32768
VOCAB = 5
D_MODEL = 384

def setup_inputs(seed: int = 0) -> dict:
    key = jax.random.key(seed)
    k_ids, k_tab = jax.random.split(key)
    ids = jax.random.randint(k_ids, (SEQ_LEN,), 0, VOCAB, dtype=jnp.int64 if jax.config.jax_enable_x64 else jnp.int32)
    table = jax.random.normal(k_tab, (VOCAB, D_MODEL), dtype=jnp.float32)
    return {"ids": ids, "table": table}

def reference(ids, table):
    # Faithful translation of nn.Embedding lookup: out[i] = table[ids[i]]
    return jnp.take(table, ids, axis=0)

if __name__ == "__main__":
    import jax
    _d = setup_inputs()
    print(jax.jit(kernel)(*tuple(_d.values())))

</pallas_src>

<mosaic_0001>
#map = affine_map<(d0, d1) -> (0)>
#map1 = affine_map<(d0, d1) -> (0, 0)>
module attributes {stable_mosaic.version = 14 : i64} {
  func.func @_embed(%arg0: i32, %arg1: i32, %arg2: memref<32768xi32, #tpu.memory_space<hbm>>, %arg3: memref<1920xf32, #tpu.memory_space<hbm>>, %arg4: memref<32768x384xf32, #tpu.memory_space<hbm>>, %arg5: memref<1024xi32, #tpu.memory_space<vmem>>, %arg6: memref<4x64x384xf32, #tpu.memory_space<vmem>>, %arg7: memref<1920xf32, #tpu.memory_space<vmem>>, %arg8: memref<!tpu.dma_semaphore, #tpu.memory_space<semaphore_mem>>) attributes {dimension_semantics = [#tpu.dimension_semantics<core_parallel>, #tpu.dimension_semantics<subcore_parallel>], iteration_bounds = array<i64: 2, 16>, scalar_prefetch = 0 : i64, scratch_operands = 4 : i64, tpu.core_type = #tpu.core_type<sc_vector_subcore>, window_params = [{transform_indices = #map}, {transform_indices = #map}, {transform_indices = #map1}]} {
    %mul3A = arith.constant 2 : i32
    %mul3A_0 = arith.muli %arg1, %mul3A : i32
    %add3A = arith.addi %mul3A_0, %arg0 : i32
    %mul3A_1 = arith.constant 1024 : i32
    %mul3A_2 = arith.muli %add3A, %mul3A_1 : i32
    tpu.enqueue_dma source(%arg3 : memref<1920xf32, #tpu.memory_space<hbm>>) target(%arg7 : memref<1920xf32, #tpu.memory_space<vmem>>) target_semaphore(%arg8 : memref<!tpu.dma_semaphore, #tpu.memory_space<semaphore_mem>>)
    %dma_start3A = tpu.memref_slice %arg2[%mul3A_2] : memref<32768xi32, #tpu.memory_space<hbm>> -> memref<1024xi32, #tpu.memory_space<hbm>>
    %dma_start3A_3 = tpu.memref_slice %arg2[%mul3A_2] : memref<32768xi32, #tpu.memory_space<hbm>> -> memref<1024xi32, #tpu.memory_space<hbm>>
    tpu.enqueue_dma source(%dma_start3A_3 : memref<1024xi32, #tpu.memory_space<hbm>>) target(%arg5 : memref<1024xi32, #tpu.memory_space<vmem>>) target_semaphore(%arg8 : memref<!tpu.dma_semaphore, #tpu.memory_space<semaphore_mem>>)
    tpu.wait_dma2 semaphore(%arg8 : memref<!tpu.dma_semaphore, #tpu.memory_space<semaphore_mem>>) src(%arg3 : memref<1920xf32, #tpu.memory_space<hbm>>) dst(%arg7 : memref<1920xf32, #tpu.memory_space<vmem>>)
    %dma_wait3A = tpu.memref_slice %arg2[%mul3A_2] : memref<32768xi32, #tpu.memory_space<hbm>> -> memref<1024xi32, #tpu.memory_space<hbm>>
    %dma_wait3A_4 = tpu.memref_slice %arg2[%mul3A_2] : memref<32768xi32, #tpu.memory_space<hbm>> -> memref<1024xi32, #tpu.memory_space<hbm>>
    tpu.wait_dma2 semaphore(%arg8 : memref<!tpu.dma_semaphore, #tpu.memory_space<semaphore_mem>>) src(%dma_wait3A_4 : memref<1024xi32, #tpu.memory_space<hbm>>) dst(%arg5 : memref<1024xi32, #tpu.memory_space<vmem>>)
    %iota3A = tpu.iota {dimensions = array<i32: 0>} : vector<16xi32>
    %scan3A = arith.constant 0 : i32
    %scan3A_5 = arith.constant 4 : i32
    %scan3A_6 = arith.addi %scan3A, %scan3A_5 : i32
    %scan3A_7 = arith.constant 1 : i32
    scf.for %scan3A_61 = %scan3A to %scan3A_6 step %scan3A_7  : i32 {
      %mul3A_62 = arith.constant 4 : i32
      %mul3A_63 = arith.muli %scan3A_61, %mul3A_62 : i32
      %add3A_64 = arith.constant 0 : i32
      %add3A_65 = arith.addi %add3A_64, %mul3A_63 : i32
      %add3A_66 = arith.constant 0 : i32
      %add3A_67 = arith.addi %add3A_65, %add3A_66 : i32
      %gt3A = arith.constant 0 : i32
      %gt3A_68 = arith.cmpi sgt, %add3A_65, %gt3A : i32
      %convert_element_type3A = arith.extui %gt3A_68 : i1 to i32
      %cond3A = arith.constant 0 : i32
      %cond3A_69 = arith.cmpi ne, %convert_element_type3A, %cond3A : i32
      scf.if %cond3A_69 {
        %dma_wait3A_170 = arith.constant 0 : i32
        %dma_wait3A_171 = arith.constant 0 : i32
        %dma_wait3A_172 = arith.constant 0 : i32
        %dma_wait3A_173 = tpu.memref_slice %arg6[%dma_wait3A_170, %dma_wait3A_171, %dma_wait3A_172] : memref<4x64x384xf32, #tpu.memory_space<vmem>> -> memref<1x64x384xf32, #tpu.memory_space<vmem>>
        %dma_wait3A_174 = tpu.memref_squeeze %dma_wait3A_173 : memref<1x64x384xf32, #tpu.memory_space<vmem>> -> memref<64x384xf32, #tpu.memory_space<vmem>>
        %dma_wait3A_175 = arith.constant 0 : i32
        %dma_wait3A_176 = tpu.memref_slice %arg4[%mul3A_2, %dma_wait3A_175] : memref<32768x384xf32, #tpu.memory_space<hbm>> -> memref<64x384xf32, #tpu.memory_space<hbm>>
        %dma_wait3A_177 = arith.constant 0 : i32
        %dma_wait3A_178 = tpu.memref_slice %arg4[%mul3A_2, %dma_wait3A_177] : memref<32768x384xf32, #tpu.memory_space<hbm>> -> memref<64x384xf32, #tpu.memory_space<hbm>>
        %dma_wait3A_179 = arith.constant 0 : i32
        %dma_wait3A_180 = arith.constant 0 : i32
        %dma_wait3A_181 = tpu.memref_slice %arg6[%dma_wait3A_170, %dma_wait3A_179, %dma_wait3A_180] : memref<4x64x384xf32, #tpu.memory_space<vmem>> -> memref<1x64x384xf32, #tpu.memory_space<vmem>>
        %dma_wait3A_182 = tpu.memref_squeeze %dma_wait3A_181 : memref<1x64x384xf32, #tpu.memory_space<vmem>> -> memref<64x384xf32, #tpu.memory_space<vmem>>
        tpu.wait_dma2 semaphore(%arg8 : memref<!tpu.dma_semaphore, #tpu.memory_space<semaphore_mem>>) src(%dma_wait3A_182 : memref<64x384xf32, #tpu.memory_space<vmem>>) dst(%dma_wait3A_178 : memref<64x384xf32, #tpu.memory_space<hbm>>)
      } else {
      }
      %parallel_loop3A = arith.constant 0 : i32
      %parallel_loop3A_70 = arith.constant 64 : i32
      %parallel_loop3A_71 = arith.constant 1 : i32
      %parallel_loop3A_72 = arith.constant 0 : i32
      scf.for %parallel_loop3A_170 = %parallel_loop3A to %parallel_loop3A_70 step %parallel_loop3A_71  : i32 {
        %parallel_loop3A_171 = arith.constant 16 : i32
        %parallel_loop3A_172 = arith.remsi %parallel_loop3A_170, %parallel_loop3A_171 : i32
        %parallel_loop3A_173 = arith.subi %parallel_loop3A_170, %parallel_loop3A_172 : i32
        %parallel_loop3A_174 = arith.constant 64 : i32
        %parallel_loop3A_175 = arith.muli %add3A_67, %parallel_loop3A_174 : i32
        %parallel_loop3A_176 = arith.addi %parallel_loop3A_175, %parallel_loop3A_173 : i32
        %parallel_loop3A_177 = arith.index_cast %parallel_loop3A_176 : i32 to index
        %parallel_loop3A_178 = tpu.vector_load %arg5[%parallel_loop3A_177] {strides = array<i32>} : memref<1024xi32, #tpu.memory_space<vmem>>, vector<16xi32>,
        %parallel_loop3A_179 = arith.constant 0 : i32
        %parallel_loop3A_180 = vector.broadcast %parallel_loop3A_179 : i32 to vector<16xi32>
        %parallel_loop3A_181 = vector.broadcast %parallel_loop3A_172 : i32 to vector<16xi32>
        %parallel_loop3A_182 = arith.addi %parallel_loop3A_180, %parallel_loop3A_181 : vector<16xi32>
        %parallel_loop3A_183 = arith.constant 0 : i32
        %parallel_loop3A_184 = vector.broadcast %parallel_loop3A_183 : i32 to vector<16xi32>
        %parallel_loop3A_185 = arith.cmpi slt, %parallel_loop3A_182, %parallel_loop3A_184 : vector<16xi32>
        %parallel_loop3A_186 = arith.constant 16 : i32
        %parallel_loop3A_187 = vector.broadcast %parallel_loop3A_186 : i32 to vector<16xi32>
        %parallel_loop3A_188 = arith.addi %parallel_loop3A_182, %parallel_loop3A_187 : vector<16xi32>
        %parallel_loop3A_189 = arith.select %parallel_loop3A_185, %parallel_loop3A_188, %parallel_loop3A_182 : vector<16xi1>, vector<16xi32>
        %parallel_loop3A_190 = vector.shape_cast %parallel_loop3A_189 : vector<16xi32> to vector<16x1xi32>
        %parallel_loop3A_191 = vector.shape_cast %parallel_loop3A_190 : vector<16x1xi32> to vector<16xi32>
        %parallel_loop3A_192 = tpu.dynamic_gather %parallel_loop3A_178[%parallel_loop3A_191] in [0] : vector<16xi32>, vector<16xi32> -> vector<16xi32>
        %parallel_loop3A_193 = arith.constant 384 : i32
        %parallel_loop3A_194 = vector.broadcast %parallel_loop3A_193 : i32 to vector<16xi32>
        %parallel_loop3A_195 = arith.muli %parallel_loop3A_192, %parallel_loop3A_194 : vector<16xi32>
        %parallel_loop3A_196 = arith.addi %parallel_loop3A_195, %iota3A : vector<16xi32>
        %parallel_loop3A_197 = arith.constant 0 : i32
        %parallel_loop3A_198 = tpu.memref_slice %arg7[%parallel_loop3A_197] : memref<1920xf32, #tpu.memory_space<vmem>> -> memref<1920xf32, #tpu.memory_space<vmem>>
        %parallel_loop3A_199 = tpu.vector_load_idx %parallel_loop3A_198[%parallel_loop3A_196] : memref<1920xf32, #tpu.memory_space<vmem>>[vector<16xi32>], vector<16xf32>,
        %parallel_loop3A_200 = arith.constant 16 : i32
        %parallel_loop3A_201 = tpu.memref_slice %arg7[%parallel_loop3A_200] : memref<1920xf32, #tpu.memory_space<vmem>> -> memref<1904xf32, #tpu.memory_space<vmem>>
        %parallel_loop3A_202 = tpu.vector_load_idx %parallel_loop3A_201[%parallel_loop3A_196] : memref<1904xf32, #tpu.memory_space<vmem>>[vector<16xi32>], vector<16xf32>,
        %parallel_loop3A_203 = arith.constant 32 : i32
        %parallel_loop3A_204 = tpu.memref_slice %arg7[%parallel_loop3A_203] : memref<1920xf32, #tpu.memory_space<vmem>> -> memref<1888xf32, #tpu.memory_space<vmem>>
        %parallel_loop3A_205 = tpu.vector_load_idx %parallel_loop3A_204[%parallel_loop3A_196] : memref<1888xf32, #tpu.memory_space<vmem>>[vector<16xi32>], vector<16xf32>,
        %parallel_loop3A_206 = arith.constant 48 : i32
        %parallel_loop3A_207 = tpu.memref_slice %arg7[%parallel_loop3A_206] : memref<1920xf32, #tpu.memory_space<vmem>> -> memref<1872xf32, #tpu.memory_space<vmem>>
        %parallel_loop3A_208 = tpu.vector_load_idx %parallel_loop3A_207[%parallel_loop3A_196] : memref<1872xf32, #tpu.memory_space<vmem>>[vector<16xi32>], vector<16xf32>,
        %parallel_loop3A_209 = arith.constant 64 : i32
        %parallel_loop3A_210 = tpu.memref_slice %arg7[%parallel_loop3A_209] : memref<1920xf32, #tpu.memory_space<vmem>> -> memref<1856xf32, #tpu.memory_space<vmem>>
        %parallel_loop3A_211 = tpu.vector_load_idx %parallel_loop3A_210[%parallel_loop3A_196] : memref<1856xf32, #tpu.memory_space<vmem>>[vector<16xi32>], vector<16xf32>,
        %parallel_loop3A_212 = arith.constant 80 : i32
        %parallel_loop3A_213 = tpu.memref_slice %arg7[%parallel_loop3A_212] : memref<1920xf32, #tpu.memory_space<vmem>> -> memref<1840xf32, #tpu.memory_space<vmem>>
        %parallel_loop3A_214 = tpu.vector_load_idx %parallel_loop3A_213[%parallel_loop3A_196] : memref<1840xf32, #tpu.memory_space<vmem>>[vector<16xi32>], vector<16xf32>,
        %parallel_loop3A_215 = arith.constant 96 : i32
        %parallel_loop3A_216 = tpu.memref_slice %arg7[%parallel_loop3A_215] : memref<1920xf32, #tpu.memory_space<vmem>> -> memref<1824xf32, #tpu.memory_space<vmem>>
        %parallel_loop3A_217 = tpu.vector_load_idx %parallel_loop3A_216[%parallel_loop3A_196] : memref<1824xf32, #tpu.memory_space<vmem>>[vector<16xi32>], vector<16xf32>,
        %parallel_loop3A_218 = arith.constant 112 : i32
        %parallel_loop3A_219 = tpu.memref_slice %arg7[%parallel_loop3A_218] : memref<1920xf32, #tpu.memory_space<vmem>> -> memref<1808xf32, #tpu.memory_space<vmem>>
        %parallel_loop3A_220 = tpu.vector_load_idx %parallel_loop3A_219[%parallel_loop3A_196] : memref<1808xf32, #tpu.memory_space<vmem>>[vector<16xi32>], vector<16xf32>,
        %parallel_loop3A_221 = arith.constant 128 : i32
        %parallel_loop3A_222 = tpu.memref_slice %arg7[%parallel_loop3A_221] : memref<1920xf32, #tpu.memory_space<vmem>> -> memref<1792xf32, #tpu.memory_space<vmem>>
        %parallel_loop3A_223 = tpu.vector_load_idx %parallel_loop3A_222[%parallel_loop3A_196] : memref<1792xf32, #tpu.memory_space<vmem>>[vector<16xi32>], vector<16xf32>,
        %parallel_loop3A_224 = arith.constant 144 : i32
        %parallel_loop3A_225 = tpu.memref_slice %arg7[%parallel_loop3A_224] : memref<1920xf32, #tpu.memory_space<vmem>> -> memref<1776xf32, #tpu.memory_space<vmem>>
        %parallel_loop3A_226 = tpu.vector_load_idx %parallel_loop3A_225[%parallel_loop3A_196] : memref<1776xf32, #tpu.memory_space<vmem>>[vector<16xi32>], vector<16xf32>,
        %parallel_loop3A_227 = arith.constant 160 : i32
        %parallel_loop3A_228 = tpu.memref_slice %arg7[%parallel_loop3A_227] : memref<1920xf32, #tpu.memory_space<vmem>> -> memref<1760xf32, #tpu.memory_space<vmem>>
        %parallel_loop3A_229 = tpu.vector_load_idx %parallel_loop3A_228[%parallel_loop3A_196] : memref<1760xf32, #tpu.memory_space<vmem>>[vector<16xi32>], vector<16xf32>,
        %parallel_loop3A_230 = arith.constant 176 : i32
        %parallel_loop3A_231 = tpu.memref_slice %arg7[%parallel_loop3A_230] : memref<1920xf32, #tpu.memory_space<vmem>> -> memref<1744xf32, #tpu.memory_space<vmem>>
        %parallel_loop3A_232 = tpu.vector_load_idx %parallel_loop3A_231[%parallel_loop3A_196] : memref<1744xf32, #tpu.memory_space<vmem>>[vector<16xi32>], vector<16xf32>,
        %parallel_loop3A_233 = arith.constant 192 : i32
        %parallel_loop3A_234 = tpu.memref_slice %arg7[%parallel_loop3A_233] : memref<1920xf32, #tpu.memory_space<vmem>> -> memref<1728xf32, #tpu.memory_space<vmem>>
        %parallel_loop3A_235 = tpu.vector_load_idx %parallel_loop3A_234[%parallel_loop3A_196] : memref<1728xf32, #tpu.memory_space<vmem>>[vector<16xi32>], vector<16xf32>,
        %parallel_loop3A_236 = arith.constant 208 : i32
        %parallel_loop3A_237 = tpu.memref_slice %arg7[%parallel_loop3A_236] : memref<1920xf32, #tpu.memory_space<vmem>> -> memref<1712xf32, #tpu.memory_space<vmem>>
        %parallel_loop3A_238 = tpu.vector_load_idx %parallel_loop3A_237[%parallel_loop3A_196] : memref<1712xf32, #tpu.memory_space<vmem>>[vector<16xi32>], vector<16xf32>,
        %parallel_loop3A_239 = arith.constant 224 : i32
        %parallel_loop3A_240 = tpu.memref_slice %arg7[%parallel_loop3A_239] : memref<1920xf32, #tpu.memory_space<vmem>> -> memref<1696xf32, #tpu.memory_space<vmem>>
        %parallel_loop3A_241 = tpu.vector_load_idx %parallel_loop3A_240[%parallel_loop3A_196] : memref<1696xf32, #tpu.memory_space<vmem>>[vector<16xi32>], vector<16xf32>,
        %parallel_loop3A_242 = arith.constant 240 : i32
        %parallel_loop3A_243 = tpu.memref_slice %arg7[%parallel_loop3A_242] : memref<1920xf32, #tpu.memory_space<vmem>> -> memref<1680xf32, #tpu.memory_space<vmem>>
        %parallel_loop3A_244 = tpu.vector_load_idx %parallel_loop3A_243[%parallel_loop3A_196] : memref<1680xf32, #tpu.memory_space<vmem>>[vector<16xi32>], vector<16xf32>,
        %parallel_loop3A_245 = arith.constant 256 : i32
        %parallel_loop3A_246 = tpu.memref_slice %arg7[%parallel_loop3A_245] : memref<1920xf32, #tpu.memory_space<vmem>> -> memref<1664xf32, #tpu.memory_space<vmem>>
        %parallel_loop3A_247 = tpu.vector_load_idx %parallel_loop3A_246[%parallel_loop3A_196] : memref<1664xf32, #tpu.memory_space<vmem>>[vector<16xi32>], vector<16xf32>,
        %parallel_loop3A_248 = arith.constant 272 : i32
        %parallel_loop3A_249 = tpu.memref_slice %arg7[%parallel_loop3A_248] : memref<1920xf32, #tpu.memory_space<vmem>> -> memref<1648xf32, #tpu.memory_space<vmem>>
        %parallel_loop3A_250 = tpu.vector_load_idx %parallel_loop3A_249[%parallel_loop3A_196] : memref<1648xf32, #tpu.memory_space<vmem>>[vector<16xi32>], vector<16xf32>,
        %parallel_loop3A_251 = arith.constant 288 : i32
        %parallel_loop3A_252 = tpu.memref_slice %arg7[%parallel_loop3A_251] : memref<1920xf32, #tpu.memory_space<vmem>> -> memref<1632xf32, #tpu.memory_space<vmem>>
        %parallel_loop3A_253 = tpu.vector_load_idx %parallel_loop3A_252[%parallel_loop3A_196] : memref<1632xf32, #tpu.memory_space<vmem>>[vector<16xi32>], vector<16xf32>,
        %parallel_loop3A_254 = arith.constant 304 : i32
        %parallel_loop3A_255 = tpu.memref_slice %arg7[%parallel_loop3A_254] : memref<1920xf32, #tpu.memory_space<vmem>> -> memref<1616xf32, #tpu.memory_space<vmem>>
        %parallel_loop3A_256 = tpu.vector_load_idx %parallel_loop3A_255[%parallel_loop3A_196] : memref<1616xf32, #tpu.memory_space<vmem>>[vector<16xi32>], vector<16xf32>,
        %parallel_loop3A_257 = arith.constant 320 : i32
        %parallel_loop3A_258 = tpu.memref_slice %arg7[%parallel_loop3A_257] : memref<1920xf32, #tpu.memory_space<vmem>> -> memref<1600xf32, #tpu.memory_space<vmem>>
        %parallel_loop3A_259 = tpu.vector_load_idx %parallel_loop3A_258[%parallel_loop3A_196] : memref<1600xf32, #tpu.memory_space<vmem>>[vector<16xi32>], vector<16xf32>,
        %parallel_loop3A_260 = arith.constant 336 : i32
        %parallel_loop3A_261 = tpu.memref_slice %arg7[%parallel_loop3A_260] : memref<1920xf32, #tpu.memory_space<vmem>> -> memref<1584xf32, #tpu.memory_space<vmem>>
        %parallel_loop3A_262 = tpu.vector_load_idx %parallel_loop3A_261[%parallel_loop3A_196] : memref<1584xf32, #tpu.memory_space<vmem>>[vector<16xi32>], vector<16xf32>,
        %parallel_loop3A_263 = arith.constant 352 : i32
        %parallel_loop3A_264 = tpu.memref_slice %arg7[%parallel_loop3A_263] : memref<1920xf32, #tpu.memory_space<vmem>> -> memref<1568xf32, #tpu.memory_space<vmem>>
        %parallel_loop3A_265 = tpu.vector_load_idx %parallel_loop3A_264[%parallel_loop3A_196] : memref<1568xf32, #tpu.memory_space<vmem>>[vector<16xi32>], vector<16xf32>,
        %parallel_loop3A_266 = arith.constant 368 : i32
        %parallel_loop3A_267 = tpu.memref_slice %arg7[%parallel_loop3A_266] : memref<1920xf32, #tpu.memory_space<vmem>> -> memref<1552xf32, #tpu.memory_space<vmem>>
        %parallel_loop3A_268 = tpu.vector_load_idx %parallel_loop3A_267[%parallel_loop3A_196] : memref<1552xf32, #tpu.memory_space<vmem>>[vector<16xi32>], vector<16xf32>,
        %parallel_loop3A_269 = arith.constant 0 : i32
        %parallel_loop3A_270 = arith.constant 0 : i32
        %parallel_loop3A_271 = tpu.memref_slice %arg6[%parallel_loop3A_72, %parallel_loop3A_269, %parallel_loop3A_270] : memref<4x64x384xf32, #tpu.memory_space<vmem>> -> memref<1x64x384xf32, #tpu.memory_space<vmem>>
        %parallel_loop3A_272 = tpu.memref_squeeze %parallel_loop3A_271 : memref<1x64x384xf32, #tpu.memory_space<vmem>> -> memref<64x384xf32, #tpu.memory_space<vmem>>
        %parallel_loop3A_273 = arith.index_cast %parallel_loop3A_170 : i32 to index
        %parallel_loop3A_274 = arith.constant 0 : index
        %parallel_loop3A_275 = tpu.vector_load %parallel_loop3A_272[%parallel_loop3A_273, %parallel_loop3A_274] {strides = array<i32>} : memref<64x384xf32, #tpu.memory_space<vmem>>, vector<16xf32>,
        tpu.vector_store %parallel_loop3A_272[%parallel_loop3A_273, %parallel_loop3A_274], %parallel_loop3A_199 {strides = array<i32>} : memref<64x384xf32, #tpu.memory_space<vmem>>, vector<16xf32>,
        %parallel_loop3A_276 = arith.constant 0 : i32
        %parallel_loop3A_277 = arith.constant 0 : i32
        %parallel_loop3A_278 = tpu.memref_slice %arg6[%parallel_loop3A_72, %parallel_loop3A_276, %parallel_loop3A_277] : memref<4x64x384xf32, #tpu.memory_space<vmem>> -> memref<1x64x384xf32, #tpu.memory_space<vmem>>
        %parallel_loop3A_279 = tpu.memref_squeeze %parallel_loop3A_278 : memref<1x64x384xf32, #tpu.memory_space<vmem>> -> memref<64x384xf32, #tpu.memory_space<vmem>>
        %parallel_loop3A_280 = arith.index_cast %parallel_loop3A_170 : i32 to index
        %parallel_loop3A_281 = arith.constant 16 : index
        %parallel_loop3A_282 = tpu.vector_load %parallel_loop3A_279[%parallel_loop3A_280, %parallel_loop3A_281] {strides = array<i32>} : memref<64x384xf32, #tpu.memory_space<vmem>>, vector<16xf32>,
        tpu.vector_store %parallel_loop3A_279[%parallel_loop3A_280, %parallel_loop3A_281], %parallel_loop3A_202 {strides = array<i32>} : memref<64x384xf32, #tpu.memory_space<vmem>>, vector<16xf32>,
        %parallel_loop3A_283 = arith.constant 0 : i32
        %parallel_loop3A_284 = arith.constant 0 : i32
        %parallel_loop3A_285 = tpu.memref_slice %arg6[%parallel_loop3A_72, %parallel_loop3A_283, %parallel_loop3A_284] : memref<4x64x384xf32, #tpu.memory_space<vmem>> -> memref<1x64x384xf32, #tpu.memory_space<vmem>>
        %parallel_loop3A_286 = tpu.memref_squeeze %parallel_loop3A_285 : memref<1x64x384xf32, #tpu.memory_space<vmem>> -> memref<64x384xf32, #tpu.memory_space<vmem>>
        %parallel_loop3A_287 = arith.index_cast %parallel_loop3A_170 : i32 to index
        %parallel_loop3A_288 = arith.constant 32 : index
        %parallel_loop3A_289 = tpu.vector_load %parallel_loop3A_286[%parallel_loop3A_287, %parallel_loop3A_288] {strides = array<i32>} : memref<64x384xf32, #tpu.memory_space<vmem>>, vector<16xf32>,
        tpu.vector_store %parallel_loop3A_286[%parallel_loop3A_287, %parallel_loop3A_288], %parallel_loop3A_205 {strides = array<i32>} : memref<64x384xf32, #tpu.memory_space<vmem>>, vector<16xf32>,
        %parallel_loop3A_290 = arith.constant 0 : i32
        %parallel_loop3A_291 = arith.constant 0 : i32
        %parallel_loop3A_292 = tpu.memref_slice %arg6[%parallel_loop3A_72, %parallel_loop3A_290, %parallel_loop3A_291] : memref<4x64x384xf32, #tpu.memory_space<vmem>> -> memref<1x64x384xf32, #tpu.memory_space<vmem>>
        %parallel_loop3A_293 = tpu.memref_squeeze %parallel_loop3A_292 : memref<1x64x384xf32, #tpu.memory_space<vmem>> -> memref<64x384xf32, #tpu.memory_space<vmem>>
        %parallel_loop3A_294 = arith.index_cast %parallel_loop3A_170 : i32 to index
        %parallel_loop3A_295 = arith.constant 48 : index
        %parallel_loop3A_296 = tpu.vector_load %parallel_loop3A_293[%parallel_loop3A_294, %parallel_loop3A_295] {strides = array<i32>} : memref<64x384xf32, #tpu.memory_space<vmem>>, vector<16xf32>,
        tpu.vector_store %parallel_loop3A_293[%parallel_loop3A_294, %parallel_loop3A_295], %parallel_loop3A_208 {strides = array<i32>} : memref<64x384xf32, #tpu.memory_space<vmem>>, vector<16xf32>,
        %parallel_loop3A_297 = arith.constant 0 : i32
        %parallel_loop3A_298 = arith.constant 0 : i32
        %parallel_loop3A_299 = tpu.memref_slice %arg6[%parallel_loop3A_72, %parallel_loop3A_297, %parallel_loop3A_298] : memref<4x64x384xf32, #tpu.memory_space<vmem>> -> memref<1x64x384xf32, #tpu.memory_space<vmem>>
        %parallel_loop3A_300 = tpu.memref_squeeze %parallel_loop3A_299 : memref<1x64x384xf32, #tpu.memory_space<vmem>> -> memref<64x384xf32, #tpu.memory_space<vmem>>
        %parallel_loop3A_301 = arith.index_cast %parallel_loop3A_170 : i32 to index
        %parallel_loop3A_302 = arith.constant 64 : index
        %parallel_loop3A_303 = tpu.vector_load %parallel_loop3A_300[%parallel_loop3A_301, %parallel_loop3A_302] {strides = array<i32>} : memref<64x384xf32, #tpu.memory_space<vmem>>, vector<16xf32>,
        tpu.vector_store %parallel_loop3A_300[%parallel_loop3A_301, %parallel_loop3A_302], %parallel_loop3A_211 {strides = array<i32>} : memref<64x384xf32, #tpu.memory_space<vmem>>, vector<16xf32>,
        %parallel_loop3A_304 = arith.constant 0 : i32
        %parallel_loop3A_305 = arith.constant 0 : i32
        %parallel_loop3A_306 = tpu.memref_slice %arg6[%parallel_loop3A_72, %parallel_loop3A_304, %parallel_loop3A_305] : memref<4x64x384xf32, #tpu.memory_space<vmem>> -> memref<1x64x384xf32, #tpu.memory_space<vmem>>
        %parallel_loop3A_307 = tpu.memref_squeeze %parallel_loop3A_306 : memref<1x64x384xf32, #tpu.memory_space<vmem>> -> memref<64x384xf32, #tpu.memory_space<vmem>>
        %parallel_loop3A_308 = arith.index_cast %parallel_loop3A_170 : i32 to index
        %parallel_loop3A_309 = arith.constant 80 : index
        %parallel_loop3A_310 = tpu.vector_load %parallel_loop3A_307[%parallel_loop3A_308, %parallel_loop3A_309] {strides = array<i32>} : memref<64x384xf32, #tpu.memory_space<vmem>>, vector<16xf32>,
        tpu.vector_store %parallel_loop3A_307[%parallel_loop3A_308, %parallel_loop3A_309], %parallel_loop3A_214 {strides = array<i32>} : memref<64x384xf32, #tpu.memory_space<vmem>>, vector<16xf32>,
        %parallel_loop3A_311 = arith.constant 0 : i32
        %parallel_loop3A_312 = arith.constant 0 : i32
        %parallel_loop3A_313 = tpu.memref_slice %arg6[%parallel_loop3A_72, %parallel_loop3A_311, %parallel_loop3A_312] : memref<4x64x384xf32, #tpu.memory_space<vmem>> -> memref<1x64x384xf32, #tpu.memory_space<vmem>>
        %parallel_loop3A_314 = tpu.memref_squeeze %parallel_loop3A_313 : memref<1x64x384xf32, #tpu.memory_space<vmem>> -> memref<64x384xf32, #tpu.memory_space<vmem>>
        %parallel_loop3A_315 = arith.index_cast %parallel_loop3A_170 : i32 to index
        %parallel_loop3A_316 = arith.constant 96 : index
        %parallel_loop3A_317 = tpu.vector_load %parallel_loop3A_314[%parallel_loop3A_315, %parallel_loop3A_316] {strides = array<i32>} : memref<64x384xf32, #tpu.memory_space<vmem>>, vector<16xf32>,
        tpu.vector_store %parallel_loop3A_314[%parallel_loop3A_315, %parallel_loop3A_316], %parallel_loop3A_217 {strides = array<i32>} : memref<64x384xf32, #tpu.memory_space<vmem>>, vector<16xf32>,
        %parallel_loop3A_318 = arith.constant 0 : i32
        %parallel_loop3A_319 = arith.constant 0 : i32
        %parallel_loop3A_320 = tpu.memref_slice %arg6[%parallel_loop3A_72, %parallel_loop3A_318, %parallel_loop3A_319] : memref<4x64x384xf32, #tpu.memory_space<vmem>> -> memref<1x64x384xf32, #tpu.memory_space<vmem>>
        %parallel_loop3A_321 = tpu.memref_squeeze %parallel_loop3A_320 : memref<1x64x384xf32, #tpu.memory_space<vmem>> -> memref<64x384xf32, #tpu.memory_space<vmem>>
        %parallel_loop3A_322 = arith.index_cast %parallel_loop3A_170 : i32 to index
        %parallel_loop3A_323 = arith.constant 112 : index
        %parallel_loop3A_324 = tpu.vector_load %parallel_loop3A_321[%parallel_loop3A_322, %parallel_loop3A_323] {strides = array<i32>} : memref<64x384xf32, #tpu.memory_space<vmem>>, vector<16xf32>,
        tpu.vector_store %parallel_loop3A_321[%parallel_loop3A_322, %parallel_loop3A_323], %parallel_loop3A_220 {strides = array<i32>} : memref<64x384xf32, #tpu.memory_space<vmem>>, vector<16xf32>,
        %parallel_loop3A_325 = arith.constant 0 : i32
        %parallel_loop3A_326 = arith.constant 0 : i32
        %parallel_loop3A_327 = tpu.memref_slice %arg6[%parallel_loop3A_72, %parallel_loop3A_325, %parallel_loop3A_326] : memref<4x64x384xf32, #tpu.memory_space<vmem>> -> memref<1x64x384xf32, #tpu.memory_space<vmem>>
        %parallel_loop3A_328 = tpu.memref_squeeze %parallel_loop3A_327 : memref<1x64x384xf32, #tpu.memory_space<vmem>> -> memref<64x384xf32, #tpu.memory_space<vmem>>
        %parallel_loop3A_329 = arith.index_cast %parallel_loop3A_170 : i32 to index
        %parallel_loop3A_330 = arith.constant 128 : index
        %parallel_loop3A_331 = tpu.vector_load %parallel_loop3A_328[%parallel_loop3A_329, %parallel_loop3A_330] {strides = array<i32>} : memref<64x384xf32, #tpu.memory_space<vmem>>, vector<16xf32>,
        tpu.vector_store %parallel_loop3A_328[%parallel_loop3A_329, %parallel_loop3A_330], %parallel_loop3A_223 {strides = array<i32>} : memref<64x384xf32, #tpu.memory_space<vmem>>, vector<16xf32>,
        %parallel_loop3A_332 = arith.constant 0 : i32
        %parallel_loop3A_333 = arith.constant 0 : i32
        %parallel_loop3A_334 = tpu.memref_slice %arg6[%parallel_loop3A_72, %parallel_loop3A_332, %parallel_loop3A_333] : memref<4x64x384xf32, #tpu.memory_space<vmem>> -> memref<1x64x384xf32, #tpu.memory_space<vmem>>
        %parallel_loop3A_335 = tpu.memref_squeeze %parallel_loop3A_334 : memref<1x64x384xf32, #tpu.memory_space<vmem>> -> memref<64x384xf32, #tpu.memory_space<vmem>>
        %parallel_loop3A_336 = arith.index_cast %parallel_loop3A_170 : i32 to index
        %parallel_loop3A_337 = arith.constant 144 : index
        %parallel_loop3A_338 = tpu.vector_load %parallel_loop3A_335[%parallel_loop3A_336, %parallel_loop3A_337] {strides = array<i32>} : memref<64x384xf32, #tpu.memory_space<vmem>>, vector<16xf32>,
        tpu.vector_store %parallel_loop3A_335[%parallel_loop3A_336, %parallel_loop3A_337], %parallel_loop3A_226 {strides = array<i32>} : memref<64x384xf32, #tpu.memory_space<vmem>>, vector<16xf32>,
        %parallel_loop3A_339 = arith.constant 0 : i32
        %parallel_loop3A_340 = arith.constant 0 : i32
        %parallel_loop3A_341 = tpu.memref_slice %arg6[%parallel_loop3A_72, %parallel_loop3A_339, %parallel_loop3A_340] : memref<4x64x384xf32, #tpu.memory_space<vmem>> -> memref<1x64x384xf32, #tpu.memory_space<vmem>>
        %parallel_loop3A_342 = tpu.memref_squeeze %parallel_loop3A_341 : memref<1x64x384xf32, #tpu.memory_space<vmem>> -> memref<64x384xf32, #tpu.memory_space<vmem>>
        %parallel_loop3A_343 = arith.index_cast %parallel_loop3A_170 : i32 to index
        %parallel_loop3A_344 = arith.constant 160 : index
        %parallel_loop3A_345 = tpu.vector_load %parallel_loop3A_342[%parallel_loop3A_343, %parallel_loop3A_344] {strides = array<i32>} : memref<64x384xf32, #tpu.memory_space<vmem>>, vector<16xf32>,
        tpu.vector_store %parallel_loop3A_342[%parallel_loop3A_343, %parallel_loop3A_344], %parallel_loop3A_229 {strides = array<i32>} : memref<64x384xf32, #tpu.memory_space<vmem>>, vector<16xf32>,
        %parallel_loop3A_346 = arith.constant 0 : i32
        %parallel_loop3A_347 = arith.constant 0 : i32
        %parallel_loop3A_348 = tpu.memref_slice %arg6[%parallel_loop3A_72, %parallel_loop3A_346, %parallel_loop3A_347] : memref<4x64x384xf32, #tpu.memory_space<vmem>> -> memref<1x64x384xf32, #tpu.memory_space<vmem>>
        %parallel_loop3A_349 = tpu.memref_squeeze %parallel_loop3A_348 : memref<1x64x384xf32, #tpu.memory_space<vmem>> -> memref<64x384xf32, #tpu.memory_space<vmem>>
        %parallel_loop3A_350 = arith.index_cast %parallel_loop3A_170 : i32 to index
        %parallel_loop3A_351 = arith.constant 176 : index
        %parallel_loop3A_352 = tpu.vector_load %parallel_loop3A_349[%parallel_loop3A_350, %parallel_loop3A_351] {strides = array<i32>} : memref<64x384xf32, #tpu.memory_space<vmem>>, vector<16xf32>,
        tpu.vector_store %parallel_loop3A_349[%parallel_loop3A_350, %parallel_loop3A_351], %parallel_loop3A_232 {strides = array<i32>} : memref<64x384xf32, #tpu.memory_space<vmem>>, vector<16xf32>,
        %parallel_loop3A_353 = arith.constant 0 : i32
        %parallel_loop3A_354 = arith.constant 0 : i32
        %parallel_loop3A_355 = tpu.memref_slice %arg6[%parallel_loop3A_72, %parallel_loop3A_353, %parallel_loop3A_354] : memref<4x64x384xf32, #tpu.memory_space<vmem>> -> memref<1x64x384xf32, #tpu.memory_space<vmem>>
        %parallel_loop3A_356 = tpu.memref_squeeze %parallel_loop3A_355 : memref<1x64x384xf32, #tpu.memory_space<vmem>> -> memref<64x384xf32, #tpu.memory_space<vmem>>
        %parallel_loop3A_357 = arith.index_cast %parallel_loop3A_170 : i32 to index
        %parallel_loop3A_358 = arith.constant 192 : index
        %parallel_loop3A_359 = tpu.vector_load %parallel_loop3A_356[%parallel_loop3A_357, %parallel_loop3A_358] {strides = array<i32>} : memref<64x384xf32, #tpu.memory_space<vmem>>, vector<16xf32>,
        tpu.vector_store %parallel_loop3A_356[%parallel_loop3A_357, %parallel_loop3A_358], %parallel_loop3A_235 {strides = array<i32>} : memref<64x384xf32, #tpu.memory_space<vmem>>, vector<16xf32>,
        %parallel_loop3A_360 = arith.constant 0 : i32
        %parallel_loop3A_361 = arith.constant 0 : i32
        %parallel_loop3A_362 = tpu.memref_slice %arg6[%parallel_loop3A_72, %parallel_loop3A_360, %parallel_loop3A_361] : memref<4x64x384xf32, #tpu.memory_space<vmem>> -> memref<1x64x384xf32, #tpu.memory_space<vmem>>
        %parallel_loop3A_363 = tpu.memref_squeeze %parallel_loop3A_362 : memref<1x64x384xf32, #tpu.memory_space<vmem>> -> memref<64x384xf32, #tpu.memory_space<vmem>>
        %parallel_loop3A_364 = arith.index_cast %parallel_loop3A_170 : i32 to index
        %parallel_loop3A_365 = arith.constant 208 : index
        %parallel_loop3A_366 = tpu.vector_load %parallel_loop3A_363[%parallel_loop3A_364, %parallel_loop3A_365] {strides = array<i32>} : memref<64x384xf32, #tpu.memory_space<vmem>>, vector<16xf32>,
        tpu.vector_store %parallel_loop3A_363[%parallel_loop3A_364, %parallel_loop3A_365], %parallel_loop3A_238 {strides = array<i32>} : memref<64x384xf32, #tpu.memory_space<vmem>>, vector<16xf32>,
        %parallel_loop3A_367 = arith.constant 0 : i32
        %parallel_loop3A_368 = arith.constant 0 : i32
        %parallel_loop3A_369 = tpu.memref_slice %arg6[%parallel_loop3A_72, %parallel_loop3A_367, %parallel_loop3A_368] : memref<4x64x384xf32, #tpu.memory_space<vmem>> -> memref<1x64x384xf32, #tpu.memory_space<vmem>>
        %parallel_loop3A_370 = tpu.memref_squeeze %parallel_loop3A_369 : memref<1x64x384xf32, #tpu.memory_space<vmem>> -> memref<64x384xf32, #tpu.memory_space<vmem>>
        %parallel_loop3A_371 = arith.index_cast %parallel_loop3A_170 : i32 to index
        %parallel_loop3A_372 = arith.constant 224 : index
        %parallel_loop3A_373 = tpu.vector_load %parallel_loop3A_370[%parallel_loop3A_371, %parallel_loop3A_372] {strides = array<i32>} : memref<64x384xf32, #tpu.memory_space<vmem>>, vector<16xf32>,
        tpu.vector_store %parallel_loop3A_370[%parallel_loop3A_371, %parallel_loop3A_372], %parallel_loop3A_241 {strides = array<i32>} : memref<64x384xf32, #tpu.memory_space<vmem>>, vector<16xf32>,
        %parallel_loop3A_374 = arith.constant 0 : i32
        %parallel_loop3A_375 = arith.constant 0 : i32
        %parallel_loop3A_376 = tpu.memref_slice %arg6[%parallel_loop3A_72, %parallel_loop3A_374, %parallel_loop3A_375] : memref<4x64x384xf32, #tpu.memory_space<vmem>> -> memref<1x64x384xf32, #tpu.memory_space<vmem>>
        %parallel_loop3A_377 = tpu.memref_squeeze %parallel_loop3A_376 : memref<1x64x384xf32, #tpu.memory_space<vmem>> -> memref<64x384xf32, #tpu.memory_space<vmem>>
        %parallel_loop3A_378 = arith.index_cast %parallel_loop3A_170 : i32 to index
        %parallel_loop3A_379 = arith.constant 240 : index
        %parallel_loop3A_380 = tpu.vector_load %parallel_loop3A_377[%parallel_loop3A_378, %parallel_loop3A_379] {strides = array<i32>} : memref<64x384xf32, #tpu.memory_space<vmem>>, vector<16xf32>,
        tpu.vector_store %parallel_loop3A_377[%parallel_loop3A_378, %parallel_loop3A_379], %parallel_loop3A_244 {strides = array<i32>} : memref<64x384xf32, #tpu.memory_space<vmem>>, vector<16xf32>,
        %parallel_loop3A_381 = arith.constant 0 : i32
        %parallel_loop3A_382 = arith.constant 0 : i32
        %parallel_loop3A_383 = tpu.memref_slice %arg6[%parallel_loop3A_72, %parallel_loop3A_381, %parallel_loop3A_382] : memref<4x64x384xf32, #tpu.memory_space<vmem>> -> memref<1x64x384xf32, #tpu.memory_space<vmem>>
        %parallel_loop3A_384 = tpu.memref_squeeze %parallel_loop3A_383 : memref<1x64x384xf32, #tpu.memory_space<vmem>> -> memref<64x384xf32, #tpu.memory_space<vmem>>
        %parallel_loop3A_385 = arith.index_cast %parallel_loop3A_170 : i32 to index
        %parallel_loop3A_386 = arith.constant 256 : index
        %parallel_loop3A_387 = tpu.vector_load %parallel_loop3A_384[%parallel_loop3A_385, %parallel_loop3A_386] {strides = array<i32>} : memref<64x384xf32, #tpu.memory_space<vmem>>, vector<16xf32>,
        tpu.vector_store %parallel_loop3A_384[%parallel_loop3A_385, %parallel_loop3A_386], %parallel_loop3A_247 {strides = array<i32>} : memref<64x384xf32, #tpu.memory_space<vmem>>, vector<16xf32>,
        %parallel_loop3A_388 = arith.constant 0 : i32
        %parallel_loop3A_389 = arith.constant 0 : i32
        %parallel_loop3A_390 = tpu.memref_slice %arg6[%parallel_loop3A_72, %parallel_loop3A_388, %parallel_loop3A_389] : memref<4x64x384xf32, #tpu.memory_space<vmem>> -> memref<1x64x384xf32, #tpu.memory_space<vmem>>
        %parallel_loop3A_391 = tpu.memref_squeeze %parallel_loop3A_390 : memref<1x64x384xf32, #tpu.memory_space<vmem>> -> memref<64x384xf32, #tpu.memory_space<vmem>>
        %parallel_loop3A_392 = arith.index_cast %parallel_loop3A_170 : i32 to index
        %parallel_loop3A_393 = arith.constant 272 : index
        %parallel_loop3A_394 = tpu.vector_load %parallel_loop3A_391[%parallel_loop3A_392, %parallel_loop3A_393] {strides = array<i32>} : memref<64x384xf32, #tpu.memory_space<vmem>>, vector<16xf32>,
        tpu.vector_store %parallel_loop3A_391[%parallel_loop3A_392, %parallel_loop3A_393], %parallel_loop3A_250 {strides = array<i32>} : memref<64x384xf32, #tpu.memory_space<vmem>>, vector<16xf32>,
        %parallel_loop3A_395 = arith.constant 0 : i32
        %parallel_loop3A_396 = arith.constant 0 : i32
        %parallel_loop3A_397 = tpu.memref_slice %arg6[%parallel_loop3A_72, %parallel_loop3A_395, %parallel_loop3A_396] : memref<4x64x384xf32, #tpu.memory_space<vmem>> -> memref<1x64x384xf32, #tpu.memory_space<vmem>>
        %parallel_loop3A_398 = tpu.memref_squeeze %parallel_loop3A_397 : memref<1x64x384xf32, #tpu.memory_space<vmem>> -> memref<64x384xf32, #tpu.memory_space<vmem>>
        %parallel_loop3A_399 = arith.index_cast %parallel_loop3A_170 : i32 to index
        %parallel_loop3A_400 = arith.constant 288 : index
        %parallel_loop3A_401 = tpu.vector_load %parallel_loop3A_398[%parallel_loop3A_399, %parallel_loop3A_400] {strides = array<i32>} : memref<64x384xf32, #tpu.memory_space<vmem>>, vector<16xf32>,
        tpu.vector_store %parallel_loop3A_398[%parallel_loop3A_399, %parallel_loop3A_400], %parallel_loop3A_253 {strides = array<i32>} : memref<64x384xf32, #tpu.memory_space<vmem>>, vector<16xf32>,
        %parallel_loop3A_402 = arith.constant 0 : i32
        %parallel_loop3A_403 = arith.constant 0 : i32
        %parallel_loop3A_404 = tpu.memref_slice %arg6[%parallel_loop3A_72, %parallel_loop3A_402, %parallel_loop3A_403] : memref<4x64x384xf32, #tpu.memory_space<vmem>> -> memref<1x64x384xf32, #tpu.memory_space<vmem>>
        %parallel_loop3A_405 = tpu.memref_squeeze %parallel_loop3A_404 : memref<1x64x384xf32, #tpu.memory_space<vmem>> -> memref<64x384xf32, #tpu.memory_space<vmem>>
        %parallel_loop3A_406 = arith.index_cast %parallel_loop3A_170 : i32 to index
        %parallel_loop3A_407 = arith.constant 304 : index
        %parallel_loop3A_408 = tpu.vector_load %parallel_loop3A_405[%parallel_loop3A_406, %parallel_loop3A_407] {strides = array<i32>} : memref<64x384xf32, #tpu.memory_space<vmem>>, vector<16xf32>,
        tpu.vector_store %parallel_loop3A_405[%parallel_loop3A_406, %parallel_loop3A_407], %parallel_loop3A_256 {strides = array<i32>} : memref<64x384xf32, #tpu.memory_space<vmem>>, vector<16xf32>,
        %parallel_loop3A_409 = arith.constant 0 : i32
        %parallel_loop3A_410 = arith.constant 0 : i32
        %parallel_loop3A_411 = tpu.memref_slice %arg6[%parallel_loop3A_72, %parallel_loop3A_409, %parallel_loop3A_410] : memref<4x64x384xf32, #tpu.memory_space<vmem>> -> memref<1x64x384xf32, #tpu.memory_space<vmem>>
        %parallel_loop3A_412 = tpu.memref_squeeze %parallel_loop3A_411 : memref<1x64x384xf32, #tpu.memory_space<vmem>> -> memref<64x384xf32, #tpu.memory_space<vmem>>
        %parallel_loop3A_413 = arith.index_cast %parallel_loop3A_170 : i32 to index
        %parallel_loop3A_414 = arith.constant 320 : index
        %parallel_loop3A_415 = tpu.vector_load %parallel_loop3A_412[%parallel_loop3A_413, %parallel_loop3A_414] {strides = array<i32>} : memref<64x384xf32, #tpu.memory_space<vmem>>, vector<16xf32>,
        tpu.vector_store %parallel_loop3A_412[%parallel_loop3A_413, %parallel_loop3A_414], %parallel_loop3A_259 {strides = array<i32>} : memref<64x384xf32, #tpu.memory_space<vmem>>, vector<16xf32>,
        %parallel_loop3A_416 = arith.constant 0 : i32
        %parallel_loop3A_417 = arith.constant 0 : i32
        %parallel_loop3A_418 = tpu.memref_slice %arg6[%parallel_loop3A_72, %parallel_loop3A_416, %parallel_loop3A_417] : memref<4x64x384xf32, #tpu.memory_space<vmem>> -> memref<1x64x384xf32, #tpu.memory_space<vmem>>
        %parallel_loop3A_419 = tpu.memref_squeeze %parallel_loop3A_418 : memref<1x64x384xf32, #tpu.memory_space<vmem>> -> memref<64x384xf32, #tpu.memory_space<vmem>>
        %parallel_loop3A_420 = arith.index_cast %parallel_loop3A_170 : i32 to index
        %parallel_loop3A_421 = arith.constant 336 : index
        %parallel_loop3A_422 = tpu.vector_load %parallel_loop3A_419[%parallel_loop3A_420, %parallel_loop3A_421] {strides = array<i32>} : memref<64x384xf32, #tpu.memory_space<vmem>>, vector<16xf32>,
        tpu.vector_store %parallel_loop3A_419[%parallel_loop3A_420, %parallel_loop3A_421], %parallel_loop3A_262 {strides = array<i32>} : memref<64x384xf32, #tpu.memory_space<vmem>>, vector<16xf32>,
        %parallel_loop3A_423 = arith.constant 0 : i32
        %parallel_loop3A_424 = arith.constant 0 : i32
        %parallel_loop3A_425 = tpu.memref_slice %arg6[%parallel_loop3A_72, %parallel_loop3A_423, %parallel_loop3A_424] : memref<4x64x384xf32, #tpu.memory_space<vmem>> -> memref<1x64x384xf32, #tpu.memory_space<vmem>>
        %parallel_loop3A_426 = tpu.memref_squeeze %parallel_loop3A_425 : memref<1x64x384xf32, #tpu.memory_space<vmem>> -> memref<64x384xf32, #tpu.memory_space<vmem>>
        %parallel_loop3A_427 = arith.index_cast %parallel_loop3A_170 : i32 to index
        %parallel_loop3A_428 = arith.constant 352 : index
        %parallel_loop3A_429 = tpu.vector_load %parallel_loop3A_426[%parallel_loop3A_427, %parallel_loop3A_428] {strides = array<i32>} : memref<64x384xf32, #tpu.memory_space<vmem>>, vector<16xf32>,
        tpu.vector_store %parallel_loop3A_426[%parallel_loop3A_427, %parallel_loop3A_428], %parallel_loop3A_265 {strides = array<i32>} : memref<64x384xf32, #tpu.memory_space<vmem>>, vector<16xf32>,
        %parallel_loop3A_430 = arith.constant 0 : i32
        %parallel_loop3A_431 = arith.constant 0 : i32
        %parallel_loop3A_432 = tpu.memref_slice %arg6[%parallel_loop3A_72, %parallel_loop3A_430, %parallel_loop3A_431] : memref<4x64x384xf32, #tpu.memory_space<vmem>> -> memref<1x64x384xf32, #tpu.memory_space<vmem>>
        %parallel_loop3A_433 = tpu.memref_squeeze %parallel_loop3A_432 : memref<1x64x384xf32, #tpu.memory_space<vmem>> -> memref<64x384xf32, #tpu.memory_space<vmem>>
        %parallel_loop3A_434 = arith.index_cast %parallel_loop3A_170 : i32 to index
        %parallel_loop3A_435 = arith.constant 368 : index
        %parallel_loop3A_436 = tpu.vector_load %parallel_loop3A_433[%parallel_loop3A_434, %parallel_loop3A_435] {strides = array<i32>} : memref<64x384xf32, #tpu.memory_space<vmem>>, vector<16xf32>,
        tpu.vector_store %parallel_loop3A_433[%parallel_loop3A_434, %parallel_loop3A_435], %parallel_loop3A_268 {strides = array<i32>} : memref<64x384xf32, #tpu.memory_space<vmem>>, vector<16xf32>,
      } {sc.loop_unroll_factor = 2 : i64, sc.parallel_access}
      %mul3A_73 = arith.constant 64 : i32
      %mul3A_74 = arith.muli %add3A_67, %mul3A_73 : i32
      %add3A_75 = arith.addi %mul3A_2, %mul3A_74 : i32
      %dma_start3A_76 = arith.constant 0 : i32
      %dma_start3A_77 = arith.constant 0 : i32
      %dma_start3A_78 = arith.constant 0 : i32
      %dma_start3A_79 = tpu.memref_slice %arg6[%dma_start3A_76, %dma_start3A_77, %dma_start3A_78] : memref<4x64x384xf32, #tpu.memory_space<vmem>> -> memref<1x64x384xf32, #tpu.memory_space<vmem>>
      %dma_start3A_80 = tpu.memref_squeeze %dma_start3A_79 : memref<1x64x384xf32, #tpu.memory_space<vmem>> -> memref<64x384xf32, #tpu.memory_space<vmem>>
      %dma_start3A_81 = arith.constant 0 : i32
      %dma_start3A_82 = tpu.memref_slice %arg4[%add3A_75, %dma_start3A_81] : memref<32768x384xf32, #tpu.memory_space<hbm>> -> memref<64x384xf32, #tpu.memory_space<hbm>>
      %dma_start3A_83 = arith.constant 0 : i32
      %dma_start3A_84 = tpu.memref_slice %arg4[%add3A_75, %dma_start3A_83] : memref<32768x384xf32, #tpu.memory_space<hbm>> -> memref<64x384xf32, #tpu.memory_space<hbm>>
      %dma_start3A_85 = arith.constant 0 : i32
      %dma_start3A_86 = arith.constant 0 : i32
      %dma_start3A_87 = tpu.memref_slice %arg6[%dma_start3A_76, %dma_start3A_85, %dma_start3A_86] : memref<4x64x384xf32, #tpu.memory_space<vmem>> -> memref<1x64x384xf32, #tpu.memory_space<vmem>>
      %dma_start3A_88 = tpu.memref_squeeze %dma_start3A_87 : memref<1x64x384xf32, #tpu.memory_space<vmem>> -> memref<64x384xf32, #tpu.memory_space<vmem>>
      tpu.enqueue_dma source(%dma_start3A_88 : memref<64x384xf32, #tpu.memory_space<vmem>>) target(%dma_start3A_84 : memref<64x384xf32, #tpu.memory_space<hbm>>) target_semaphore(%arg8 : memref<!tpu.dma_semaphore, #tpu.memory_space<semaphore_mem>>)
      %add3A_89 = arith.constant 1 : i32
      %add3A_90 = arith.addi %add3A_65, %add3A_89 : i32
      %gt3A_91 = arith.constant 0 : i32
      %gt3A_92 = arith.cmpi sgt, %add3A_65, %gt3A_91 : i32
      %convert_element_type3A_93 = arith.extui %gt3A_92 : i1 to i32
      %cond3A_94 = arith.constant 0 : i32
      %cond3A_95 = arith.cmpi ne, %convert_element_type3A_93, %cond3A_94 : i32
      scf.if %cond3A_95 {
        %dma_wait3A_170 = arith.constant 1 : i32
        %dma_wait3A_171 = arith.constant 0 : i32
        %dma_wait3A_172 = arith.constant 0 : i32
        %dma_wait3A_173 = tpu.memref_slice %arg6[%dma_wait3A_170, %dma_wait3A_171, %dma_wait3A_172] : memref<4x64x384xf32, #tpu.memory_space<vmem>> -> memref<1x64x384xf32, #tpu.memory_space<vmem>>
        %dma_wait3A_174 = tpu.memref_squeeze %dma_wait3A_173 : memref<1x64x384xf32, #tpu.memory_space<vmem>> -> memref<64x384xf32, #tpu.memory_space<vmem>>
        %dma_wait3A_175 = arith.constant 0 : i32
        %dma_wait3A_176 = tpu.memref_slice %arg4[%mul3A_2, %dma_wait3A_175] : memref<32768x384xf32, #tpu.memory_space<hbm>> -> memref<64x384xf32, #tpu.memory_space<hbm>>
        %dma_wait3A_177 = arith.constant 0 : i32
        %dma_wait3A_178 = tpu.memref_slice %arg4[%mul3A_2, %dma_wait3A_177] : memref<32768x384xf32, #tpu.memory_space<hbm>> -> memref<64x384xf32, #tpu.memory_space<hbm>>
        %dma_wait3A_179 = arith.constant 0 : i32
        %dma_wait3A_180 = arith.constant 0 : i32
        %dma_wait3A_181 = tpu.memref_slice %arg6[%dma_wait3A_170, %dma_wait3A_179, %dma_wait3A_180] : memref<4x64x384xf32, #tpu.memory_space<vmem>> -> memref<1x64x384xf32, #tpu.memory_space<vmem>>
        %dma_wait3A_182 = tpu.memref_squeeze %dma_wait3A_181 : memref<1x64x384xf32, #tpu.memory_space<vmem>> -> memref<64x384xf32, #tpu.memory_space<vmem>>
        tpu.wait_dma2 semaphore(%arg8 : memref<!tpu.dma_semaphore, #tpu.memory_space<semaphore_mem>>) src(%dma_wait3A_182 : memref<64x384xf32, #tpu.memory_space<vmem>>) dst(%dma_wait3A_178 : memref<64x384xf32, #tpu.memory_space<hbm>>)
      } else {
      }
      %parallel_loop3A_96 = arith.constant 0 : i32
      %parallel_loop3A_97 = arith.constant 64 : i32
      %parallel_loop3A_98 = arith.constant 1 : i32
      %parallel_loop3A_99 = arith.constant 1 : i32
      scf.for %parallel_loop3A_170 = %parallel_loop3A_96 to %parallel_loop3A_97 step %parallel_loop3A_98  : i32 {
        %parallel_loop3A_171 = arith.constant 16 : i32
        %parallel_loop3A_172 = arith.remsi %parallel_loop3A_170, %parallel_loop3A_171 : i32
        %parallel_loop3A_173 = arith.subi %parallel_loop3A_170, %parallel_loop3A_172 : i32
        %parallel_loop3A_174 = arith.constant 64 : i32
        %parallel_loop3A_175 = arith.muli %add3A_90, %parallel_loop3A_174 : i32
        %parallel_loop3A_176 = arith.addi %parallel_loop3A_175, %parallel_loop3A_173 : i32
        %parallel_loop3A_177 = arith.index_cast %parallel_loop3A_176 : i32 to index
        %parallel_loop3A_178 = tpu.vector_load %arg5[%parallel_loop3A_177] {strides = array<i32>} : memref<1024xi32, #tpu.memory_space<vmem>>, vector<16xi32>,
        %parallel_loop3A_179 = arith.constant 0 : i32
        %parallel_loop3A_180 = vector.broadcast %parallel_loop3A_179 : i32 to vector<16xi32>
        %parallel_loop3A_181 = vector.broadcast %parallel_loop3A_172 : i32 to vector<16xi32>
        %parallel_loop3A_182 = arith.addi %parallel_loop3A_180, %parallel_loop3A_181 : vector<16xi32>
        %parallel_loop3A_183 = arith.constant 0 : i32
        %parallel_loop3A_184 = vector.broadcast %parallel_loop3A_183 : i32 to vector<16xi32>
        %parallel_loop3A_185 = arith.cmpi slt, %parallel_loop3A_182, %parallel_loop3A_184 : vector<16xi32>
        %parallel_loop3A_186 = arith.constant 16 : i32
        %parallel_loop3A_187 = vector.broadcast %parallel_loop3A_186 : i32 to vector<16xi32>
        %parallel_loop3A_188 = arith.addi %parallel_loop3A_182, %parallel_loop3A_187 : vector<16xi32>
        %parallel_loop3A_189 = arith.select %parallel_loop3A_185, %parallel_loop3A_188, %parallel_loop3A_182 : vector<16xi1>, vector<16xi32>
        %parallel_loop3A_190 = vector.shape_cast %parallel_loop3A_189 : vector<16xi32> to vector<16x1xi32>
        %parallel_loop3A_191 = vector.shape_cast %parallel_loop3A_190 : vector<16x1xi32> to vector<16xi32>
        %parallel_loop3A_192 = tpu.dynamic_gather %parallel_loop3A_178[%parallel_loop3A_191] in [0] : vector<16xi32>, vector<16xi32> -> vector<16xi32>
        %parallel_loop3A_193 = arith.constant 384 : i32
        %parallel_loop3A_194 = vector.broadcast %parallel_loop3A_193 : i32 to vector<16xi32>
        %parallel_loop3A_195 = arith.muli %parallel_loop3A_192, %parallel_loop3A_194 : vector<16xi32>
        %parallel_loop3A_196 = arith.addi %parallel_loop3A_195, %iota3A : vector<16xi32>
        %parallel_loop3A_197 = arith.constant 0 : i32
        %parallel_loop3A_198 = tpu.memref_slice %arg7[%parallel_loop3A_197] : memref<1920xf32, #tpu.memory_space<vmem>> -> memref<1920xf32, #tpu.memory_space<vmem>>
        %parallel_loop3A_199 = tpu.vector_load_idx %parallel_loop3A_198[%parallel_loop3A_196] : memref<1920xf32, #tpu.memory_space<vmem>>[vector<16xi32>], vector<16xf32>,
        %parallel_loop3A_200 = arith.constant 16 : i32
        %parallel_loop3A_201 = tpu.memref_slice %arg7[%parallel_loop3A_200] : memref<1920xf32, #tpu.memory_space<vmem>> -> memref<1904xf32, #tpu.memory_space<vmem>>
        %parallel_loop3A_202 = tpu.vector_load_idx %parallel_loop3A_201[%parallel_loop3A_196] : memref<1904xf32, #tpu.memory_space<vmem>>[vector<16xi32>], vector<16xf32>,
        %parallel_loop3A_203 = arith.constant 32 : i32
        %parallel_loop3A_204 = tpu.memref_slice %arg7[%parallel_loop3A_203] : memref<1920xf32, #tpu.memory_space<vmem>> -> memref<1888xf32, #tpu.memory_space<vmem>>
        %parallel_loop3A_205 = tpu.vector_load_idx %parallel_loop3A_204[%parallel_loop3A_196] : memref<1888xf32, #tpu.memory_space<vmem>>[vector<16xi32>], vector<16xf32>,
        %parallel_loop3A_206 = arith.constant 48 : i32
        %parallel_loop3A_207 = tpu.memref_slice %arg7[%parallel_loop3A_206] : memref<1920xf32, #tpu.memory_space<vmem>> -> memref<1872xf32, #tpu.memory_space<vmem>>
        %parallel_loop3A_208 = tpu.vector_load_idx %parallel_loop3A_207[%parallel_loop3A_196] : memref<1872xf32, #tpu.memory_space<vmem>>[vector<16xi32>], vector<16xf32>,
        %parallel_loop3A_209 = arith.constant 64 : i32
        %parallel_loop3A_210 = tpu.memref_slice %arg7[%parallel_loop3A_209] : memref<1920xf32, #tpu.memory_space<vmem>> -> memref<1856xf32, #tpu.memory_space<vmem>>
        %parallel_loop3A_211 = tpu.vector_load_idx %parallel_loop3A_210[%parallel_loop3A_196] : memref<1856xf32, #tpu.memory_space<vmem>>[vector<16xi32>], vector<16xf32>,
        %parallel_loop3A_212 = arith.constant 80 : i32
        %parallel_loop3A_213 = tpu.memref_slice %arg7[%parallel_loop3A_212] : memref<1920xf32, #tpu.memory_space<vmem>> -> memref<1840xf32, #tpu.memory_space<vmem>>
        %parallel_loop3A_214 = tpu.vector_load_idx %parallel_loop3A_213[%parallel_loop3A_196] : memref<1840xf32, #tpu.memory_space<vmem>>[vector<16xi32>], vector<16xf32>,
        %parallel_loop3A_215 = arith.constant 96 : i32
        %parallel_loop3A_216 = tpu.memref_slice %arg7[%parallel_loop3A_215] : memref<1920xf32, #tpu.memory_space<vmem>> -> memref<1824xf32, #tpu.memory_space<vmem>>
        %parallel_loop3A_217 = tpu.vector_load_idx %parallel_loop3A_216[%parallel_loop3A_196] : memref<1824xf32, #tpu.memory_space<vmem>>[vector<16xi32>], vector<16xf32>,
        %parallel_loop3A_218 = arith.constant 112 : i32
        %parallel_loop3A_219 = tpu.memref_slice %arg7[%parallel_loop3A_218] : memref<1920xf32, #tpu.memory_space<vmem>> -> memref<1808xf32, #tpu.memory_space<vmem>>
        %parallel_loop3A_220 = tpu.vector_load_idx %parallel_loop3A_219[%parallel_loop3A_196] : memref<1808xf32, #tpu.memory_space<vmem>>[vector<16xi32>], vector<16xf32>,
        %parallel_loop3A_221 = arith.constant 128 : i32
        %parallel_loop3A_222 = tpu.memref_slice %arg7[%parallel_loop3A_221] : memref<1920xf32, #tpu.memory_space<vmem>> -> memref<1792xf32, #tpu.memory_space<vmem>>
        %parallel_loop3A_223 = tpu.vector_load_idx %parallel_loop3A_222[%parallel_loop3A_196] : memref<1792xf32, #tpu.memory_space<vmem>>[vector<16xi32>], vector<16xf32>,
        %parallel_loop3A_224 = arith.constant 144 : i32
        %parallel_loop3A_225 = tpu.memref_slice %arg7[%parallel_loop3A_224] : memref<1920xf32, #tpu.memory_space<vmem>> -> memref<1776xf32, #tpu.memory_space<vmem>>
        %parallel_loop3A_226 = tpu.vector_load_idx %parallel_loop3A_225[%parallel_loop3A_196] : memref<1776xf32, #tpu.memory_space<vmem>>[vector<16xi32>], vector<16xf32>,
        %parallel_loop3A_227 = arith.constant 160 : i32
        %parallel_loop3A_228 = tpu.memref_slice %arg7[%parallel_loop3A_227] : memref<1920xf32, #tpu.memory_space<vmem>> -> memref<1760xf32, #tpu.memory_space<vmem>>
        %parallel_loop3A_229 = tpu.vector_load_idx %parallel_loop3A_228[%parallel_loop3A_196] : memref<1760xf32, #tpu.memory_space<vmem>>[vector<16xi32>], vector<16xf32>,
        %parallel_loop3A_230 = arith.constant 176 : i32
        %parallel_loop3A_231 = tpu.memref_slice %arg7[%parallel_loop3A_230] : memref<1920xf32, #tpu.memory_space<vmem>> -> memref<1744xf32, #tpu.memory_space<vmem>>
        %parallel_loop3A_232 = tpu.vector_load_idx %parallel_loop3A_231[%parallel_loop3A_196] : memref<1744xf32, #tpu.memory_space<vmem>>[vector<16xi32>], vector<16xf32>,
        %parallel_loop3A_233 = arith.constant 192 : i32
        %parallel_loop3A_234 = tpu.memref_slice %arg7[%parallel_loop3A_233] : memref<1920xf32, #tpu.memory_space<vmem>> -> memref<1728xf32, #tpu.memory_space<vmem>>
        %parallel_loop3A_235 = tpu.vector_load_idx %parallel_loop3A_234[%parallel_loop3A_196] : memref<1728xf32, #tpu.memory_space<vmem>>[vector<16xi32>], vector<16xf32>,
        %parallel_loop3A_236 = arith.constant 208 : i32
        %parallel_loop3A_237 = tpu.memref_slice %arg7[%parallel_loop3A_236] : memref<1920xf32, #tpu.memory_space<vmem>> -> memref<1712xf32, #tpu.memory_space<vmem>>
        %parallel_loop3A_238 = tpu.vector_load_idx %parallel_loop3A_237[%parallel_loop3A_196] : memref<1712xf32, #tpu.memory_space<vmem>>[vector<16xi32>], vector<16xf32>,
        %parallel_loop3A_239 = arith.constant 224 : i32
        %parallel_loop3A_240 = tpu.memref_slice %arg7[%parallel_loop3A_239] : memref<1920xf32, #tpu.memory_space<vmem>> -> memref<1696xf32, #tpu.memory_space<vmem>>
        %parallel_loop3A_241 = tpu.vector_load_idx %parallel_loop3A_240[%parallel_loop3A_196] : memref<1696xf32, #tpu.memory_space<vmem>>[vector<16xi32>], vector<16xf32>,
        %parallel_loop3A_242 = arith.constant 240 : i32
        %parallel_loop3A_243 = tpu.memref_slice %arg7[%parallel_loop3A_242] : memref<1920xf32, #tpu.memory_space<vmem>> -> memref<1680xf32, #tpu.memory_space<vmem>>
        %parallel_loop3A_244 = tpu.vector_load_idx %parallel_loop3A_243[%parallel_loop3A_196] : memref<1680xf32, #tpu.memory_space<vmem>>[vector<16xi32>], vector<16xf32>,
        %parallel_loop3A_245 = arith.constant 256 : i32
        %parallel_loop3A_246 = tpu.memref_slice %arg7[%parallel_loop3A_245] : memref<1920xf32, #tpu.memory_space<vmem>> -> memref<1664xf32, #tpu.memory_space<vmem>>
        %parallel_loop3A_247 = tpu.vector_load_idx %parallel_loop3A_246[%parallel_loop3A_196] : memref<1664xf32, #tpu.memory_space<vmem>>[vector<16xi32>], vector<16xf32>,
        %parallel_loop3A_248 = arith.constant 272 : i32
        %parallel_loop3A_249 = tpu.memref_slice %arg7[%parallel_loop3A_248] : memref<1920xf32, #tpu.memory_space<vmem>> -> memref<1648xf32, #tpu.memory_space<vmem>>
        %parallel_loop3A_250 = tpu.vector_load_idx %parallel_loop3A_249[%parallel_loop3A_196] : memref<1648xf32, #tpu.memory_space<vmem>>[vector<16xi32>], vector<16xf32>,
        %parallel_loop3A_251 = arith.constant 288 : i32
        %parallel_loop3A_252 = tpu.memref_slice %arg7[%parallel_loop3A_251] : memref<1920xf32, #tpu.memory_space<vmem>> -> memref<1632xf32, #tpu.memory_space<vmem>>
        %parallel_loop3A_253 = tpu.vector_load_idx %parallel_loop3A_252[%parallel_loop3A_196] : memref<1632xf32, #tpu.memory_space<vmem>>[vector<16xi32>], vector<16xf32>,
        %parallel_loop3A_254 = arith.constant 304 : i32
        %parallel_loop3A_255 = tpu.memref_slice %arg7[%parallel_loop3A_254] : memref<1920xf32, #tpu.memory_space<vmem>> -> memref<1616xf32, #tpu.memory_space<vmem>>
        %parallel_loop3A_256 = tpu.vector_load_idx %parallel_loop3A_255[%parallel_loop3A_196] : memref<1616xf32, #tpu.memory_space<vmem>>[vector<16xi32>], vector<16xf32>,
        %parallel_loop3A_257 = arith.constant 320 : i32
        %parallel_loop3A_258 = tpu.memref_slice %arg7[%parallel_loop3A_257] : memref<1920xf32, #tpu.memory_space<vmem>> -> memref<1600xf32, #tpu.memory_space<vmem>>
        %parallel_loop3A_259 = tpu.vector_load_idx %parallel_loop3A_258[%parallel_loop3A_196] : memref<1600xf32, #tpu.memory_space<vmem>>[vector<16xi32>], vector<16xf32>,
        %parallel_loop3A_260 = arith.constant 336 : i32
        %parallel_loop3A_261 = tpu.memref_slice %arg7[%parallel_loop3A_260] : memref<1920xf32, #tpu.memory_space<vmem>> -> memref<1584xf32, #tpu.memory_space<vmem>>
        %parallel_loop3A_262 = tpu.vector_load_idx %parallel_loop3A_261[%parallel_loop3A_196] : memref<1584xf32, #tpu.memory_space<vmem>>[vector<16xi32>], vector<16xf32>,
        %parallel_loop3A_263 = arith.constant 352 : i32
        %parallel_loop3A_264 = tpu.memref_slice %arg7[%parallel_loop3A_263] : memref<1920xf32, #tpu.memory_space<vmem>> -> memref<1568xf32, #tpu.memory_space<vmem>>
        %parallel_loop3A_265 = tpu.vector_load_idx %parallel_loop3A_264[%parallel_loop3A_196] : memref<1568xf32, #tpu.memory_space<vmem>>[vector<16xi32>], vector<16xf32>,
        %parallel_loop3A_266 = arith.constant 368 : i32
        %parallel_loop3A_267 = tpu.memref_slice %arg7[%parallel_loop3A_266] : memref<1920xf32, #tpu.memory_space<vmem>> -> memref<1552xf32, #tpu.memory_space<vmem>>
        %parallel_loop3A_268 = tpu.vector_load_idx %parallel_loop3A_267[%parallel_loop3A_196] : memref<1552xf32, #tpu.memory_space<vmem>>[vector<16xi32>], vector<16xf32>,
        %parallel_loop3A_269 = arith.constant 0 : i32
        %parallel_loop3A_270 = arith.constant 0 : i32
        %parallel_loop3A_271 = tpu.memref_slice %arg6[%parallel_loop3A_99, %parallel_loop3A_269, %parallel_loop3A_270] : memref<4x64x384xf32, #tpu.memory_space<vmem>> -> memref<1x64x384xf32, #tpu.memory_space<vmem>>
        %parallel_loop3A_272 = tpu.memref_squeeze %parallel_loop3A_271 : memref<1x64x384xf32, #tpu.memory_space<vmem>> -> memref<64x384xf32, #tpu.memory_space<vmem>>
        %parallel_loop3A_273 = arith.index_cast %parallel_loop3A_170 : i32 to index
        %parallel_loop3A_274 = arith.constant 0 : index
        %parallel_loop3A_275 = tpu.vector_load %parallel_loop3A_272[%parallel_loop3A_273, %parallel_loop3A_274] {strides = array<i32>} : memref<64x384xf32, #tpu.memory_space<vmem>>, vector<16xf32>,
        tpu.vector_store %parallel_loop3A_272[%parallel_loop3A_273, %parallel_loop3A_274], %parallel_loop3A_199 {strides = array<i32>} : memref<64x384xf32, #tpu.memory_space<vmem>>, vector<16xf32>,
        %parallel_loop3A_276 = arith.constant 0 : i32
        %parallel_loop3A_277 = arith.constant 0 : i32
        %parallel_loop3A_278 = tpu.memref_slice %arg6[%parallel_loop3A_99, %parallel_loop3A_276, %parallel_loop3A_277] : memref<4x64x384xf32, #tpu.memory_space<vmem>> -> memref<1x64x384xf32, #tpu.memory_space<vmem>>
        %parallel_loop3A_279 = tpu.memref_squeeze %parallel_loop3A_278 : memref<1x64x384xf32, #tpu.memory_space<vmem>> -> memref<64x384xf32, #tpu.memory_space<vmem>>
        %parallel_loop3A_280 = arith.index_cast %parallel_loop3A_170 : i32 to index
        %parallel_loop3A_281 = arith.constant 16 : index
        %parallel_loop3A_282 = tpu.vector_load %parallel_loop3A_279[%parallel_loop3A_280, %parallel_loop3A_281] {strides = array<i32>} : memref<64x384xf32, #tpu.memory_space<vmem>>, vector<16xf32>,
        tpu.vector_store %parallel_loop3A_279[%parallel_loop3A_280, %parallel_loop3A_281], %parallel_loop3A_202 {strides = array<i32>} : memref<64x384xf32, #tpu.memory_space<vmem>>, vector<16xf32>,
        %parallel_loop3A_283 = arith.constant 0 : i32
        %parallel_loop3A_284 = arith.constant 0 : i32
        %parallel_loop3A_285 = tpu.memref_slice %arg6[%parallel_loop3A_99, %parallel_loop3A_283, %parallel_loop3A_284] : memref<4x64x384xf32, #tpu.memory_space<vmem>> -> memref<1x64x384xf32, #tpu.memory_space<vmem>>
        %parallel_loop3A_286 = tpu.memref_squeeze %parallel_loop3A_285 : memref<1x64x384xf32, #tpu.memory_space<vmem>> -> memref<64x384xf32, #tpu.memory_space<vmem>>
        %parallel_loop3A_287 = arith.index_cast %parallel_loop3A_170 : i32 to index
        %parallel_loop3A_288 = arith.constant 32 : index
        %parallel_loop3A_289 = tpu.vector_load %parallel_loop3A_286[%parallel_loop3A_287, %parallel_loop3A_288] {strides = array<i32>} : memref<64x384xf32, #tpu.memory_space<vmem>>, vector<16xf32>,
        tpu.vector_store %parallel_loop3A_286[%parallel_loop3A_287, %parallel_loop3A_288], %parallel_loop3A_205 {strides = array<i32>} : memref<64x384xf32, #tpu.memory_space<vmem>>, vector<16xf32>,
        %parallel_loop3A_290 = arith.constant 0 : i32
        %parallel_loop3A_291 = arith.constant 0 : i32
        %parallel_loop3A_292 = tpu.memref_slice %arg6[%parallel_loop3A_99, %parallel_loop3A_290, %parallel_loop3A_291] : memref<4x64x384xf32, #tpu.memory_space<vmem>> -> memref<1x64x384xf32, #tpu.memory_space<vmem>>
        %parallel_loop3A_293 = tpu.memref_squeeze %parallel_loop3A_292 : memref<1x64x384xf32, #tpu.memory_space<vmem>> -> memref<64x384xf32, #tpu.memory_space<vmem>>
        %parallel_loop3A_294 = arith.index_cast %parallel_loop3A_170 : i32 to index
        %parallel_loop3A_295 = arith.constant 48 : index
        %parallel_loop3A_296 = tpu.vector_load %parallel_loop3A_293[%parallel_loop3A_294, %parallel_loop3A_295] {strides = array<i32>} : memref<64x384xf32, #tpu.memory_space<vmem>>, vector<16xf32>,
        tpu.vector_store %parallel_loop3A_293[%parallel_loop3A_294, %parallel_loop3A_295], %parallel_loop3A_208 {strides = array<i32>} : memref<64x384xf32, #tpu.memory_space<vmem>>, vector<16xf32>,
        %parallel_loop3A_297 = arith.constant 0 : i32
        %parallel_loop3A_298 = arith.constant 0 : i32
        %parallel_loop3A_299 = tpu.memref_slice %arg6[%parallel_loop3A_99, %parallel_loop3A_297, %parallel_loop3A_298] : memref<4x64x384xf32, #tpu.memory_space<vmem>> -> memref<1x64x384xf32, #tpu.memory_space<vmem>>
        %parallel_loop3A_300 = tpu.memref_squeeze %parallel_loop3A_299 : memref<1x64x384xf32, #tpu.memory_space<vmem>> -> memref<64x384xf32, #tpu.memory_space<vmem>>
        %parallel_loop3A_301 = arith.index_cast %parallel_loop3A_170 : i32 to index
        %parallel_loop3A_302 = arith.constant 64 : index
        %parallel_loop3A_303 = tpu.vector_load %parallel_loop3A_300[%parallel_loop3A_301, %parallel_loop3A_302] {strides = array<i32>} : memref<64x384xf32, #tpu.memory_space<vmem>>, vector<16xf32>,
        tpu.vector_store %parallel_loop3A_300[%parallel_loop3A_301, %parallel_loop3A_302], %parallel_loop3A_211 {strides = array<i32>} : memref<64x384xf32, #tpu.memory_space<vmem>>, vector<16xf32>,
        %parallel_loop3A_304 = arith.constant 0 : i32
        %parallel_loop3A_305 = arith.constant 0 : i32
        %parallel_loop3A_306 = tpu.memref_slice %arg6[%parallel_loop3A_99, %parallel_loop3A_304, %parallel_loop3A_305] : memref<4x64x384xf32, #tpu.memory_space<vmem>> -> memref<1x64x384xf32, #tpu.memory_space<vmem>>
        %parallel_loop3A_307 = tpu.memref_squeeze %parallel_loop3A_306 : memref<1x64x384xf32, #tpu.memory_space<vmem>> -> memref<64x384xf32, #tpu.memory_space<vmem>>
        %parallel_loop3A_308 = arith.index_cast %parallel_loop3A_170 : i32 to index
        %parallel_loop3A_309 = arith.constant 80 : index
        %parallel_loop3A_310 = tpu.vector_load %parallel_loop3A_307[%parallel_loop3A_308, %parallel_loop3A_309] {strides = array<i32>} : memref<64x384xf32, #tpu.memory_space<vmem>>, vector<16xf32>,
        tpu.vector_store %parallel_loop3A_307[%parallel_loop3A_308, %parallel_loop3A_309], %parallel_loop3A_214 {strides = array<i32>} : memref<64x384xf32, #tpu.memory_space<vmem>>, vector<16xf32>,
        %parallel_loop3A_311 = arith.constant 0 : i32
        %parallel_loop3A_312 = arith.constant 0 : i32
        %parallel_loop3A_313 = tpu.memref_slice %arg6[%parallel_loop3A_99, %parallel_loop3A_311, %parallel_loop3A_312] : memref<4x64x384xf32, #tpu.memory_space<vmem>> -> memref<1x64x384xf32, #tpu.memory_space<vmem>>
        %parallel_loop3A_314 = tpu.memref_squeeze %parallel_loop3A_313 : memref<1x64x384xf32, #tpu.memory_space<vmem>> -> memref<64x384xf32, #tpu.memory_space<vmem>>
        %parallel_loop3A_315 = arith.index_cast %parallel_loop3A_170 : i32 to index
        %parallel_loop3A_316 = arith.constant 96 : index
        %parallel_loop3A_317 = tpu.vector_load %parallel_loop3A_314[%parallel_loop3A_315, %parallel_loop3A_316] {strides = array<i32>} : memref<64x384xf32, #tpu.memory_space<vmem>>, vector<16xf32>,
        tpu.vector_store %parallel_loop3A_314[%parallel_loop3A_315, %parallel_loop3A_316], %parallel_loop3A_217 {strides = array<i32>} : memref<64x384xf32, #tpu.memory_space<vmem>>, vector<16xf32>,
        %parallel_loop3A_318 = arith.constant 0 : i32
        %parallel_loop3A_319 = arith.constant 0 : i32
        %parallel_loop3A_320 = tpu.memref_slice %arg6[%parallel_loop3A_99, %parallel_loop3A_318, %parallel_loop3A_319] : memref<4x64x384xf32, #tpu.memory_space<vmem>> -> memref<1x64x384xf32, #tpu.memory_space<vmem>>
        %parallel_loop3A_321 = tpu.memref_squeeze %parallel_loop3A_320 : memref<1x64x384xf32, #tpu.memory_space<vmem>> -> memref<64x384xf32, #tpu.memory_space<vmem>>
        %parallel_loop3A_322 = arith.index_cast %parallel_loop3A_170 : i32 to index
        %parallel_loop3A_323 = arith.constant 112 : index
        %parallel_loop3A_324 = tpu.vector_load %parallel_loop3A_321[%parallel_loop3A_322, %parallel_loop3A_323] {strides = array<i32>} : memref<64x384xf32, #tpu.memory_space<vmem>>, vector<16xf32>,
        tpu.vector_store %parallel_loop3A_321[%parallel_loop3A_322, %parallel_loop3A_323], %parallel_loop3A_220 {strides = array<i32>} : memref<64x384xf32, #tpu.memory_space<vmem>>, vector<16xf32>,
        %parallel_loop3A_325 = arith.constant 0 : i32
        %parallel_loop3A_326 = arith.constant 0 : i32
        %parallel_loop3A_327 = tpu.memref_slice %arg6[%parallel_loop3A_99, %parallel_loop3A_325, %parallel_loop3A_326] : memref<4x64x384xf32, #tpu.memory_space<vmem>> -> memref<1x64x384xf32, #tpu.memory_space<vmem>>
        %parallel_loop3A_328 = tpu.memref_squeeze %parallel_loop3A_327 : memref<1x64x384xf32, #tpu.memory_space<vmem>> -> memref<64x384xf32, #tpu.memory_space<vmem>>
        %parallel_loop3A_329 = arith.index_cast %parallel_loop3A_170 : i32 to index
        %parallel_loop3A_330 = arith.constant 128 : index
        %parallel_loop3A_331 = tpu.vector_load %parallel_loop3A_328[%parallel_loop3A_329, %parallel_loop3A_330] {strides = array<i32>} : memref<64x384xf32, #tpu.memory_space<vmem>>, vector<16xf32>,
        tpu.vector_store %parallel_loop3A_328[%parallel_loop3A_329, %parallel_loop3A_330], %parallel_loop3A_223 {strides = array<i32>} : memref<64x384xf32, #tpu.memory_space<vmem>>, vector<16xf32>,
        %parallel_loop3A_332 = arith.constant 0 : i32
        %parallel_loop3A_333 = arith.constant 0 : i32
        %parallel_loop3A_334 = tpu.memref_slice %arg6[%parallel_loop3A_99, %parallel_loop3A_332, %parallel_loop3A_333] : memref<4x64x384xf32, #tpu.memory_space<vmem>> -> memref<1x64x384xf32, #tpu.memory_space<vmem>>
        %parallel_loop3A_335 = tpu.memref_squeeze %parallel_loop3A_334 : memref<1x64x384xf32, #tpu.memory_space<vmem>> -> memref<64x384xf32, #tpu.memory_space<vmem>>
        %parallel_loop3A_336 = arith.index_cast %parallel_loop3A_170 : i32 to index
        %parallel_loop3A_337 = arith.constant 144 : index
        %parallel_loop3A_338 = tpu.vector_load %parallel_loop3A_335[%parallel_loop3A_336, %parallel_loop3A_337] {strides = array<i32>} : memref<64x384xf32, #tpu.memory_space<vmem>>, vector<16xf32>,
        tpu.vector_store %parallel_loop3A_335[%parallel_loop3A_336, %parallel_loop3A_337], %parallel_loop3A_226 {strides = array<i32>} : memref<64x384xf32, #tpu.memory_space<vmem>>, vector<16xf32>,
        %parallel_loop3A_339 = arith.constant 0 : i32
        %parallel_loop3A_340 = arith.constant 0 : i32
        %parallel_loop3A_341 = tpu.memref_slice %arg6[%parallel_loop3A_99, %parallel_loop3A_339, %parallel_loop3A_340] : memref<4x64x384xf32, #tpu.memory_space<vmem>> -> memref<1x64x384xf32, #tpu.memory_space<vmem>>
        %parallel_loop3A_342 = tpu.memref_squeeze %parallel_loop3A_341 : memref<1x64x384xf32, #tpu.memory_space<vmem>> -> memref<64x384xf32, #tpu.memory_space<vmem>>
        %parallel_loop3A_343 = arith.index_cast %parallel_loop3A_170 : i32 to index
        %parallel_loop3A_344 = arith.constant 160 : index
        %parallel_loop3A_345 = tpu.vector_load %parallel_loop3A_342[%parallel_loop3A_343, %parallel_loop3A_344] {strides = array<i32>} : memref<64x384xf32, #tpu.memory_space<vmem>>, vector<16xf32>,
        tpu.vector_store %parallel_loop3A_342[%parallel_loop3A_343, %parallel_loop3A_344], %parallel_loop3A_229 {strides = array<i32>} : memref<64x384xf32, #tpu.memory_space<vmem>>, vector<16xf32>,
        %parallel_loop3A_346 = arith.constant 0 : i32
        %parallel_loop3A_347 = arith.constant 0 : i32
        %parallel_loop3A_348 = tpu.memref_slice %arg6[%parallel_loop3A_99, %parallel_loop3A_346, %parallel_loop3A_347] : memref<4x64x384xf32, #tpu.memory_space<vmem>> -> memref<1x64x384xf32, #tpu.memory_space<vmem>>
        %parallel_loop3A_349 = tpu.memref_squeeze %parallel_loop3A_348 : memref<1x64x384xf32, #tpu.memory_space<vmem>> -> memref<64x384xf32, #tpu.memory_space<vmem>>
        %parallel_loop3A_350 = arith.index_cast %parallel_loop3A_170 : i32 to index
        %parallel_loop3A_351 = arith.constant 176 : index
        %parallel_loop3A_352 = tpu.vector_load %parallel_loop3A_349[%parallel_loop3A_350, %parallel_loop3A_351] {strides = array<i32>} : memref<64x384xf32, #tpu.memory_space<vmem>>, vector<16xf32>,
        tpu.vector_store %parallel_loop3A_349[%parallel_loop3A_350, %parallel_loop3A_351], %parallel_loop3A_232 {strides = array<i32>} : memref<64x384xf32, #tpu.memory_space<vmem>>, vector<16xf32>,
        %parallel_loop3A_353 = arith.constant 0 : i32
        %parallel_loop3A_354 = arith.constant 0 : i32
        %parallel_loop3A_355 = tpu.memref_slice %arg6[%parallel_loop3A_99, %parallel_loop3A_353, %parallel_loop3A_354] : memref<4x64x384xf32, #tpu.memory_space<vmem>> -> memref<1x64x384xf32, #tpu.memory_space<vmem>>
        %parallel_loop3A_356 = tpu.memref_squeeze %parallel_loop3A_355 : memref<1x64x384xf32, #tpu.memory_space<vmem>> -> memref<64x384xf32, #tpu.memory_space<vmem>>
        %parallel_loop3A_357 = arith.index_cast %parallel_loop3A_170 : i32 to index
        %parallel_loop3A_358 = arith.constant 192 : index
        %parallel_loop3A_359 = tpu.vector_load %parallel_loop3A_356[%parallel_loop3A_357, %parallel_loop3A_358] {strides = array<i32>} : memref<64x384xf32, #tpu.memory_space<vmem>>, vector<16xf32>,
        tpu.vector_store %parallel_loop3A_356[%parallel_loop3A_357, %parallel_loop3A_358], %parallel_loop3A_235 {strides = array<i32>} : memref<64x384xf32, #tpu.memory_space<vmem>>, vector<16xf32>,
        %parallel_loop3A_360 = arith.constant 0 : i32
        %parallel_loop3A_361 = arith.constant 0 : i32
        %parallel_loop3A_362 = tpu.memref_slice %arg6[%parallel_loop3A_99, %parallel_loop3A_360, %parallel_loop3A_361] : memref<4x64x384xf32, #tpu.memory_space<vmem>> -> memref<1x64x384xf32, #tpu.memory_space<vmem>>
        %parallel_loop3A_363 = tpu.memref_squeeze %parallel_loop3A_362 : memref<1x64x384xf32, #tpu.memory_space<vmem>> -> memref<64x384xf32, #tpu.memory_space<vmem>>
        %parallel_loop3A_364 = arith.index_cast %parallel_loop3A_170 : i32 to index
        %parallel_loop3A_365 = arith.constant 208 : index
        %parallel_loop3A_366 = tpu.vector_load %parallel_loop3A_363[%parallel_loop3A_364, %parallel_loop3A_365] {strides = array<i32>} : memref<64x384xf32, #tpu.memory_space<vmem>>, vector<16xf32>,
        tpu.vector_store %parallel_loop3A_363[%parallel_loop3A_364, %parallel_loop3A_365], %parallel_loop3A_238 {strides = array<i32>} : memref<64x384xf32, #tpu.memory_space<vmem>>, vector<16xf32>,
        %parallel_loop3A_367 = arith.constant 0 : i32
        %parallel_loop3A_368 = arith.constant 0 : i32
        %parallel_loop3A_369 = tpu.memref_slice %arg6[%parallel_loop3A_99, %parallel_loop3A_367, %parallel_loop3A_368] : memref<4x64x384xf32, #tpu.memory_space<vmem>> -> memref<1x64x384xf32, #tpu.memory_space<vmem>>
        %parallel_loop3A_370 = tpu.memref_squeeze %parallel_loop3A_369 : memref<1x64x384xf32, #tpu.memory_space<vmem>> -> memref<64x384xf32, #tpu.memory_space<vmem>>
        %parallel_loop3A_371 = arith.index_cast %parallel_loop3A_170 : i32 to index
        %parallel_loop3A_372 = arith.constant 224 : index
        %parallel_loop3A_373 = tpu.vector_load %parallel_loop3A_370[%parallel_loop3A_371, %parallel_loop3A_372] {strides = array<i32>} : memref<64x384xf32, #tpu.memory_space<vmem>>, vector<16xf32>,
        tpu.vector_store %parallel_loop3A_370[%parallel_loop3A_371, %parallel_loop3A_372], %parallel_loop3A_241 {strides = array<i32>} : memref<64x384xf32, #tpu.memory_space<vmem>>, vector<16xf32>,
        %parallel_loop3A_374 = arith.constant 0 : i32
        %parallel_loop3A_375 = arith.constant 0 : i32
        %parallel_loop3A_376 = tpu.memref_slice %arg6[%parallel_loop3A_99, %parallel_loop3A_374, %parallel_loop3A_375] : memref<4x64x384xf32, #tpu.memory_space<vmem>> -> memref<1x64x384xf32, #tpu.memory_space<vmem>>
        %parallel_loop3A_377 = tpu.memref_squeeze %parallel_loop3A_376 : memref<1x64x384xf32, #tpu.memory_space<vmem>> -> memref<64x384xf32, #tpu.memory_space<vmem>>
        %parallel_loop3A_378 = arith.index_cast %parallel_loop3A_170 : i32 to index
        %parallel_loop3A_379 = arith.constant 240 : index
        %parallel_loop3A_380 = tpu.vector_load %parallel_loop3A_377[%parallel_loop3A_378, %parallel_loop3A_379] {strides = array<i32>} : memref<64x384xf32, #tpu.memory_space<vmem>>, vector<16xf32>,
        tpu.vector_store %parallel_loop3A_377[%parallel_loop3A_378, %parallel_loop3A_379], %parallel_loop3A_244 {strides = array<i32>} : memref<64x384xf32, #tpu.memory_space<vmem>>, vector<16xf32>,
        %parallel_loop3A_381 = arith.constant 0 : i32
        %parallel_loop3A_382 = arith.constant 0 : i32
        %parallel_loop3A_383 = tpu.memref_slice %arg6[%parallel_loop3A_99, %parallel_loop3A_381, %parallel_loop3A_382] : memref<4x64x384xf32, #tpu.memory_space<vmem>> -> memref<1x64x384xf32, #tpu.memory_space<vmem>>
        %parallel_loop3A_384 = tpu.memref_squeeze %parallel_loop3A_383 : memref<1x64x384xf32, #tpu.memory_space<vmem>> -> memref<64x384xf32, #tpu.memory_space<vmem>>
        %parallel_loop3A_385 = arith.index_cast %parallel_loop3A_170 : i32 to index
        %parallel_loop3A_386 = arith.constant 256 : index
        %parallel_loop3A_387 = tpu.vector_load %parallel_loop3A_384[%parallel_loop3A_385, %parallel_loop3A_386] {strides = array<i32>} : memref<64x384xf32, #tpu.memory_space<vmem>>, vector<16xf32>,
        tpu.vector_store %parallel_loop3A_384[%parallel_loop3A_385, %parallel_loop3A_386], %parallel_loop3A_247 {strides = array<i32>} : memref<64x384xf32, #tpu.memory_space<vmem>>, vector<16xf32>,
        %parallel_loop3A_388 = arith.constant 0 : i32
        %parallel_loop3A_389 = arith.constant 0 : i32
        %parallel_loop3A_390 = tpu.memref_slice %arg6[%parallel_loop3A_99, %parallel_loop3A_388, %parallel_loop3A_389] : memref<4x64x384xf32, #tpu.memory_space<vmem>> -> memref<1x64x384xf32, #tpu.memory_space<vmem>>
        %parallel_loop3A_391 = tpu.memref_squeeze %parallel_loop3A_390 : memref<1x64x384xf32, #tpu.memory_space<vmem>> -> memref<64x384xf32, #tpu.memory_space<vmem>>
        %parallel_loop3A_392 = arith.index_cast %parallel_loop3A_170 : i32 to index
        %parallel_loop3A_393 = arith.constant 272 : index
        %parallel_loop3A_394 = tpu.vector_load %parallel_loop3A_391[%parallel_loop3A_392, %parallel_loop3A_393] {strides = array<i32>} : memref<64x384xf32, #tpu.memory_space<vmem>>, vector<16xf32>,
        tpu.vector_store %parallel_loop3A_391[%parallel_loop3A_392, %parallel_loop3A_393], %parallel_loop3A_250 {strides = array<i32>} : memref<64x384xf32, #tpu.memory_space<vmem>>, vector<16xf32>,
        %parallel_loop3A_395 = arith.constant 0 : i32
        %parallel_loop3A_396 = arith.constant 0 : i32
        %parallel_loop3A_397 = tpu.memref_slice %arg6[%parallel_loop3A_99, %parallel_loop3A_395, %parallel_loop3A_396] : memref<4x64x384xf32, #tpu.memory_space<vmem>> -> memref<1x64x384xf32, #tpu.memory_space<vmem>>
        %parallel_loop3A_398 = tpu.memref_squeeze %parallel_loop3A_397 : memref<1x64x384xf32, #tpu.memory_space<vmem>> -> memref<64x384xf32, #tpu.memory_space<vmem>>
        %parallel_loop3A_399 = arith.index_cast %parallel_loop3A_170 : i32 to index
        %parallel_loop3A_400 = arith.constant 288 : index
        %parallel_loop3A_401 = tpu.vector_load %parallel_loop3A_398[%parallel_loop3A_399, %parallel_loop3A_400] {strides = array<i32>} : memref<64x384xf32, #tpu.memory_space<vmem>>, vector<16xf32>,
        tpu.vector_store %parallel_loop3A_398[%parallel_loop3A_399, %parallel_loop3A_400], %parallel_loop3A_253 {strides = array<i32>} : memref<64x384xf32, #tpu.memory_space<vmem>>, vector<16xf32>,
        %parallel_loop3A_402 = arith.constant 0 : i32
        %parallel_loop3A_403 = arith.constant 0 : i32
        %parallel_loop3A_404 = tpu.memref_slice %arg6[%parallel_loop3A_99, %parallel_loop3A_402, %parallel_loop3A_403] : memref<4x64x384xf32, #tpu.memory_space<vmem>> -> memref<1x64x384xf32, #tpu.memory_space<vmem>>
        %parallel_loop3A_405 = tpu.memref_squeeze %parallel_loop3A_404 : memref<1x64x384xf32, #tpu.memory_space<vmem>> -> memref<64x384xf32, #tpu.memory_space<vmem>>
        %parallel_loop3A_406 = arith.index_cast %parallel_loop3A_170 : i32 to index
        %parallel_loop3A_407 = arith.constant 304 : index
        %parallel_loop3A_408 = tpu.vector_load %parallel_loop3A_405[%parallel_loop3A_406, %parallel_loop3A_407] {strides = array<i32>} : memref<64x384xf32, #tpu.memory_space<vmem>>, vector<16xf32>,
        tpu.vector_store %parallel_loop3A_405[%parallel_loop3A_406, %parallel_loop3A_407], %parallel_loop3A_256 {strides = array<i32>} : memref<64x384xf32, #tpu.memory_space<vmem>>, vector<16xf32>,
        %parallel_loop3A_409 = arith.constant 0 : i32
        %parallel_loop3A_410 = arith.constant 0 : i32
        %parallel_loop3A_411 = tpu.memref_slice %arg6[%parallel_loop3A_99, %parallel_loop3A_409, %parallel_loop3A_410] : memref<4x64x384xf32, #tpu.memory_space<vmem>> -> memref<1x64x384xf32, #tpu.memory_space<vmem>>
        %parallel_loop3A_412 = tpu.memref_squeeze %parallel_loop3A_411 : memref<1x64x384xf32, #tpu.memory_space<vmem>> -> memref<64x384xf32, #tpu.memory_space<vmem>>
        %parallel_loop3A_413 = arith.index_cast %parallel_loop3A_170 : i32 to index
        %parallel_loop3A_414 = arith.constant 320 : index
        %parallel_loop3A_415 = tpu.vector_load %parallel_loop3A_412[%parallel_loop3A_413, %parallel_loop3A_414] {strides = array<i32>} : memref<64x384xf32, #tpu.memory_space<vmem>>, vector<16xf32>,
        tpu.vector_store %parallel_loop3A_412[%parallel_loop3A_413, %parallel_loop3A_414], %parallel_loop3A_259 {strides = array<i32>} : memref<64x384xf32, #tpu.memory_space<vmem>>, vector<16xf32>,
        %parallel_loop3A_416 = arith.constant 0 : i32
        %parallel_loop3A_417 = arith.constant 0 : i32
        %parallel_loop3A_418 = tpu.memref_slice %arg6[%parallel_loop3A_99, %parallel_loop3A_416, %parallel_loop3A_417] : memref<4x64x384xf32, #tpu.memory_space<vmem>> -> memref<1x64x384xf32, #tpu.memory_space<vmem>>
        %parallel_loop3A_419 = tpu.memref_squeeze %parallel_loop3A_418 : memref<1x64x384xf32, #tpu.memory_space<vmem>> -> memref<64x384xf32, #tpu.memory_space<vmem>>
        %parallel_loop3A_420 = arith.index_cast %parallel_loop3A_170 : i32 to index
        %parallel_loop3A_421 = arith.constant 336 : index
        %parallel_loop3A_422 = tpu.vector_load %parallel_loop3A_419[%parallel_loop3A_420, %parallel_loop3A_421] {strides = array<i32>} : memref<64x384xf32, #tpu.memory_space<vmem>>, vector<16xf32>,
        tpu.vector_store %parallel_loop3A_419[%parallel_loop3A_420, %parallel_loop3A_421], %parallel_loop3A_262 {strides = array<i32>} : memref<64x384xf32, #tpu.memory_space<vmem>>, vector<16xf32>,
        %parallel_loop3A_423 = arith.constant 0 : i32
        %parallel_loop3A_424 = arith.constant 0 : i32
        %parallel_loop3A_425 = tpu.memref_slice %arg6[%parallel_loop3A_99, %parallel_loop3A_423, %parallel_loop3A_424] : memref<4x64x384xf32, #tpu.memory_space<vmem>> -> memref<1x64x384xf32, #tpu.memory_space<vmem>>
        %parallel_loop3A_426 = tpu.memref_squeeze %parallel_loop3A_425 : memref<1x64x384xf32, #tpu.memory_space<vmem>> -> memref<64x384xf32, #tpu.memory_space<vmem>>
        %parallel_loop3A_427 = arith.index_cast %parallel_loop3A_170 : i32 to index
        %parallel_loop3A_428 = arith.constant 352 : index
        %parallel_loop3A_429 = tpu.vector_load %parallel_loop3A_426[%parallel_loop3A_427, %parallel_loop3A_428] {strides = array<i32>} : memref<64x384xf32, #tpu.memory_space<vmem>>, vector<16xf32>,
        tpu.vector_store %parallel_loop3A_426[%parallel_loop3A_427, %parallel_loop3A_428], %parallel_loop3A_265 {strides = array<i32>} : memref<64x384xf32, #tpu.memory_space<vmem>>, vector<16xf32>,
        %parallel_loop3A_430 = arith.constant 0 : i32
        %parallel_loop3A_431 = arith.constant 0 : i32
        %parallel_loop3A_432 = tpu.memref_slice %arg6[%parallel_loop3A_99, %parallel_loop3A_430, %parallel_loop3A_431] : memref<4x64x384xf32, #tpu.memory_space<vmem>> -> memref<1x64x384xf32, #tpu.memory_space<vmem>>
        %parallel_loop3A_433 = tpu.memref_squeeze %parallel_loop3A_432 : memref<1x64x384xf32, #tpu.memory_space<vmem>> -> memref<64x384xf32, #tpu.memory_space<vmem>>
        %parallel_loop3A_434 = arith.index_cast %parallel_loop3A_170 : i32 to index
        %parallel_loop3A_435 = arith.constant 368 : index
        %parallel_loop3A_436 = tpu.vector_load %parallel_loop3A_433[%parallel_loop3A_434, %parallel_loop3A_435] {strides = array<i32>} : memref<64x384xf32, #tpu.memory_space<vmem>>, vector<16xf32>,
        tpu.vector_store %parallel_loop3A_433[%parallel_loop3A_434, %parallel_loop3A_435], %parallel_loop3A_268 {strides = array<i32>} : memref<64x384xf32, #tpu.memory_space<vmem>>, vector<16xf32>,
      } {sc.loop_unroll_factor = 2 : i64, sc.parallel_access}
      %mul3A_100 = arith.constant 64 : i32
      %mul3A_101 = arith.muli %add3A_90, %mul3A_100 : i32
      %add3A_102 = arith.addi %mul3A_2, %mul3A_101 : i32
      %dma_start3A_103 = arith.constant 1 : i32
      %dma_start3A_104 = arith.constant 0 : i32
      %dma_start3A_105 = arith.constant 0 : i32
      %dma_start3A_106 = tpu.memref_slice %arg6[%dma_start3A_103, %dma_start3A_104, %dma_start3A_105] : memref<4x64x384xf32, #tpu.memory_space<vmem>> -> memref<1x64x384xf32, #tpu.memory_space<vmem>>
      %dma_start3A_107 = tpu.memref_squeeze %dma_start3A_106 : memref<1x64x384xf32, #tpu.memory_space<vmem>> -> memref<64x384xf32, #tpu.memory_space<vmem>>
      %dma_start3A_108 = arith.constant 0 : i32
      %dma_start3A_109 = tpu.memref_slice %arg4[%add3A_102, %dma_start3A_108] : memref<32768x384xf32, #tpu.memory_space<hbm>> -> memref<64x384xf32, #tpu.memory_space<hbm>>
      %dma_start3A_110 = arith.constant 0 : i32
      %dma_start3A_111 = tpu.memref_slice %arg4[%add3A_102, %dma_start3A_110] : memref<32768x384xf32, #tpu.memory_space<hbm>> -> memref<64x384xf32, #tpu.memory_space<hbm>>
      %dma_start3A_112 = arith.constant 0 : i32
      %dma_start3A_113 = arith.constant 0 : i32
      %dma_start3A_114 = tpu.memref_slice %arg6[%dma_start3A_103, %dma_start3A_112, %dma_start3A_113] : memref<4x64x384xf32, #tpu.memory_space<vmem>> -> memref<1x64x384xf32, #tpu.memory_space<vmem>>
      %dma_start3A_115 = tpu.memref_squeeze %dma_start3A_114 : memref<1x64x384xf32, #tpu.memory_space<vmem>> -> memref<64x384xf32, #tpu.memory_space<vmem>>
      tpu.enqueue_dma source(%dma_start3A_115 : memref<64x384xf32, #tpu.memory_space<vmem>>) target(%dma_start3A_111 : memref<64x384xf32, #tpu.memory_space<hbm>>) target_semaphore(%arg8 : memref<!tpu.dma_semaphore, #tpu.memory_space<semaphore_mem>>)
      %add3A_116 = arith.constant 2 : i32
      %add3A_117 = arith.addi %add3A_65, %add3A_116 : i32
      %gt3A_118 = arith.constant 0 : i32
      %gt3A_119 = arith.cmpi sgt, %add3A_65, %gt3A_118 : i32
      %convert_element_type3A_120 = arith.extui %gt3A_119 : i1 to i32
      %cond3A_121 = arith.constant 0 : i32
      %cond3A_122 = arith.cmpi ne, %convert_element_type3A_120, %cond3A_121 : i32
      scf.if %cond3A_122 {
        %dma_wait3A_170 = arith.constant 2 : i32
        %dma_wait3A_171 = arith.constant 0 : i32
        %dma_wait3A_172 = arith.constant 0 : i32
        %dma_wait3A_173 = tpu.memref_slice %arg6[%dma_wait3A_170, %dma_wait3A_171, %dma_wait3A_172] : memref<4x64x384xf32, #tpu.memory_space<vmem>> -> memref<1x64x384xf32, #tpu.memory_space<vmem>>
        %dma_wait3A_174 = tpu.memref_squeeze %dma_wait3A_173 : memref<1x64x384xf32, #tpu.memory_space<vmem>> -> memref<64x384xf32, #tpu.memory_space<vmem>>
        %dma_wait3A_175 = arith.constant 0 : i32
        %dma_wait3A_176 = tpu.memref_slice %arg4[%mul3A_2, %dma_wait3A_175] : memref<32768x384xf32, #tpu.memory_space<hbm>> -> memref<64x384xf32, #tpu.memory_space<hbm>>
        %dma_wait3A_177 = arith.constant 0 : i32
        %dma_wait3A_178 = tpu.memref_slice %arg4[%mul3A_2, %dma_wait3A_177] : memref<32768x384xf32, #tpu.memory_space<hbm>> -> memref<64x384xf32, #tpu.memory_space<hbm>>
        %dma_wait3A_179 = arith.constant 0 : i32
        %dma_wait3A_180 = arith.constant 0 : i32
        %dma_wait3A_181 = tpu.memref_slice %arg6[%dma_wait3A_170, %dma_wait3A_179, %dma_wait3A_180] : memref<4x64x384xf32, #tpu.memory_space<vmem>> -> memref<1x64x384xf32, #tpu.memory_space<vmem>>
        %dma_wait3A_182 = tpu.memref_squeeze %dma_wait3A_181 : memref<1x64x384xf32, #tpu.memory_space<vmem>> -> memref<64x384xf32, #tpu.memory_space<vmem>>
        tpu.wait_dma2 semaphore(%arg8 : memref<!tpu.dma_semaphore, #tpu.memory_space<semaphore_mem>>) src(%dma_wait3A_182 : memref<64x384xf32, #tpu.memory_space<vmem>>) dst(%dma_wait3A_178 : memref<64x384xf32, #tpu.memory_space<hbm>>)
      } else {
      }
      %parallel_loop3A_123 = arith.constant 0 : i32
      %parallel_loop3A_124 = arith.constant 64 : i32
      %parallel_loop3A_125 = arith.constant 1 : i32
      %parallel_loop3A_126 = arith.constant 2 : i32
      scf.for %parallel_loop3A_170 = %parallel_loop3A_123 to %parallel_loop3A_124 step %parallel_loop3A_125  : i32 {
        %parallel_loop3A_171 = arith.constant 16 : i32
        %parallel_loop3A_172 = arith.remsi %parallel_loop3A_170, %parallel_loop3A_171 : i32
        %parallel_loop3A_173 = arith.subi %parallel_loop3A_170, %parallel_loop3A_172 : i32
        %parallel_loop3A_174 = arith.constant 64 : i32
        %parallel_loop3A_175 = arith.muli %add3A_117, %parallel_loop3A_174 : i32
        %parallel_loop3A_176 = arith.addi %parallel_loop3A_175, %parallel_loop3A_173 : i32
        %parallel_loop3A_177 = arith.index_cast %parallel_loop3A_176 : i32 to index
        %parallel_loop3A_178 = tpu.vector_load %arg5[%parallel_loop3A_177] {strides = array<i32>} : memref<1024xi32, #tpu.memory_space<vmem>>, vector<16xi32>,
        %parallel_loop3A_179 = arith.constant 0 : i32
        %parallel_loop3A_180 = vector.broadcast %parallel_loop3A_179 : i32 to vector<16xi32>
        %parallel_loop3A_181 = vector.broadcast %parallel_loop3A_172 : i32 to vector<16xi32>
        %parallel_loop3A_182 = arith.addi %parallel_loop3A_180, %parallel_loop3A_181 : vector<16xi32>
        %parallel_loop3A_183 = arith.constant 0 : i32
        %parallel_loop3A_184 = vector.broadcast %parallel_loop3A_183 : i32 to vector<16xi32>
        %parallel_loop3A_185 = arith.cmpi slt, %parallel_loop3A_182, %parallel_loop3A_184 : vector<16xi32>
        %parallel_loop3A_186 = arith.constant 16 : i32
        %parallel_loop3A_187 = vector.broadcast %parallel_loop3A_186 : i32 to vector<16xi32>
        %parallel_loop3A_188 = arith.addi %parallel_loop3A_182, %parallel_loop3A_187 : vector<16xi32>
        %parallel_loop3A_189 = arith.select %parallel_loop3A_185, %parallel_loop3A_188, %parallel_loop3A_182 : vector<16xi1>, vector<16xi32>
        %parallel_loop3A_190 = vector.shape_cast %parallel_loop3A_189 : vector<16xi32> to vector<16x1xi32>
        %parallel_loop3A_191 = vector.shape_cast %parallel_loop3A_190 : vector<16x1xi32> to vector<16xi32>
        %parallel_loop3A_192 = tpu.dynamic_gather %parallel_loop3A_178[%parallel_loop3A_191] in [0] : vector<16xi32>, vector<16xi32> -> vector<16xi32>
        %parallel_loop3A_193 = arith.constant 384 : i32
        %parallel_loop3A_194 = vector.broadcast %parallel_loop3A_193 : i32 to vector<16xi32>
        %parallel_loop3A_195 = arith.muli %parallel_loop3A_192, %parallel_loop3A_194 : vector<16xi32>
        %parallel_loop3A_196 = arith.addi %parallel_loop3A_195, %iota3A : vector<16xi32>
        %parallel_loop3A_197 = arith.constant 0 : i32
        %parallel_loop3A_198 = tpu.memref_slice %arg7[%parallel_loop3A_197] : memref<1920xf32, #tpu.memory_space<vmem>> -> memref<1920xf32, #tpu.memory_space<vmem>>
        %parallel_loop3A_199 = tpu.vector_load_idx %parallel_loop3A_198[%parallel_loop3A_196] : memref<1920xf32, #tpu.memory_space<vmem>>[vector<16xi32>], vector<16xf32>,
        %parallel_loop3A_200 = arith.constant 16 : i32
        %parallel_loop3A_201 = tpu.memref_slice %arg7[%parallel_loop3A_200] : memref<1920xf32, #tpu.memory_space<vmem>> -> memref<1904xf32, #tpu.memory_space<vmem>>
        %parallel_loop3A_202 = tpu.vector_load_idx %parallel_loop3A_201[%parallel_loop3A_196] : memref<1904xf32, #tpu.memory_space<vmem>>[vector<16xi32>], vector<16xf32>,
        %parallel_loop3A_203 = arith.constant 32 : i32
        %parallel_loop3A_204 = tpu.memref_slice %arg7[%parallel_loop3A_203] : memref<1920xf32, #tpu.memory_space<vmem>> -> memref<1888xf32, #tpu.memory_space<vmem>>
        %parallel_loop3A_205 = tpu.vector_load_idx %parallel_loop3A_204[%parallel_loop3A_196] : memref<1888xf32, #tpu.memory_space<vmem>>[vector<16xi32>], vector<16xf32>,
        %parallel_loop3A_206 = arith.constant 48 : i32
        %parallel_loop3A_207 = tpu.memref_slice %arg7[%parallel_loop3A_206] : memref<1920xf32, #tpu.memory_space<vmem>> -> memref<1872xf32, #tpu.memory_space<vmem>>
        %parallel_loop3A_208 = tpu.vector_load_idx %parallel_loop3A_207[%parallel_loop3A_196] : memref<1872xf32, #tpu.memory_space<vmem>>[vector<16xi32>], vector<16xf32>,
        %parallel_loop3A_209 = arith.constant 64 : i32
        %parallel_loop3A_210 = tpu.memref_slice %arg7[%parallel_loop3A_209] : memref<1920xf32, #tpu.memory_space<vmem>> -> memref<1856xf32, #tpu.memory_space<vmem>>
        %parallel_loop3A_211 = tpu.vector_load_idx %parallel_loop3A_210[%parallel_loop3A_196] : memref<1856xf32, #tpu.memory_space<vmem>>[vector<16xi32>], vector<16xf32>,
        %parallel_loop3A_212 = arith.constant 80 : i32
        %parallel_loop3A_213 = tpu.memref_slice %arg7[%parallel_loop3A_212] : memref<1920xf32, #tpu.memory_space<vmem>> -> memref<1840xf32, #tpu.memory_space<vmem>>
        %parallel_loop3A_214 = tpu.vector_load_idx %parallel_loop3A_213[%parallel_loop3A_196] : memref<1840xf32, #tpu.memory_space<vmem>>[vector<16xi32>], vector<16xf32>,
        %parallel_loop3A_215 = arith.constant 96 : i32
        %parallel_loop3A_216 = tpu.memref_slice %arg7[%parallel_loop3A_215] : memref<1920xf32, #tpu.memory_space<vmem>> -> memref<1824xf32, #tpu.memory_space<vmem>>
        %parallel_loop3A_217 = tpu.vector_load_idx %parallel_loop3A_216[%parallel_loop3A_196] : memref<1824xf32, #tpu.memory_space<vmem>>[vector<16xi32>], vector<16xf32>,
        %parallel_loop3A_218 = arith.constant 112 : i32
        %parallel_loop3A_219 = tpu.memref_slice %arg7[%parallel_loop3A_218] : memref<1920xf32, #tpu.memory_space<vmem>> -> memref<1808xf32, #tpu.memory_space<vmem>>
        %parallel_loop3A_220 = tpu.vector_load_idx %parallel_loop3A_219[%parallel_loop3A_196] : memref<1808xf32, #tpu.memory_space<vmem>>[vector<16xi32>], vector<16xf32>,
        %parallel_loop3A_221 = arith.constant 128 : i32
        %parallel_loop3A_222 = tpu.memref_slice %arg7[%parallel_loop3A_221] : memref<1920xf32, #tpu.memory_space<vmem>> -> memref<1792xf32, #tpu.memory_space<vmem>>
        %parallel_loop3A_223 = tpu.vector_load_idx %parallel_loop3A_222[%parallel_loop3A_196] : memref<1792xf32, #tpu.memory_space<vmem>>[vector<16xi32>], vector<16xf32>,
        %parallel_loop3A_224 = arith.constant 144 : i32
        %parallel_loop3A_225 = tpu.memref_slice %arg7[%parallel_loop3A_224] : memref<1920xf32, #tpu.memory_space<vmem>> -> memref<1776xf32, #tpu.memory_space<vmem>>
        %parallel_loop3A_226 = tpu.vector_load_idx %parallel_loop3A_225[%parallel_loop3A_196] : memref<1776xf32, #tpu.memory_space<vmem>>[vector<16xi32>], vector<16xf32>,
        %parallel_loop3A_227 = arith.constant 160 : i32
        %parallel_loop3A_228 = tpu.memref_slice %arg7[%parallel_loop3A_227] : memref<1920xf32, #tpu.memory_space<vmem>> -> memref<1760xf32, #tpu.memory_space<vmem>>
        %parallel_loop3A_229 = tpu.vector_load_idx %parallel_loop3A_228[%parallel_loop3A_196] : memref<1760xf32, #tpu.memory_space<vmem>>[vector<16xi32>], vector<16xf32>,
        %parallel_loop3A_230 = arith.constant 176 : i32
        %parallel_loop3A_231 = tpu.memref_slice %arg7[%parallel_loop3A_230] : memref<1920xf32, #tpu.memory_space<vmem>> -> memref<1744xf32, #tpu.memory_space<vmem>>
        %parallel_loop3A_232 = tpu.vector_load_idx %parallel_loop3A_231[%parallel_loop3A_196] : memref<1744xf32, #tpu.memory_space<vmem>>[vector<16xi32>], vector<16xf32>,
        %parallel_loop3A_233 = arith.constant 192 : i32
        %parallel_loop3A_234 = tpu.memref_slice %arg7[%parallel_loop3A_233] : memref<1920xf32, #tpu.memory_space<vmem>> -> memref<1728xf32, #tpu.memory_space<vmem>>
        %parallel_loop3A_235 = tpu.vector_load_idx %parallel_loop3A_234[%parallel_loop3A_196] : memref<1728xf32, #tpu.memory_space<vmem>>[vector<16xi32>], vector<16xf32>,
        %parallel_loop3A_236 = arith.constant 208 : i32
        %parallel_loop3A_237 = tpu.memref_slice %arg7[%parallel_loop3A_236] : memref<1920xf32, #tpu.memory_space<vmem>> -> memref<1712xf32, #tpu.memory_space<vmem>>
        %parallel_loop3A_238 = tpu.vector_load_idx %parallel_loop3A_237[%parallel_loop3A_196] : memref<1712xf32, #tpu.memory_space<vmem>>[vector<16xi32>], vector<16xf32>,
        %parallel_loop3A_239 = arith.constant 224 : i32
        %parallel_loop3A_240 = tpu.memref_slice %arg7[%parallel_loop3A_239] : memref<1920xf32, #tpu.memory_space<vmem>> -> memref<1696xf32, #tpu.memory_space<vmem>>
        %parallel_loop3A_241 = tpu.vector_load_idx %parallel_loop3A_240[%parallel_loop3A_196] : memref<1696xf32, #tpu.memory_space<vmem>>[vector<16xi32>], vector<16xf32>,
        %parallel_loop3A_242 = arith.constant 240 : i32
        %parallel_loop3A_243 = tpu.memref_slice %arg7[%parallel_loop3A_242] : memref<1920xf32, #tpu.memory_space<vmem>> -> memref<1680xf32, #tpu.memory_space<vmem>>
        %parallel_loop3A_244 = tpu.vector_load_idx %parallel_loop3A_243[%parallel_loop3A_196] : memref<1680xf32, #tpu.memory_space<vmem>>[vector<16xi32>], vector<16xf32>,
        %parallel_loop3A_245 = arith.constant 256 : i32
        %parallel_loop3A_246 = tpu.memref_slice %arg7[%parallel_loop3A_245] : memref<1920xf32, #tpu.memory_space<vmem>> -> memref<1664xf32, #tpu.memory_space<vmem>>
        %parallel_loop3A_247 = tpu.vector_load_idx %parallel_loop3A_246[%parallel_loop3A_196] : memref<1664xf32, #tpu.memory_space<vmem>>[vector<16xi32>], vector<16xf32>,
        %parallel_loop3A_248 = arith.constant 272 : i32
        %parallel_loop3A_249 = tpu.memref_slice %arg7[%parallel_loop3A_248] : memref<1920xf32, #tpu.memory_space<vmem>> -> memref<1648xf32, #tpu.memory_space<vmem>>
        %parallel_loop3A_250 = tpu.vector_load_idx %parallel_loop3A_249[%parallel_loop3A_196] : memref<1648xf32, #tpu.memory_space<vmem>>[vector<16xi32>], vector<16xf32>,
        %parallel_loop3A_251 = arith.constant 288 : i32
        %parallel_loop3A_252 = tpu.memref_slice %arg7[%parallel_loop3A_251] : memref<1920xf32, #tpu.memory_space<vmem>> -> memref<1632xf32, #tpu.memory_space<vmem>>
        %parallel_loop3A_253 = tpu.vector_load_idx %parallel_loop3A_252[%parallel_loop3A_196] : memref<1632xf32, #tpu.memory_space<vmem>>[vector<16xi32>], vector<16xf32>,
        %parallel_loop3A_254 = arith.constant 304 : i32
        %parallel_loop3A_255 = tpu.memref_slice %arg7[%parallel_loop3A_254] : memref<1920xf32, #tpu.memory_space<vmem>> -> memref<1616xf32, #tpu.memory_space<vmem>>
        %parallel_loop3A_256 = tpu.vector_load_idx %parallel_loop3A_255[%parallel_loop3A_196] : memref<1616xf32, #tpu.memory_space<vmem>>[vector<16xi32>], vector<16xf32>,
        %parallel_loop3A_257 = arith.constant 320 : i32
        %parallel_loop3A_258 = tpu.memref_slice %arg7[%parallel_loop3A_257] : memref<1920xf32, #tpu.memory_space<vmem>> -> memref<1600xf32, #tpu.memory_space<vmem>>
        %parallel_loop3A_259 = tpu.vector_load_idx %parallel_loop3A_258[%parallel_loop3A_196] : memref<1600xf32, #tpu.memory_space<vmem>>[vector<16xi32>], vector<16xf32>,
        %parallel_loop3A_260 = arith.constant 336 : i32
        %parallel_loop3A_261 = tpu.memref_slice %arg7[%parallel_loop3A_260] : memref<1920xf32, #tpu.memory_space<vmem>> -> memref<1584xf32, #tpu.memory_space<vmem>>
        %parallel_loop3A_262 = tpu.vector_load_idx %parallel_loop3A_261[%parallel_loop3A_196] : memref<1584xf32, #tpu.memory_space<vmem>>[vector<16xi32>], vector<16xf32>,
        %parallel_loop3A_263 = arith.constant 352 : i32
        %parallel_loop3A_264 = tpu.memref_slice %arg7[%parallel_loop3A_263] : memref<1920xf32, #tpu.memory_space<vmem>> -> memref<1568xf32, #tpu.memory_space<vmem>>
        %parallel_loop3A_265 = tpu.vector_load_idx %parallel_loop3A_264[%parallel_loop3A_196] : memref<1568xf32, #tpu.memory_space<vmem>>[vector<16xi32>], vector<16xf32>,
        %parallel_loop3A_266 = arith.constant 368 : i32
        %parallel_loop3A_267 = tpu.memref_slice %arg7[%parallel_loop3A_266] : memref<1920xf32, #tpu.memory_space<vmem>> -> memref<1552xf32, #tpu.memory_space<vmem>>
        %parallel_loop3A_268 = tpu.vector_load_idx %parallel_loop3A_267[%parallel_loop3A_196] : memref<1552xf32, #tpu.memory_space<vmem>>[vector<16xi32>], vector<16xf32>,
        %parallel_loop3A_269 = arith.constant 0 : i32
        %parallel_loop3A_270 = arith.constant 0 : i32
        %parallel_loop3A_271 = tpu.memref_slice %arg6[%parallel_loop3A_126, %parallel_loop3A_269, %parallel_loop3A_270] : memref<4x64x384xf32, #tpu.memory_space<vmem>> -> memref<1x64x384xf32, #tpu.memory_space<vmem>>
        %parallel_loop3A_272 = tpu.memref_squeeze %parallel_loop3A_271 : memref<1x64x384xf32, #tpu.memory_space<vmem>> -> memref<64x384xf32, #tpu.memory_space<vmem>>
        %parallel_loop3A_273 = arith.index_cast %parallel_loop3A_170 : i32 to index
        %parallel_loop3A_274 = arith.constant 0 : index
        %parallel_loop3A_275 = tpu.vector_load %parallel_loop3A_272[%parallel_loop3A_273, %parallel_loop3A_274] {strides = array<i32>} : memref<64x384xf32, #tpu.memory_space<vmem>>, vector<16xf32>,
        tpu.vector_store %parallel_loop3A_272[%parallel_loop3A_273, %parallel_loop3A_274], %parallel_loop3A_199 {strides = array<i32>} : memref<64x384xf32, #tpu.memory_space<vmem>>, vector<16xf32>,
        %parallel_loop3A_276 = arith.constant 0 : i32
        %parallel_loop3A_277 = arith.constant 0 : i32
        %parallel_loop3A_278 = tpu.memref_slice %arg6[%parallel_loop3A_126, %parallel_loop3A_276, %parallel_loop3A_277] : memref<4x64x384xf32, #tpu.memory_space<vmem>> -> memref<1x64x384xf32, #tpu.memory_space<vmem>>
        %parallel_loop3A_279 = tpu.memref_squeeze %parallel_loop3A_278 : memref<1x64x384xf32, #tpu.memory_space<vmem>> -> memref<64x384xf32, #tpu.memory_space<vmem>>
        %parallel_loop3A_280 = arith.index_cast %parallel_loop3A_170 : i32 to index
        %parallel_loop3A_281 = arith.constant 16 : index
        %parallel_loop3A_282 = tpu.vector_load %parallel_loop3A_279[%parallel_loop3A_280, %parallel_loop3A_281] {strides = array<i32>} : memref<64x384xf32, #tpu.memory_space<vmem>>, vector<16xf32>,
        tpu.vector_store %parallel_loop3A_279[%parallel_loop3A_280, %parallel_loop3A_281], %parallel_loop3A_202 {strides = array<i32>} : memref<64x384xf32, #tpu.memory_space<vmem>>, vector<16xf32>,
        %parallel_loop3A_283 = arith.constant 0 : i32
        %parallel_loop3A_284 = arith.constant 0 : i32
        %parallel_loop3A_285 = tpu.memref_slice %arg6[%parallel_loop3A_126, %parallel_loop3A_283, %parallel_loop3A_284] : memref<4x64x384xf32, #tpu.memory_space<vmem>> -> memref<1x64x384xf32, #tpu.memory_space<vmem>>
        %parallel_loop3A_286 = tpu.memref_squeeze %parallel_loop3A_285 : memref<1x64x384xf32, #tpu.memory_space<vmem>> -> memref<64x384xf32, #tpu.memory_space<vmem>>
        %parallel_loop3A_287 = arith.index_cast %parallel_loop3A_170 : i32 to index
        %parallel_loop3A_288 = arith.constant 32 : index
        %parallel_loop3A_289 = tpu.vector_load %parallel_loop3A_286[%parallel_loop3A_287, %parallel_loop3A_288] {strides = array<i32>} : memref<64x384xf32, #tpu.memory_space<vmem>>, vector<16xf32>,
        tpu.vector_store %parallel_loop3A_286[%parallel_loop3A_287, %parallel_loop3A_288], %parallel_loop3A_205 {strides = array<i32>} : memref<64x384xf32, #tpu.memory_space<vmem>>, vector<16xf32>,
        %parallel_loop3A_290 = arith.constant 0 : i32
        %parallel_loop3A_291 = arith.constant 0 : i32
        %parallel_loop3A_292 = tpu.memref_slice %arg6[%parallel_loop3A_126, %parallel_loop3A_290, %parallel_loop3A_291] : memref<4x64x384xf32, #tpu.memory_space<vmem>> -> memref<1x64x384xf32, #tpu.memory_space<vmem>>
        %parallel_loop3A_293 = tpu.memref_squeeze %parallel_loop3A_292 : memref<1x64x384xf32, #tpu.memory_space<vmem>> -> memref<64x384xf32, #tpu.memory_space<vmem>>
        %parallel_loop3A_294 = arith.index_cast %parallel_loop3A_170 : i32 to index
        %parallel_loop3A_295 = arith.constant 48 : index
        %parallel_loop3A_296 = tpu.vector_load %parallel_loop3A_293[%parallel_loop3A_294, %parallel_loop3A_295] {strides = array<i32>} : memref<64x384xf32, #tpu.memory_space<vmem>>, vector<16xf32>,
        tpu.vector_store %parallel_loop3A_293[%parallel_loop3A_294, %parallel_loop3A_295], %parallel_loop3A_208 {strides = array<i32>} : memref<64x384xf32, #tpu.memory_space<vmem>>, vector<16xf32>,
        %parallel_loop3A_297 = arith.constant 0 : i32
        %parallel_loop3A_298 = arith.constant 0 : i32
        %parallel_loop3A_299 = tpu.memref_slice %arg6[%parallel_loop3A_126, %parallel_loop3A_297, %parallel_loop3A_298] : memref<4x64x384xf32, #tpu.memory_space<vmem>> -> memref<1x64x384xf32, #tpu.memory_space<vmem>>
        %parallel_loop3A_300 = tpu.memref_squeeze %parallel_loop3A_299 : memref<1x64x384xf32, #tpu.memory_space<vmem>> -> memref<64x384xf32, #tpu.memory_space<vmem>>
        %parallel_loop3A_301 = arith.index_cast %parallel_loop3A_170 : i32 to index
        %parallel_loop3A_302 = arith.constant 64 : index
        %parallel_loop3A_303 = tpu.vector_load %parallel_loop3A_300[%parallel_loop3A_301, %parallel_loop3A_302] {strides = array<i32>} : memref<64x384xf32, #tpu.memory_space<vmem>>, vector<16xf32>,
        tpu.vector_store %parallel_loop3A_300[%parallel_loop3A_301, %parallel_loop3A_302], %parallel_loop3A_211 {strides = array<i32>} : memref<64x384xf32, #tpu.memory_space<vmem>>, vector<16xf32>,
        %parallel_loop3A_304 = arith.constant 0 : i32
        %parallel_loop3A_305 = arith.constant 0 : i32
        %parallel_loop3A_306 = tpu.memref_slice %arg6[%parallel_loop3A_126, %parallel_loop3A_304, %parallel_loop3A_305] : memref<4x64x384xf32, #tpu.memory_space<vmem>> -> memref<1x64x384xf32, #tpu.memory_space<vmem>>
        %parallel_loop3A_307 = tpu.memref_squeeze %parallel_loop3A_306 : memref<1x64x384xf32, #tpu.memory_space<vmem>> -> memref<64x384xf32, #tpu.memory_space<vmem>>
        %parallel_loop3A_308 = arith.index_cast %parallel_loop3A_170 : i32 to index
        %parallel_loop3A_309 = arith.constant 80 : index
        %parallel_loop3A_310 = tpu.vector_load %parallel_loop3A_307[%parallel_loop3A_308, %parallel_loop3A_309] {strides = array<i32>} : memref<64x384xf32, #tpu.memory_space<vmem>>, vector<16xf32>,
        tpu.vector_store %parallel_loop3A_307[%parallel_loop3A_308, %parallel_loop3A_309], %parallel_loop3A_214 {strides = array<i32>} : memref<64x384xf32, #tpu.memory_space<vmem>>, vector<16xf32>,
        %parallel_loop3A_311 = arith.constant 0 : i32
        %parallel_loop3A_312 = arith.constant 0 : i32
        %parallel_loop3A_313 = tpu.memref_slice %arg6[%parallel_loop3A_126, %parallel_loop3A_311, %parallel_loop3A_312] : memref<4x64x384xf32, #tpu.memory_space<vmem>> -> memref<1x64x384xf32, #tpu.memory_space<vmem>>
        %parallel_loop3A_314 = tpu.memref_squeeze %parallel_loop3A_313 : memref<1x64x384xf32, #tpu.memory_space<vmem>> -> memref<64x384xf32, #tpu.memory_space<vmem>>
        %parallel_loop3A_315 = arith.index_cast %parallel_loop3A_170 : i32 to index
        %parallel_loop3A_316 = arith.constant 96 : index
        %parallel_loop3A_317 = tpu.vector_load %parallel_loop3A_314[%parallel_loop3A_315, %parallel_loop3A_316] {strides = array<i32>} : memref<64x384xf32, #tpu.memory_space<vmem>>, vector<16xf32>,
        tpu.vector_store %parallel_loop3A_314[%parallel_loop3A_315, %parallel_loop3A_316], %parallel_loop3A_217 {strides = array<i32>} : memref<64x384xf32, #tpu.memory_space<vmem>>, vector<16xf32>,
        %parallel_loop3A_318 = arith.constant 0 : i32
        %parallel_loop3A_319 = arith.constant 0 : i32
        %parallel_loop3A_320 = tpu.memref_slice %arg6[%parallel_loop3A_126, %parallel_loop3A_318, %parallel_loop3A_319] : memref<4x64x384xf32, #tpu.memory_space<vmem>> -> memref<1x64x384xf32, #tpu.memory_space<vmem>>
        %parallel_loop3A_321 = tpu.memref_squeeze %parallel_loop3A_320 : memref<1x64x384xf32, #tpu.memory_space<vmem>> -> memref<64x384xf32, #tpu.memory_space<vmem>>
        %parallel_loop3A_322 = arith.index_cast %parallel_loop3A_170 : i32 to index
        %parallel_loop3A_323 = arith.constant 112 : index
        %parallel_loop3A_324 = tpu.vector_load %parallel_loop3A_321[%parallel_loop3A_322, %parallel_loop3A_323] {strides = array<i32>} : memref<64x384xf32, #tpu.memory_space<vmem>>, vector<16xf32>,
        tpu.vector_store %parallel_loop3A_321[%parallel_loop3A_322, %parallel_loop3A_323], %parallel_loop3A_220 {strides = array<i32>} : memref<64x384xf32, #tpu.memory_space<vmem>>, vector<16xf32>,
        %parallel_loop3A_325 = arith.constant 0 : i32
        %parallel_loop3A_326 = arith.constant 0 : i32
        %parallel_loop3A_327 = tpu.memref_slice %arg6[%parallel_loop3A_126, %parallel_loop3A_325, %parallel_loop3A_326] : memref<4x64x384xf32, #tpu.memory_space<vmem>> -> memref<1x64x384xf32, #tpu.memory_space<vmem>>
        %parallel_loop3A_328 = tpu.memref_squeeze %parallel_loop3A_327 : memref<1x64x384xf32, #tpu.memory_space<vmem>> -> memref<64x384xf32, #tpu.memory_space<vmem>>
        %parallel_loop3A_329 = arith.index_cast %parallel_loop3A_170 : i32 to index
        %parallel_loop3A_330 = arith.constant 128 : index
        %parallel_loop3A_331 = tpu.vector_load %parallel_loop3A_328[%parallel_loop3A_329, %parallel_loop3A_330] {strides = array<i32>} : memref<64x384xf32, #tpu.memory_space<vmem>>, vector<16xf32>,
        tpu.vector_store %parallel_loop3A_328[%parallel_loop3A_329, %parallel_loop3A_330], %parallel_loop3A_223 {strides = array<i32>} : memref<64x384xf32, #tpu.memory_space<vmem>>, vector<16xf32>,
        %parallel_loop3A_332 = arith.constant 0 : i32
        %parallel_loop3A_333 = arith.constant 0 : i32
        %parallel_loop3A_334 = tpu.memref_slice %arg6[%parallel_loop3A_126, %parallel_loop3A_332, %parallel_loop3A_333] : memref<4x64x384xf32, #tpu.memory_space<vmem>> -> memref<1x64x384xf32, #tpu.memory_space<vmem>>
        %parallel_loop3A_335 = tpu.memref_squeeze %parallel_loop3A_334 : memref<1x64x384xf32, #tpu.memory_space<vmem>> -> memref<64x384xf32, #tpu.memory_space<vmem>>
        %parallel_loop3A_336 = arith.index_cast %parallel_loop3A_170 : i32 to index
        %parallel_loop3A_337 = arith.constant 144 : index
        %parallel_loop3A_338 = tpu.vector_load %parallel_loop3A_335[%parallel_loop3A_336, %parallel_loop3A_337] {strides = array<i32>} : memref<64x384xf32, #tpu.memory_space<vmem>>, vector<16xf32>,
        tpu.vector_store %parallel_loop3A_335[%parallel_loop3A_336, %parallel_loop3A_337], %parallel_loop3A_226 {strides = array<i32>} : memref<64x384xf32, #tpu.memory_space<vmem>>, vector<16xf32>,
        %parallel_loop3A_339 = arith.constant 0 : i32
        %parallel_loop3A_340 = arith.constant 0 : i32
        %parallel_loop3A_341 = tpu.memref_slice %arg6[%parallel_loop3A_126, %parallel_loop3A_339, %parallel_loop3A_340] : memref<4x64x384xf32, #tpu.memory_space<vmem>> -> memref<1x64x384xf32, #tpu.memory_space<vmem>>
        %parallel_loop3A_342 = tpu.memref_squeeze %parallel_loop3A_341 : memref<1x64x384xf32, #tpu.memory_space<vmem>> -> memref<64x384xf32, #tpu.memory_space<vmem>>
        %parallel_loop3A_343 = arith.index_cast %parallel_loop3A_170 : i32 to index
        %parallel_loop3A_344 = arith.constant 160 : index
        %parallel_loop3A_345 = tpu.vector_load %parallel_loop3A_342[%parallel_loop3A_343, %parallel_loop3A_344] {strides = array<i32>} : memref<64x384xf32, #tpu.memory_space<vmem>>, vector<16xf32>,
        tpu.vector_store %parallel_loop3A_342[%parallel_loop3A_343, %parallel_loop3A_344], %parallel_loop3A_229 {strides = array<i32>} : memref<64x384xf32, #tpu.memory_space<vmem>>, vector<16xf32>,
        %parallel_loop3A_346 = arith.constant 0 : i32
        %parallel_loop3A_347 = arith.constant 0 : i32
        %parallel_loop3A_348 = tpu.memref_slice %arg6[%parallel_loop3A_126, %parallel_loop3A_346, %parallel_loop3A_347] : memref<4x64x384xf32, #tpu.memory_space<vmem>> -> memref<1x64x384xf32, #tpu.memory_space<vmem>>
        %parallel_loop3A_349 = tpu.memref_squeeze %parallel_loop3A_348 : memref<1x64x384xf32, #tpu.memory_space<vmem>> -> memref<64x384xf32, #tpu.memory_space<vmem>>
        %parallel_loop3A_350 = arith.index_cast %parallel_loop3A_170 : i32 to index
        %parallel_loop3A_351 = arith.constant 176 : index
        %parallel_loop3A_352 = tpu.vector_load %parallel_loop3A_349[%parallel_loop3A_350, %parallel_loop3A_351] {strides = array<i32>} : memref<64x384xf32, #tpu.memory_space<vmem>>, vector<16xf32>,
        tpu.vector_store %parallel_loop3A_349[%parallel_loop3A_350, %parallel_loop3A_351], %parallel_loop3A_232 {strides = array<i32>} : memref<64x384xf32, #tpu.memory_space<vmem>>, vector<16xf32>,
        %parallel_loop3A_353 = arith.constant 0 : i32
        %parallel_loop3A_354 = arith.constant 0 : i32
        %parallel_loop3A_355 = tpu.memref_slice %arg6[%parallel_loop3A_126, %parallel_loop3A_353, %parallel_loop3A_354] : memref<4x64x384xf32, #tpu.memory_space<vmem>> -> memref<1x64x384xf32, #tpu.memory_space<vmem>>
        %parallel_loop3A_356 = tpu.memref_squeeze %parallel_loop3A_355 : memref<1x64x384xf32, #tpu.memory_space<vmem>> -> memref<64x384xf32, #tpu.memory_space<vmem>>
        %parallel_loop3A_357 = arith.index_cast %parallel_loop3A_170 : i32 to index
        %parallel_loop3A_358 = arith.constant 192 : index
        %parallel_loop3A_359 = tpu.vector_load %parallel_loop3A_356[%parallel_loop3A_357, %parallel_loop3A_358] {strides = array<i32>} : memref<64x384xf32, #tpu.memory_space<vmem>>, vector<16xf32>,
        tpu.vector_store %parallel_loop3A_356[%parallel_loop3A_357, %parallel_loop3A_358], %parallel_loop3A_235 {strides = array<i32>} : memref<64x384xf32, #tpu.memory_space<vmem>>, vector<16xf32>,
        %parallel_loop3A_360 = arith.constant 0 : i32
        %parallel_loop3A_361 = arith.constant 0 : i32
        %parallel_loop3A_362 = tpu.memref_slice %arg6[%parallel_loop3A_126, %parallel_loop3A_360, %parallel_loop3A_361] : memref<4x64x384xf32, #tpu.memory_space<vmem>> -> memref<1x64x384xf32, #tpu.memory_space<vmem>>
        %parallel_loop3A_363 = tpu.memref_squeeze %parallel_loop3A_362 : memref<1x64x384xf32, #tpu.memory_space<vmem>> -> memref<64x384xf32, #tpu.memory_space<vmem>>
        %parallel_loop3A_364 = arith.index_cast %parallel_loop3A_170 : i32 to index
        %parallel_loop3A_365 = arith.constant 208 : index
        %parallel_loop3A_366 = tpu.vector_load %parallel_loop3A_363[%parallel_loop3A_364, %parallel_loop3A_365] {strides = array<i32>} : memref<64x384xf32, #tpu.memory_space<vmem>>, vector<16xf32>,
        tpu.vector_store %parallel_loop3A_363[%parallel_loop3A_364, %parallel_loop3A_365], %parallel_loop3A_238 {strides = array<i32>} : memref<64x384xf32, #tpu.memory_space<vmem>>, vector<16xf32>,
        %parallel_loop3A_367 = arith.constant 0 : i32
        %parallel_loop3A_368 = arith.constant 0 : i32
        %parallel_loop3A_369 = tpu.memref_slice %arg6[%parallel_loop3A_126, %parallel_loop3A_367, %parallel_loop3A_368] : memref<4x64x384xf32, #tpu.memory_space<vmem>> -> memref<1x64x384xf32, #tpu.memory_space<vmem>>
        %parallel_loop3A_370 = tpu.memref_squeeze %parallel_loop3A_369 : memref<1x64x384xf32, #tpu.memory_space<vmem>> -> memref<64x384xf32, #tpu.memory_space<vmem>>
        %parallel_loop3A_371 = arith.index_cast %parallel_loop3A_170 : i32 to index
        %parallel_loop3A_372 = arith.constant 224 : index
        %parallel_loop3A_373 = tpu.vector_load %parallel_loop3A_370[%parallel_loop3A_371, %parallel_loop3A_372] {strides = array<i32>} : memref<64x384xf32, #tpu.memory_space<vmem>>, vector<16xf32>,
        tpu.vector_store %parallel_loop3A_370[%parallel_loop3A_371, %parallel_loop3A_372], %parallel_loop3A_241 {strides = array<i32>} : memref<64x384xf32, #tpu.memory_space<vmem>>, vector<16xf32>,
        %parallel_loop3A_374 = arith.constant 0 : i32
        %parallel_loop3A_375 = arith.constant 0 : i32
        %parallel_loop3A_376 = tpu.memref_slice %arg6[%parallel_loop3A_126, %parallel_loop3A_374, %parallel_loop3A_375] : memref<4x64x384xf32, #tpu.memory_space<vmem>> -> memref<1x64x384xf32, #tpu.memory_space<vmem>>
        %parallel_loop3A_377 = tpu.memref_squeeze %parallel_loop3A_376 : memref<1x64x384xf32, #tpu.memory_space<vmem>> -> memref<64x384xf32, #tpu.memory_space<vmem>>
        %parallel_loop3A_378 = arith.index_cast %parallel_loop3A_170 : i32 to index
        %parallel_loop3A_379 = arith.constant 240 : index
        %parallel_loop3A_380 = tpu.vector_load %parallel_loop3A_377[%parallel_loop3A_378, %parallel_loop3A_379] {strides = array<i32>} : memref<64x384xf32, #tpu.memory_space<vmem>>, vector<16xf32>,
        tpu.vector_store %parallel_loop3A_377[%parallel_loop3A_378, %parallel_loop3A_379], %parallel_loop3A_244 {strides = array<i32>} : memref<64x384xf32, #tpu.memory_space<vmem>>, vector<16xf32>,
        %parallel_loop3A_381 = arith.constant 0 : i32
        %parallel_loop3A_382 = arith.constant 0 : i32
        %parallel_loop3A_383 = tpu.memref_slice %arg6[%parallel_loop3A_126, %parallel_loop3A_381, %parallel_loop3A_382] : memref<4x64x384xf32, #tpu.memory_space<vmem>> -> memref<1x64x384xf32, #tpu.memory_space<vmem>>
        %parallel_loop3A_384 = tpu.memref_squeeze %parallel_loop3A_383 : memref<1x64x384xf32, #tpu.memory_space<vmem>> -> memref<64x384xf32, #tpu.memory_space<vmem>>
        %parallel_loop3A_385 = arith.index_cast %parallel_loop3A_170 : i32 to index
        %parallel_loop3A_386 = arith.constant 256 : index
        %parallel_loop3A_387 = tpu.vector_load %parallel_loop3A_384[%parallel_loop3A_385, %parallel_loop3A_386] {strides = array<i32>} : memref<64x384xf32, #tpu.memory_space<vmem>>, vector<16xf32>,
        tpu.vector_store %parallel_loop3A_384[%parallel_loop3A_385, %parallel_loop3A_386], %parallel_loop3A_247 {strides = array<i32>} : memref<64x384xf32, #tpu.memory_space<vmem>>, vector<16xf32>,
        %parallel_loop3A_388 = arith.constant 0 : i32
        %parallel_loop3A_389 = arith.constant 0 : i32
        %parallel_loop3A_390 = tpu.memref_slice %arg6[%parallel_loop3A_126, %parallel_loop3A_388, %parallel_loop3A_389] : memref<4x64x384xf32, #tpu.memory_space<vmem>> -> memref<1x64x384xf32, #tpu.memory_space<vmem>>
        %parallel_loop3A_391 = tpu.memref_squeeze %parallel_loop3A_390 : memref<1x64x384xf32, #tpu.memory_space<vmem>> -> memref<64x384xf32, #tpu.memory_space<vmem>>
        %parallel_loop3A_392 = arith.index_cast %parallel_loop3A_170 : i32 to index
        %parallel_loop3A_393 = arith.constant 272 : index
        %parallel_loop3A_394 = tpu.vector_load %parallel_loop3A_391[%parallel_loop3A_392, %parallel_loop3A_393] {strides = array<i32>} : memref<64x384xf32, #tpu.memory_space<vmem>>, vector<16xf32>,
        tpu.vector_store %parallel_loop3A_391[%parallel_loop3A_392, %parallel_loop3A_393], %parallel_loop3A_250 {strides = array<i32>} : memref<64x384xf32, #tpu.memory_space<vmem>>, vector<16xf32>,
        %parallel_loop3A_395 = arith.constant 0 : i32
        %parallel_loop3A_396 = arith.constant 0 : i32
        %parallel_loop3A_397 = tpu.memref_slice %arg6[%parallel_loop3A_126, %parallel_loop3A_395, %parallel_loop3A_396] : memref<4x64x384xf32, #tpu.memory_space<vmem>> -> memref<1x64x384xf32, #tpu.memory_space<vmem>>
        %parallel_loop3A_398 = tpu.memref_squeeze %parallel_loop3A_397 : memref<1x64x384xf32, #tpu.memory_space<vmem>> -> memref<64x384xf32, #tpu.memory_space<vmem>>
        %parallel_loop3A_399 = arith.index_cast %parallel_loop3A_170 : i32 to index
        %parallel_loop3A_400 = arith.constant 288 : index
        %parallel_loop3A_401 = tpu.vector_load %parallel_loop3A_398[%parallel_loop3A_399, %parallel_loop3A_400] {strides = array<i32>} : memref<64x384xf32, #tpu.memory_space<vmem>>, vector<16xf32>,
        tpu.vector_store %parallel_loop3A_398[%parallel_loop3A_399, %parallel_loop3A_400], %parallel_loop3A_253 {strides = array<i32>} : memref<64x384xf32, #tpu.memory_space<vmem>>, vector<16xf32>,
        %parallel_loop3A_402 = arith.constant 0 : i32
        %parallel_loop3A_403 = arith.constant 0 : i32
        %parallel_loop3A_404 = tpu.memref_slice %arg6[%parallel_loop3A_126, %parallel_loop3A_402, %parallel_loop3A_403] : memref<4x64x384xf32, #tpu.memory_space<vmem>> -> memref<1x64x384xf32, #tpu.memory_space<vmem>>
        %parallel_loop3A_405 = tpu.memref_squeeze %parallel_loop3A_404 : memref<1x64x384xf32, #tpu.memory_space<vmem>> -> memref<64x384xf32, #tpu.memory_space<vmem>>
        %parallel_loop3A_406 = arith.index_cast %parallel_loop3A_170 : i32 to index
        %parallel_loop3A_407 = arith.constant 304 : index
        %parallel_loop3A_408 = tpu.vector_load %parallel_loop3A_405[%parallel_loop3A_406, %parallel_loop3A_407] {strides = array<i32>} : memref<64x384xf32, #tpu.memory_space<vmem>>, vector<16xf32>,
        tpu.vector_store %parallel_loop3A_405[%parallel_loop3A_406, %parallel_loop3A_407], %parallel_loop3A_256 {strides = array<i32>} : memref<64x384xf32, #tpu.memory_space<vmem>>, vector<16xf32>,
        %parallel_loop3A_409 = arith.constant 0 : i32
        %parallel_loop3A_410 = arith.constant 0 : i32
        %parallel_loop3A_411 = tpu.memref_slice %arg6[%parallel_loop3A_126, %parallel_loop3A_409, %parallel_loop3A_410] : memref<4x64x384xf32, #tpu.memory_space<vmem>> -> memref<1x64x384xf32, #tpu.memory_space<vmem>>
        %parallel_loop3A_412 = tpu.memref_squeeze %parallel_loop3A_411 : memref<1x64x384xf32, #tpu.memory_space<vmem>> -> memref<64x384xf32, #tpu.memory_space<vmem>>
        %parallel_loop3A_413 = arith.index_cast %parallel_loop3A_170 : i32 to index
        %parallel_loop3A_414 = arith.constant 320 : index
        %parallel_loop3A_415 = tpu.vector_load %parallel_loop3A_412[%parallel_loop3A_413, %parallel_loop3A_414] {strides = array<i32>} : memref<64x384xf32, #tpu.memory_space<vmem>>, vector<16xf32>,
        tpu.vector_store %parallel_loop3A_412[%parallel_loop3A_413, %parallel_loop3A_414], %parallel_loop3A_259 {strides = array<i32>} : memref<64x384xf32, #tpu.memory_space<vmem>>, vector<16xf32>,
        %parallel_loop3A_416 = arith.constant 0 : i32
        %parallel_loop3A_417 = arith.constant 0 : i32
        %parallel_loop3A_418 = tpu.memref_slice %arg6[%parallel_loop3A_126, %parallel_loop3A_416, %parallel_loop3A_417] : memref<4x64x384xf32, #tpu.memory_space<vmem>> -> memref<1x64x384xf32, #tpu.memory_space<vmem>>
        %parallel_loop3A_419 = tpu.memref_squeeze %parallel_loop3A_418 : memref<1x64x384xf32, #tpu.memory_space<vmem>> -> memref<64x384xf32, #tpu.memory_space<vmem>>
        %parallel_loop3A_420 = arith.index_cast %parallel_loop3A_170 : i32 to index
        %parallel_loop3A_421 = arith.constant 336 : index
        %parallel_loop3A_422 = tpu.vector_load %parallel_loop3A_419[%parallel_loop3A_420, %parallel_loop3A_421] {strides = array<i32>} : memref<64x384xf32, #tpu.memory_space<vmem>>, vector<16xf32>,
        tpu.vector_store %parallel_loop3A_419[%parallel_loop3A_420, %parallel_loop3A_421], %parallel_loop3A_262 {strides = array<i32>} : memref<64x384xf32, #tpu.memory_space<vmem>>, vector<16xf32>,
        %parallel_loop3A_423 = arith.constant 0 : i32
        %parallel_loop3A_424 = arith.constant 0 : i32
        %parallel_loop3A_425 = tpu.memref_slice %arg6[%parallel_loop3A_126, %parallel_loop3A_423, %parallel_loop3A_424] : memref<4x64x384xf32, #tpu.memory_space<vmem>> -> memref<1x64x384xf32, #tpu.memory_space<vmem>>
        %parallel_loop3A_426 = tpu.memref_squeeze %parallel_loop3A_425 : memref<1x64x384xf32, #tpu.memory_space<vmem>> -> memref<64x384xf32, #tpu.memory_space<vmem>>
        %parallel_loop3A_427 = arith.index_cast %parallel_loop3A_170 : i32 to index
        %parallel_loop3A_428 = arith.constant 352 : index
        %parallel_loop3A_429 = tpu.vector_load %parallel_loop3A_426[%parallel_loop3A_427, %parallel_loop3A_428] {strides = array<i32>} : memref<64x384xf32, #tpu.memory_space<vmem>>, vector<16xf32>,
        tpu.vector_store %parallel_loop3A_426[%parallel_loop3A_427, %parallel_loop3A_428], %parallel_loop3A_265 {strides = array<i32>} : memref<64x384xf32, #tpu.memory_space<vmem>>, vector<16xf32>,
        %parallel_loop3A_430 = arith.constant 0 : i32
        %parallel_loop3A_431 = arith.constant 0 : i32
        %parallel_loop3A_432 = tpu.memref_slice %arg6[%parallel_loop3A_126, %parallel_loop3A_430, %parallel_loop3A_431] : memref<4x64x384xf32, #tpu.memory_space<vmem>> -> memref<1x64x384xf32, #tpu.memory_space<vmem>>
        %parallel_loop3A_433 = tpu.memref_squeeze %parallel_loop3A_432 : memref<1x64x384xf32, #tpu.memory_space<vmem>> -> memref<64x384xf32, #tpu.memory_space<vmem>>
        %parallel_loop3A_434 = arith.index_cast %parallel_loop3A_170 : i32 to index
        %parallel_loop3A_435 = arith.constant 368 : index
        %parallel_loop3A_436 = tpu.vector_load %parallel_loop3A_433[%parallel_loop3A_434, %parallel_loop3A_435] {strides = array<i32>} : memref<64x384xf32, #tpu.memory_space<vmem>>, vector<16xf32>,
        tpu.vector_store %parallel_loop3A_433[%parallel_loop3A_434, %parallel_loop3A_435], %parallel_loop3A_268 {strides = array<i32>} : memref<64x384xf32, #tpu.memory_space<vmem>>, vector<16xf32>,
      } {sc.loop_unroll_factor = 2 : i64, sc.parallel_access}
      %mul3A_127 = arith.constant 64 : i32
      %mul3A_128 = arith.muli %add3A_117, %mul3A_127 : i32
      %add3A_129 = arith.addi %mul3A_2, %mul3A_128 : i32
      %dma_start3A_130 = arith.constant 2 : i32
      %dma_start3A_131 = arith.constant 0 : i32
      %dma_start3A_132 = arith.constant 0 : i32
      %dma_start3A_133 = tpu.memref_slice %arg6[%dma_start3A_130, %dma_start3A_131, %dma_start3A_132] : memref<4x64x384xf32, #tpu.memory_space<vmem>> -> memref<1x64x384xf32, #tpu.memory_space<vmem>>
      %dma_start3A_134 = tpu.memref_squeeze %dma_start3A_133 : memref<1x64x384xf32, #tpu.memory_space<vmem>> -> memref<64x384xf32, #tpu.memory_space<vmem>>
      %dma_start3A_135 = arith.constant 0 : i32
      %dma_start3A_136 = tpu.memref_slice %arg4[%add3A_129, %dma_start3A_135] : memref<32768x384xf32, #tpu.memory_space<hbm>> -> memref<64x384xf32, #tpu.memory_space<hbm>>
      %dma_start3A_137 = arith.constant 0 : i32
      %dma_start3A_138 = tpu.memref_slice %arg4[%add3A_129, %dma_start3A_137] : memref<32768x384xf32, #tpu.memory_space<hbm>> -> memref<64x384xf32, #tpu.memory_space<hbm>>
      %dma_start3A_139 = arith.constant 0 : i32
      %dma_start3A_140 = arith.constant 0 : i32
      %dma_start3A_141 = tpu.memref_slice %arg6[%dma_start3A_130, %dma_start3A_139, %dma_start3A_140] : memref<4x64x384xf32, #tpu.memory_space<vmem>> -> memref<1x64x384xf32, #tpu.memory_space<vmem>>
      %dma_start3A_142 = tpu.memref_squeeze %dma_start3A_141 : memref<1x64x384xf32, #tpu.memory_space<vmem>> -> memref<64x384xf32, #tpu.memory_space<vmem>>
      tpu.enqueue_dma source(%dma_start3A_142 : memref<64x384xf32, #tpu.memory_space<vmem>>) target(%dma_start3A_138 : memref<64x384xf32, #tpu.memory_space<hbm>>) target_semaphore(%arg8 : memref<!tpu.dma_semaphore, #tpu.memory_space<semaphore_mem>>)
      %add3A_143 = arith.constant 3 : i32
      %add3A_144 = arith.addi %add3A_65, %add3A_143 : i32
      %gt3A_145 = arith.constant 0 : i32
      %gt3A_146 = arith.cmpi sgt, %add3A_65, %gt3A_145 : i32
      %convert_element_type3A_147 = arith.extui %gt3A_146 : i1 to i32
      %cond3A_148 = arith.constant 0 : i32
      %cond3A_149 = arith.cmpi ne, %convert_element_type3A_147, %cond3A_148 : i32
      scf.if %cond3A_149 {
        %dma_wait3A_170 = arith.constant 3 : i32
        %dma_wait3A_171 = arith.constant 0 : i32
        %dma_wait3A_172 = arith.constant 0 : i32
        %dma_wait3A_173 = tpu.memref_slice %arg6[%dma_wait3A_170, %dma_wait3A_171, %dma_wait3A_172] : memref<4x64x384xf32, #tpu.memory_space<vmem>> -> memref<1x64x384xf32, #tpu.memory_space<vmem>>
        %dma_wait3A_174 = tpu.memref_squeeze %dma_wait3A_173 : memref<1x64x384xf32, #tpu.memory_space<vmem>> -> memref<64x384xf32, #tpu.memory_space<vmem>>
        %dma_wait3A_175 = arith.constant 0 : i32
        %dma_wait3A_176 = tpu.memref_slice %arg4[%mul3A_2, %dma_wait3A_175] : memref<32768x384xf32, #tpu.memory_space<hbm>> -> memref<64x384xf32, #tpu.memory_space<hbm>>
        %dma_wait3A_177 = arith.constant 0 : i32
        %dma_wait3A_178 = tpu.memref_slice %arg4[%mul3A_2, %dma_wait3A_177] : memref<32768x384xf32, #tpu.memory_space<hbm>> -> memref<64x384xf32, #tpu.memory_space<hbm>>
        %dma_wait3A_179 = arith.constant 0 : i32
        %dma_wait3A_180 = arith.constant 0 : i32
        %dma_wait3A_181 = tpu.memref_slice %arg6[%dma_wait3A_170, %dma_wait3A_179, %dma_wait3A_180] : memref<4x64x384xf32, #tpu.memory_space<vmem>> -> memref<1x64x384xf32, #tpu.memory_space<vmem>>
        %dma_wait3A_182 = tpu.memref_squeeze %dma_wait3A_181 : memref<1x64x384xf32, #tpu.memory_space<vmem>> -> memref<64x384xf32, #tpu.memory_space<vmem>>
        tpu.wait_dma2 semaphore(%arg8 : memref<!tpu.dma_semaphore, #tpu.memory_space<semaphore_mem>>) src(%dma_wait3A_182 : memref<64x384xf32, #tpu.memory_space<vmem>>) dst(%dma_wait3A_178 : memref<64x384xf32, #tpu.memory_space<hbm>>)
      } else {
      }
      %parallel_loop3A_150 = arith.constant 0 : i32
      %parallel_loop3A_151 = arith.constant 64 : i32
      %parallel_loop3A_152 = arith.constant 1 : i32
      %parallel_loop3A_153 = arith.constant 3 : i32
      scf.for %parallel_loop3A_170 = %parallel_loop3A_150 to %parallel_loop3A_151 step %parallel_loop3A_152  : i32 {
        %parallel_loop3A_171 = arith.constant 16 : i32
        %parallel_loop3A_172 = arith.remsi %parallel_loop3A_170, %parallel_loop3A_171 : i32
        %parallel_loop3A_173 = arith.subi %parallel_loop3A_170, %parallel_loop3A_172 : i32
        %parallel_loop3A_174 = arith.constant 64 : i32
        %parallel_loop3A_175 = arith.muli %add3A_144, %parallel_loop3A_174 : i32
        %parallel_loop3A_176 = arith.addi %parallel_loop3A_175, %parallel_loop3A_173 : i32
        %parallel_loop3A_177 = arith.index_cast %parallel_loop3A_176 : i32 to index
        %parallel_loop3A_178 = tpu.vector_load %arg5[%parallel_loop3A_177] {strides = array<i32>} : memref<1024xi32, #tpu.memory_space<vmem>>, vector<16xi32>,
        %parallel_loop3A_179 = arith.constant 0 : i32
        %parallel_loop3A_180 = vector.broadcast %parallel_loop3A_179 : i32 to vector<16xi32>
        %parallel_loop3A_181 = vector.broadcast %parallel_loop3A_172 : i32 to vector<16xi32>
        %parallel_loop3A_182 = arith.addi %parallel_loop3A_180, %parallel_loop3A_181 : vector<16xi32>
        %parallel_loop3A_183 = arith.constant 0 : i32
        %parallel_loop3A_184 = vector.broadcast %parallel_loop3A_183 : i32 to vector<16xi32>
        %parallel_loop3A_185 = arith.cmpi slt, %parallel_loop3A_182, %parallel_loop3A_184 : vector<16xi32>
        %parallel_loop3A_186 = arith.constant 16 : i32
        %parallel_loop3A_187 = vector.broadcast %parallel_loop3A_186 : i32 to vector<16xi32>
        %parallel_loop3A_188 = arith.addi %parallel_loop3A_182, %parallel_loop3A_187 : vector<16xi32>
        %parallel_loop3A_189 = arith.select %parallel_loop3A_185, %parallel_loop3A_188, %parallel_loop3A_182 : vector<16xi1>, vector<16xi32>
        %parallel_loop3A_190 = vector.shape_cast %parallel_loop3A_189 : vector<16xi32> to vector<16x1xi32>
        %parallel_loop3A_191 = vector.shape_cast %parallel_loop3A_190 : vector<16x1xi32> to vector<16xi32>
        %parallel_loop3A_192 = tpu.dynamic_gather %parallel_loop3A_178[%parallel_loop3A_191] in [0] : vector<16xi32>, vector<16xi32> -> vector<16xi32>
        %parallel_loop3A_193 = arith.constant 384 : i32
        %parallel_loop3A_194 = vector.broadcast %parallel_loop3A_193 : i32 to vector<16xi32>
        %parallel_loop3A_195 = arith.muli %parallel_loop3A_192, %parallel_loop3A_194 : vector<16xi32>
        %parallel_loop3A_196 = arith.addi %parallel_loop3A_195, %iota3A : vector<16xi32>
        %parallel_loop3A_197 = arith.constant 0 : i32
        %parallel_loop3A_198 = tpu.memref_slice %arg7[%parallel_loop3A_197] : memref<1920xf32, #tpu.memory_space<vmem>> -> memref<1920xf32, #tpu.memory_space<vmem>>
        %parallel_loop3A_199 = tpu.vector_load_idx %parallel_loop3A_198[%parallel_loop3A_196] : memref<1920xf32, #tpu.memory_space<vmem>>[vector<16xi32>], vector<16xf32>,
        %parallel_loop3A_200 = arith.constant 16 : i32
        %parallel_loop3A_201 = tpu.memref_slice %arg7[%parallel_loop3A_200] : memref<1920xf32, #tpu.memory_space<vmem>> -> memref<1904xf32, #tpu.memory_space<vmem>>
        %parallel_loop3A_202 = tpu.vector_load_idx %parallel_loop3A_201[%parallel_loop3A_196] : memref<1904xf32, #tpu.memory_space<vmem>>[vector<16xi32>], vector<16xf32>,
        %parallel_loop3A_203 = arith.constant 32 : i32
        %parallel_loop3A_204 = tpu.memref_slice %arg7[%parallel_loop3A_203] : memref<1920xf32, #tpu.memory_space<vmem>> -> memref<1888xf32, #tpu.memory_space<vmem>>
        %parallel_loop3A_205 = tpu.vector_load_idx %parallel_loop3A_204[%parallel_loop3A_196] : memref<1888xf32, #tpu.memory_space<vmem>>[vector<16xi32>], vector<16xf32>,
        %parallel_loop3A_206 = arith.constant 48 : i32
        %parallel_loop3A_207 = tpu.memref_slice %arg7[%parallel_loop3A_206] : memref<1920xf32, #tpu.memory_space<vmem>> -> memref<1872xf32, #tpu.memory_space<vmem>>
        %parallel_loop3A_208 = tpu.vector_load_idx %parallel_loop3A_207[%parallel_loop3A_196] : memref<1872xf32, #tpu.memory_space<vmem>>[vector<16xi32>], vector<16xf32>,
        %parallel_loop3A_209 = arith.constant 64 : i32
        %parallel_loop3A_210 = tpu.memref_slice %arg7[%parallel_loop3A_209] : memref<1920xf32, #tpu.memory_space<vmem>> -> memref<1856xf32, #tpu.memory_space<vmem>>
        %parallel_loop3A_211 = tpu.vector_load_idx %parallel_loop3A_210[%parallel_loop3A_196] : memref<1856xf32, #tpu.memory_space<vmem>>[vector<16xi32>], vector<16xf32>,
        %parallel_loop3A_212 = arith.constant 80 : i32
        %parallel_loop3A_213 = tpu.memref_slice %arg7[%parallel_loop3A_212] : memref<1920xf32, #tpu.memory_space<vmem>> -> memref<1840xf32, #tpu.memory_space<vmem>>
        %parallel_loop3A_214 = tpu.vector_load_idx %parallel_loop3A_213[%parallel_loop3A_196] : memref<1840xf32, #tpu.memory_space<vmem>>[vector<16xi32>], vector<16xf32>,
        %parallel_loop3A_215 = arith.constant 96 : i32
        %parallel_loop3A_216 = tpu.memref_slice %arg7[%parallel_loop3A_215] : memref<1920xf32, #tpu.memory_space<vmem>> -> memref<1824xf32, #tpu.memory_space<vmem>>
        %parallel_loop3A_217 = tpu.vector_load_idx %parallel_loop3A_216[%parallel_loop3A_196] : memref<1824xf32, #tpu.memory_space<vmem>>[vector<16xi32>], vector<16xf32>,
        %parallel_loop3A_218 = arith.constant 112 : i32
        %parallel_loop3A_219 = tpu.memref_slice %arg7[%parallel_loop3A_218] : memref<1920xf32, #tpu.memory_space<vmem>> -> memref<1808xf32, #tpu.memory_space<vmem>>
        %parallel_loop3A_220 = tpu.vector_load_idx %parallel_loop3A_219[%parallel_loop3A_196] : memref<1808xf32, #tpu.memory_space<vmem>>[vector<16xi32>], vector<16xf32>,
        %parallel_loop3A_221 = arith.constant 128 : i32
        %parallel_loop3A_222 = tpu.memref_slice %arg7[%parallel_loop3A_221] : memref<1920xf32, #tpu.memory_space<vmem>> -> memref<1792xf32, #tpu.memory_space<vmem>>
        %parallel_loop3A_223 = tpu.vector_load_idx %parallel_loop3A_222[%parallel_loop3A_196] : memref<1792xf32, #tpu.memory_space<vmem>>[vector<16xi32>], vector<16xf32>,
        %parallel_loop3A_224 = arith.constant 144 : i32
        %parallel_loop3A_225 = tpu.memref_slice %arg7[%parallel_loop3A_224] : memref<1920xf32, #tpu.memory_space<vmem>> -> memref<1776xf32, #tpu.memory_space<vmem>>
        %parallel_loop3A_226 = tpu.vector_load_idx %parallel_loop3A_225[%parallel_loop3A_196] : memref<1776xf32, #tpu.memory_space<vmem>>[vector<16xi32>], vector<16xf32>,
        %parallel_loop3A_227 = arith.constant 160 : i32
        %parallel_loop3A_228 = tpu.memref_slice %arg7[%parallel_loop3A_227] : memref<1920xf32, #tpu.memory_space<vmem>> -> memref<1760xf32, #tpu.memory_space<vmem>>
        %parallel_loop3A_229 = tpu.vector_load_idx %parallel_loop3A_228[%parallel_loop3A_196] : memref<1760xf32, #tpu.memory_space<vmem>>[vector<16xi32>], vector<16xf32>,
        %parallel_loop3A_230 = arith.constant 176 : i32
        %parallel_loop3A_231 = tpu.memref_slice %arg7[%parallel_loop3A_230] : memref<1920xf32, #tpu.memory_space<vmem>> -> memref<1744xf32, #tpu.memory_space<vmem>>
        %parallel_loop3A_232 = tpu.vector_load_idx %parallel_loop3A_231[%parallel_loop3A_196] : memref<1744xf32, #tpu.memory_space<vmem>>[vector<16xi32>], vector<16xf32>,
        %parallel_loop3A_233 = arith.constant 192 : i32
        %parallel_loop3A_234 = tpu.memref_slice %arg7[%parallel_loop3A_233] : memref<1920xf32, #tpu.memory_space<vmem>> -> memref<1728xf32, #tpu.memory_space<vmem>>
        %parallel_loop3A_235 = tpu.vector_load_idx %parallel_loop3A_234[%parallel_loop3A_196] : memref<1728xf32, #tpu.memory_space<vmem>>[vector<16xi32>], vector<16xf32>,
        %parallel_loop3A_236 = arith.constant 208 : i32
        %parallel_loop3A_237 = tpu.memref_slice %arg7[%parallel_loop3A_236] : memref<1920xf32, #tpu.memory_space<vmem>> -> memref<1712xf32, #tpu.memory_space<vmem>>
        %parallel_loop3A_238 = tpu.vector_load_idx %parallel_loop3A_237[%parallel_loop3A_196] : memref<1712xf32, #tpu.memory_space<vmem>>[vector<16xi32>], vector<16xf32>,
        %parallel_loop3A_239 = arith.constant 224 : i32
        %parallel_loop3A_240 = tpu.memref_slice %arg7[%parallel_loop3A_239] : memref<1920xf32, #tpu.memory_space<vmem>> -> memref<1696xf32, #tpu.memory_space<vmem>>
        %parallel_loop3A_241 = tpu.vector_load_idx %parallel_loop3A_240[%parallel_loop3A_196] : memref<1696xf32, #tpu.memory_space<vmem>>[vector<16xi32>], vector<16xf32>,
        %parallel_loop3A_242 = arith.constant 240 : i32
        %parallel_loop3A_243 = tpu.memref_slice %arg7[%parallel_loop3A_242] : memref<1920xf32, #tpu.memory_space<vmem>> -> memref<1680xf32, #tpu.memory_space<vmem>>
        %parallel_loop3A_244 = tpu.vector_load_idx %parallel_loop3A_243[%parallel_loop3A_196] : memref<1680xf32, #tpu.memory_space<vmem>>[vector<16xi32>], vector<16xf32>,
        %parallel_loop3A_245 = arith.constant 256 : i32
        %parallel_loop3A_246 = tpu.memref_slice %arg7[%parallel_loop3A_245] : memref<1920xf32, #tpu.memory_space<vmem>> -> memref<1664xf32, #tpu.memory_space<vmem>>
        %parallel_loop3A_247 = tpu.vector_load_idx %parallel_loop3A_246[%parallel_loop3A_196] : memref<1664xf32, #tpu.memory_space<vmem>>[vector<16xi32>], vector<16xf32>,
        %parallel_loop3A_248 = arith.constant 272 : i32
        %parallel_loop3A_249 = tpu.memref_slice %arg7[%parallel_loop3A_248] : memref<1920xf32, #tpu.memory_space<vmem>> -> memref<1648xf32, #tpu.memory_space<vmem>>
        %parallel_loop3A_250 = tpu.vector_load_idx %parallel_loop3A_249[%parallel_loop3A_196] : memref<1648xf32, #tpu.memory_space<vmem>>[vector<16xi32>], vector<16xf32>,
        %parallel_loop3A_251 = arith.constant 288 : i32
        %parallel_loop3A_252 = tpu.memref_slice %arg7[%parallel_loop3A_251] : memref<1920xf32, #tpu.memory_space<vmem>> -> memref<1632xf32, #tpu.memory_space<vmem>>
        %parallel_loop3A_253 = tpu.vector_load_idx %parallel_loop3A_252[%parallel_loop3A_196] : memref<1632xf32, #tpu.memory_space<vmem>>[vector<16xi32>], vector<16xf32>,
        %parallel_loop3A_254 = arith.constant 304 : i32
        %parallel_loop3A_255 = tpu.memref_slice %arg7[%parallel_loop3A_254] : memref<1920xf32, #tpu.memory_space<vmem>> -> memref<1616xf32, #tpu.memory_space<vmem>>
        %parallel_loop3A_256 = tpu.vector_load_idx %parallel_loop3A_255[%parallel_loop3A_196] : memref<1616xf32, #tpu.memory_space<vmem>>[vector<16xi32>], vector<16xf32>,
        %parallel_loop3A_257 = arith.constant 320 : i32
        %parallel_loop3A_258 = tpu.memref_slice %arg7[%parallel_loop3A_257] : memref<1920xf32, #tpu.memory_space<vmem>> -> memref<1600xf32, #tpu.memory_space<vmem>>
        %parallel_loop3A_259 = tpu.vector_load_idx %parallel_loop3A_258[%parallel_loop3A_196] : memref<1600xf32, #tpu.memory_space<vmem>>[vector<16xi32>], vector<16xf32>,
        %parallel_loop3A_260 = arith.constant 336 : i32
        %parallel_loop3A_261 = tpu.memref_slice %arg7[%parallel_loop3A_260] : memref<1920xf32, #tpu.memory_space<vmem>> -> memref<1584xf32, #tpu.memory_space<vmem>>
        %parallel_loop3A_262 = tpu.vector_load_idx %parallel_loop3A_261[%parallel_loop3A_196] : memref<1584xf32, #tpu.memory_space<vmem>>[vector<16xi32>], vector<16xf32>,
        %parallel_loop3A_263 = arith.constant 352 : i32
        %parallel_loop3A_264 = tpu.memref_slice %arg7[%parallel_loop3A_263] : memref<1920xf32, #tpu.memory_space<vmem>> -> memref<1568xf32, #tpu.memory_space<vmem>>
        %parallel_loop3A_265 = tpu.vector_load_idx %parallel_loop3A_264[%parallel_loop3A_196] : memref<1568xf32, #tpu.memory_space<vmem>>[vector<16xi32>], vector<16xf32>,
        %parallel_loop3A_266 = arith.constant 368 : i32
        %parallel_loop3A_267 = tpu.memref_slice %arg7[%parallel_loop3A_266] : memref<1920xf32, #tpu.memory_space<vmem>> -> memref<1552xf32, #tpu.memory_space<vmem>>
        %parallel_loop3A_268 = tpu.vector_load_idx %parallel_loop3A_267[%parallel_loop3A_196] : memref<1552xf32, #tpu.memory_space<vmem>>[vector<16xi32>], vector<16xf32>,
        %parallel_loop3A_269 = arith.constant 0 : i32
        %parallel_loop3A_270 = arith.constant 0 : i32
        %parallel_loop3A_271 = tpu.memref_slice %arg6[%parallel_loop3A_153, %parallel_loop3A_269, %parallel_loop3A_270] : memref<4x64x384xf32, #tpu.memory_space<vmem>> -> memref<1x64x384xf32, #tpu.memory_space<vmem>>
        %parallel_loop3A_272 = tpu.memref_squeeze %parallel_loop3A_271 : memref<1x64x384xf32, #tpu.memory_space<vmem>> -> memref<64x384xf32, #tpu.memory_space<vmem>>
        %parallel_loop3A_273 = arith.index_cast %parallel_loop3A_170 : i32 to index
        %parallel_loop3A_274 = arith.constant 0 : index
        %parallel_loop3A_275 = tpu.vector_load %parallel_loop3A_272[%parallel_loop3A_273, %parallel_loop3A_274] {strides = array<i32>} : memref<64x384xf32, #tpu.memory_space<vmem>>, vector<16xf32>,
        tpu.vector_store %parallel_loop3A_272[%parallel_loop3A_273, %parallel_loop3A_274], %parallel_loop3A_199 {strides = array<i32>} : memref<64x384xf32, #tpu.memory_space<vmem>>, vector<16xf32>,
        %parallel_loop3A_276 = arith.constant 0 : i32
        %parallel_loop3A_277 = arith.constant 0 : i32
        %parallel_loop3A_278 = tpu.memref_slice %arg6[%parallel_loop3A_153, %parallel_loop3A_276, %parallel_loop3A_277] : memref<4x64x384xf32, #tpu.memory_space<vmem>> -> memref<1x64x384xf32, #tpu.memory_space<vmem>>
        %parallel_loop3A_279 = tpu.memref_squeeze %parallel_loop3A_278 : memref<1x64x384xf32, #tpu.memory_space<vmem>> -> memref<64x384xf32, #tpu.memory_space<vmem>>
        %parallel_loop3A_280 = arith.index_cast %parallel_loop3A_170 : i32 to index
        %parallel_loop3A_281 = arith.constant 16 : index
        %parallel_loop3A_282 = tpu.vector_load %parallel_loop3A_279[%parallel_loop3A_280, %parallel_loop3A_281] {strides = array<i32>} : memref<64x384xf32, #tpu.memory_space<vmem>>, vector<16xf32>,
        tpu.vector_store %parallel_loop3A_279[%parallel_loop3A_280, %parallel_loop3A_281], %parallel_loop3A_202 {strides = array<i32>} : memref<64x384xf32, #tpu.memory_space<vmem>>, vector<16xf32>,
        %parallel_loop3A_283 = arith.constant 0 : i32
        %parallel_loop3A_284 = arith.constant 0 : i32
        %parallel_loop3A_285 = tpu.memref_slice %arg6[%parallel_loop3A_153, %parallel_loop3A_283, %parallel_loop3A_284] : memref<4x64x384xf32, #tpu.memory_space<vmem>> -> memref<1x64x384xf32, #tpu.memory_space<vmem>>
        %parallel_loop3A_286 = tpu.memref_squeeze %parallel_loop3A_285 : memref<1x64x384xf32, #tpu.memory_space<vmem>> -> memref<64x384xf32, #tpu.memory_space<vmem>>
        %parallel_loop3A_287 = arith.index_cast %parallel_loop3A_170 : i32 to index
        %parallel_loop3A_288 = arith.constant 32 : index
        %parallel_loop3A_289 = tpu.vector_load %parallel_loop3A_286[%parallel_loop3A_287, %parallel_loop3A_288] {strides = array<i32>} : memref<64x384xf32, #tpu.memory_space<vmem>>, vector<16xf32>,
        tpu.vector_store %parallel_loop3A_286[%parallel_loop3A_287, %parallel_loop3A_288], %parallel_loop3A_205 {strides = array<i32>} : memref<64x384xf32, #tpu.memory_space<vmem>>, vector<16xf32>,
        %parallel_loop3A_290 = arith.constant 0 : i32
        %parallel_loop3A_291 = arith.constant 0 : i32
        %parallel_loop3A_292 = tpu.memref_slice %arg6[%parallel_loop3A_153, %parallel_loop3A_290, %parallel_loop3A_291] : memref<4x64x384xf32, #tpu.memory_space<vmem>> -> memref<1x64x384xf32, #tpu.memory_space<vmem>>
        %parallel_loop3A_293 = tpu.memref_squeeze %parallel_loop3A_292 : memref<1x64x384xf32, #tpu.memory_space<vmem>> -> memref<64x384xf32, #tpu.memory_space<vmem>>
        %parallel_loop3A_294 = arith.index_cast %parallel_loop3A_170 : i32 to index
        %parallel_loop3A_295 = arith.constant 48 : index
        %parallel_loop3A_296 = tpu.vector_load %parallel_loop3A_293[%parallel_loop3A_294, %parallel_loop3A_295] {strides = array<i32>} : memref<64x384xf32, #tpu.memory_space<vmem>>, vector<16xf32>,
        tpu.vector_store %parallel_loop3A_293[%parallel_loop3A_294, %parallel_loop3A_295], %parallel_loop3A_208 {strides = array<i32>} : memref<64x384xf32, #tpu.memory_space<vmem>>, vector<16xf32>,
        %parallel_loop3A_297 = arith.constant 0 : i32
        %parallel_loop3A_298 = arith.constant 0 : i32
        %parallel_loop3A_299 = tpu.memref_slice %arg6[%parallel_loop3A_153, %parallel_loop3A_297, %parallel_loop3A_298] : memref<4x64x384xf32, #tpu.memory_space<vmem>> -> memref<1x64x384xf32, #tpu.memory_space<vmem>>
        %parallel_loop3A_300 = tpu.memref_squeeze %parallel_loop3A_299 : memref<1x64x384xf32, #tpu.memory_space<vmem>> -> memref<64x384xf32, #tpu.memory_space<vmem>>
        %parallel_loop3A_301 = arith.index_cast %parallel_loop3A_170 : i32 to index
        %parallel_loop3A_302 = arith.constant 64 : index
        %parallel_loop3A_303 = tpu.vector_load %parallel_loop3A_300[%parallel_loop3A_301, %parallel_loop3A_302] {strides = array<i32>} : memref<64x384xf32, #tpu.memory_space<vmem>>, vector<16xf32>,
        tpu.vector_store %parallel_loop3A_300[%parallel_loop3A_301, %parallel_loop3A_302], %parallel_loop3A_211 {strides = array<i32>} : memref<64x384xf32, #tpu.memory_space<vmem>>, vector<16xf32>,
        %parallel_loop3A_304 = arith.constant 0 : i32
        %parallel_loop3A_305 = arith.constant 0 : i32
        %parallel_loop3A_306 = tpu.memref_slice %arg6[%parallel_loop3A_153, %parallel_loop3A_304, %parallel_loop3A_305] : memref<4x64x384xf32, #tpu.memory_space<vmem>> -> memref<1x64x384xf32, #tpu.memory_space<vmem>>
        %parallel_loop3A_307 = tpu.memref_squeeze %parallel_loop3A_306 : memref<1x64x384xf32, #tpu.memory_space<vmem>> -> memref<64x384xf32, #tpu.memory_space<vmem>>
        %parallel_loop3A_308 = arith.index_cast %parallel_loop3A_170 : i32 to index
        %parallel_loop3A_309 = arith.constant 80 : index
        %parallel_loop3A_310 = tpu.vector_load %parallel_loop3A_307[%parallel_loop3A_308, %parallel_loop3A_309] {strides = array<i32>} : memref<64x384xf32, #tpu.memory_space<vmem>>, vector<16xf32>,
        tpu.vector_store %parallel_loop3A_307[%parallel_loop3A_308, %parallel_loop3A_309], %parallel_loop3A_214 {strides = array<i32>} : memref<64x384xf32, #tpu.memory_space<vmem>>, vector<16xf32>,
        %parallel_loop3A_311 = arith.constant 0 : i32
        %parallel_loop3A_312 = arith.constant 0 : i32
        %parallel_loop3A_313 = tpu.memref_slice %arg6[%parallel_loop3A_153, %parallel_loop3A_311, %parallel_loop3A_312] : memref<4x64x384xf32, #tpu.memory_space<vmem>> -> memref<1x64x384xf32, #tpu.memory_space<vmem>>
        %parallel_loop3A_314 = tpu.memref_squeeze %parallel_loop3A_313 : memref<1x64x384xf32, #tpu.memory_space<vmem>> -> memref<64x384xf32, #tpu.memory_space<vmem>>
        %parallel_loop3A_315 = arith.index_cast %parallel_loop3A_170 : i32 to index
        %parallel_loop3A_316 = arith.constant 96 : index
        %parallel_loop3A_317 = tpu.vector_load %parallel_loop3A_314[%parallel_loop3A_315, %parallel_loop3A_316] {strides = array<i32>} : memref<64x384xf32, #tpu.memory_space<vmem>>, vector<16xf32>,
        tpu.vector_store %parallel_loop3A_314[%parallel_loop3A_315, %parallel_loop3A_316], %parallel_loop3A_217 {strides = array<i32>} : memref<64x384xf32, #tpu.memory_space<vmem>>, vector<16xf32>,
        %parallel_loop3A_318 = arith.constant 0 : i32
        %parallel_loop3A_319 = arith.constant 0 : i32
        %parallel_loop3A_320 = tpu.memref_slice %arg6[%parallel_loop3A_153, %parallel_loop3A_318, %parallel_loop3A_319] : memref<4x64x384xf32, #tpu.memory_space<vmem>> -> memref<1x64x384xf32, #tpu.memory_space<vmem>>
        %parallel_loop3A_321 = tpu.memref_squeeze %parallel_loop3A_320 : memref<1x64x384xf32, #tpu.memory_space<vmem>> -> memref<64x384xf32, #tpu.memory_space<vmem>>
        %parallel_loop3A_322 = arith.index_cast %parallel_loop3A_170 : i32 to index
        %parallel_loop3A_323 = arith.constant 112 : index
        %parallel_loop3A_324 = tpu.vector_load %parallel_loop3A_321[%parallel_loop3A_322, %parallel_loop3A_323] {strides = array<i32>} : memref<64x384xf32, #tpu.memory_space<vmem>>, vector<16xf32>,
        tpu.vector_store %parallel_loop3A_321[%parallel_loop3A_322, %parallel_loop3A_323], %parallel_loop3A_220 {strides = array<i32>} : memref<64x384xf32, #tpu.memory_space<vmem>>, vector<16xf32>,
        %parallel_loop3A_325 = arith.constant 0 : i32
        %parallel_loop3A_326 = arith.constant 0 : i32
        %parallel_loop3A_327 = tpu.memref_slice %arg6[%parallel_loop3A_153, %parallel_loop3A_325, %parallel_loop3A_326] : memref<4x64x384xf32, #tpu.memory_space<vmem>> -> memref<1x64x384xf32, #tpu.memory_space<vmem>>
        %parallel_loop3A_328 = tpu.memref_squeeze %parallel_loop3A_327 : memref<1x64x384xf32, #tpu.memory_space<vmem>> -> memref<64x384xf32, #tpu.memory_space<vmem>>
        %parallel_loop3A_329 = arith.index_cast %parallel_loop3A_170 : i32 to index
        %parallel_loop3A_330 = arith.constant 128 : index
        %parallel_loop3A_331 = tpu.vector_load %parallel_loop3A_328[%parallel_loop3A_329, %parallel_loop3A_330] {strides = array<i32>} : memref<64x384xf32, #tpu.memory_space<vmem>>, vector<16xf32>,
        tpu.vector_store %parallel_loop3A_328[%parallel_loop3A_329, %parallel_loop3A_330], %parallel_loop3A_223 {strides = array<i32>} : memref<64x384xf32, #tpu.memory_space<vmem>>, vector<16xf32>,
        %parallel_loop3A_332 = arith.constant 0 : i32
        %parallel_loop3A_333 = arith.constant 0 : i32
        %parallel_loop3A_334 = tpu.memref_slice %arg6[%parallel_loop3A_153, %parallel_loop3A_332, %parallel_loop3A_333] : memref<4x64x384xf32, #tpu.memory_space<vmem>> -> memref<1x64x384xf32, #tpu.memory_space<vmem>>
        %parallel_loop3A_335 = tpu.memref_squeeze %parallel_loop3A_334 : memref<1x64x384xf32, #tpu.memory_space<vmem>> -> memref<64x384xf32, #tpu.memory_space<vmem>>
        %parallel_loop3A_336 = arith.index_cast %parallel_loop3A_170 : i32 to index
        %parallel_loop3A_337 = arith.constant 144 : index
        %parallel_loop3A_338 = tpu.vector_load %parallel_loop3A_335[%parallel_loop3A_336, %parallel_loop3A_337] {strides = array<i32>} : memref<64x384xf32, #tpu.memory_space<vmem>>, vector<16xf32>,
        tpu.vector_store %parallel_loop3A_335[%parallel_loop3A_336, %parallel_loop3A_337], %parallel_loop3A_226 {strides = array<i32>} : memref<64x384xf32, #tpu.memory_space<vmem>>, vector<16xf32>,
        %parallel_loop3A_339 = arith.constant 0 : i32
        %parallel_loop3A_340 = arith.constant 0 : i32
        %parallel_loop3A_341 = tpu.memref_slice %arg6[%parallel_loop3A_153, %parallel_loop3A_339, %parallel_loop3A_340] : memref<4x64x384xf32, #tpu.memory_space<vmem>> -> memref<1x64x384xf32, #tpu.memory_space<vmem>>
        %parallel_loop3A_342 = tpu.memref_squeeze %parallel_loop3A_341 : memref<1x64x384xf32, #tpu.memory_space<vmem>> -> memref<64x384xf32, #tpu.memory_space<vmem>>
        %parallel_loop3A_343 = arith.index_cast %parallel_loop3A_170 : i32 to index
        %parallel_loop3A_344 = arith.constant 160 : index
        %parallel_loop3A_345 = tpu.vector_load %parallel_loop3A_342[%parallel_loop3A_343, %parallel_loop3A_344] {strides = array<i32>} : memref<64x384xf32, #tpu.memory_space<vmem>>, vector<16xf32>,
        tpu.vector_store %parallel_loop3A_342[%parallel_loop3A_343, %parallel_loop3A_344], %parallel_loop3A_229 {strides = array<i32>} : memref<64x384xf32, #tpu.memory_space<vmem>>, vector<16xf32>,
        %parallel_loop3A_346 = arith.constant 0 : i32
        %parallel_loop3A_347 = arith.constant 0 : i32
        %parallel_loop3A_348 = tpu.memref_slice %arg6[%parallel_loop3A_153, %parallel_loop3A_346, %parallel_loop3A_347] : memref<4x64x384xf32, #tpu.memory_space<vmem>> -> memref<1x64x384xf32, #tpu.memory_space<vmem>>
        %parallel_loop3A_349 = tpu.memref_squeeze %parallel_loop3A_348 : memref<1x64x384xf32, #tpu.memory_space<vmem>> -> memref<64x384xf32, #tpu.memory_space<vmem>>
        %parallel_loop3A_350 = arith.index_cast %parallel_loop3A_170 : i32 to index
        %parallel_loop3A_351 = arith.constant 176 : index
        %parallel_loop3A_352 = tpu.vector_load %parallel_loop3A_349[%parallel_loop3A_350, %parallel_loop3A_351] {strides = array<i32>} : memref<64x384xf32, #tpu.memory_space<vmem>>, vector<16xf32>,
        tpu.vector_store %parallel_loop3A_349[%parallel_loop3A_350, %parallel_loop3A_351], %parallel_loop3A_232 {strides = array<i32>} : memref<64x384xf32, #tpu.memory_space<vmem>>, vector<16xf32>,
        %parallel_loop3A_353 = arith.constant 0 : i32
        %parallel_loop3A_354 = arith.constant 0 : i32
        %parallel_loop3A_355 = tpu.memref_slice %arg6[%parallel_loop3A_153, %parallel_loop3A_353, %parallel_loop3A_354] : memref<4x64x384xf32, #tpu.memory_space<vmem>> -> memref<1x64x384xf32, #tpu.memory_space<vmem>>
        %parallel_loop3A_356 = tpu.memref_squeeze %parallel_loop3A_355 : memref<1x64x384xf32, #tpu.memory_space<vmem>> -> memref<64x384xf32, #tpu.memory_space<vmem>>
        %parallel_loop3A_357 = arith.index_cast %parallel_loop3A_170 : i32 to index
        %parallel_loop3A_358 = arith.constant 192 : index
        %parallel_loop3A_359 = tpu.vector_load %parallel_loop3A_356[%parallel_loop3A_357, %parallel_loop3A_358] {strides = array<i32>} : memref<64x384xf32, #tpu.memory_space<vmem>>, vector<16xf32>,
        tpu.vector_store %parallel_loop3A_356[%parallel_loop3A_357, %parallel_loop3A_358], %parallel_loop3A_235 {strides = array<i32>} : memref<64x384xf32, #tpu.memory_space<vmem>>, vector<16xf32>,
        %parallel_loop3A_360 = arith.constant 0 : i32
        %parallel_loop3A_361 = arith.constant 0 : i32
        %parallel_loop3A_362 = tpu.memref_slice %arg6[%parallel_loop3A_153, %parallel_loop3A_360, %parallel_loop3A_361] : memref<4x64x384xf32, #tpu.memory_space<vmem>> -> memref<1x64x384xf32, #tpu.memory_space<vmem>>
        %parallel_loop3A_363 = tpu.memref_squeeze %parallel_loop3A_362 : memref<1x64x384xf32, #tpu.memory_space<vmem>> -> memref<64x384xf32, #tpu.memory_space<vmem>>
        %parallel_loop3A_364 = arith.index_cast %parallel_loop3A_170 : i32 to index
        %parallel_loop3A_365 = arith.constant 208 : index
        %parallel_loop3A_366 = tpu.vector_load %parallel_loop3A_363[%parallel_loop3A_364, %parallel_loop3A_365] {strides = array<i32>} : memref<64x384xf32, #tpu.memory_space<vmem>>, vector<16xf32>,
        tpu.vector_store %parallel_loop3A_363[%parallel_loop3A_364, %parallel_loop3A_365], %parallel_loop3A_238 {strides = array<i32>} : memref<64x384xf32, #tpu.memory_space<vmem>>, vector<16xf32>,
        %parallel_loop3A_367 = arith.constant 0 : i32
        %parallel_loop3A_368 = arith.constant 0 : i32
        %parallel_loop3A_369 = tpu.memref_slice %arg6[%parallel_loop3A_153, %parallel_loop3A_367, %parallel_loop3A_368] : memref<4x64x384xf32, #tpu.memory_space<vmem>> -> memref<1x64x384xf32, #tpu.memory_space<vmem>>
        %parallel_loop3A_370 = tpu.memref_squeeze %parallel_loop3A_369 : memref<1x64x384xf32, #tpu.memory_space<vmem>> -> memref<64x384xf32, #tpu.memory_space<vmem>>
        %parallel_loop3A_371 = arith.index_cast %parallel_loop3A_170 : i32 to index
        %parallel_loop3A_372 = arith.constant 224 : index
        %parallel_loop3A_373 = tpu.vector_load %parallel_loop3A_370[%parallel_loop3A_371, %parallel_loop3A_372] {strides = array<i32>} : memref<64x384xf32, #tpu.memory_space<vmem>>, vector<16xf32>,
        tpu.vector_store %parallel_loop3A_370[%parallel_loop3A_371, %parallel_loop3A_372], %parallel_loop3A_241 {strides = array<i32>} : memref<64x384xf32, #tpu.memory_space<vmem>>, vector<16xf32>,
        %parallel_loop3A_374 = arith.constant 0 : i32
        %parallel_loop3A_375 = arith.constant 0 : i32
        %parallel_loop3A_376 = tpu.memref_slice %arg6[%parallel_loop3A_153, %parallel_loop3A_374, %parallel_loop3A_375] : memref<4x64x384xf32, #tpu.memory_space<vmem>> -> memref<1x64x384xf32, #tpu.memory_space<vmem>>
        %parallel_loop3A_377 = tpu.memref_squeeze %parallel_loop3A_376 : memref<1x64x384xf32, #tpu.memory_space<vmem>> -> memref<64x384xf32, #tpu.memory_space<vmem>>
        %parallel_loop3A_378 = arith.index_cast %parallel_loop3A_170 : i32 to index
        %parallel_loop3A_379 = arith.constant 240 : index
        %parallel_loop3A_380 = tpu.vector_load %parallel_loop3A_377[%parallel_loop3A_378, %parallel_loop3A_379] {strides = array<i32>} : memref<64x384xf32, #tpu.memory_space<vmem>>, vector<16xf32>,
        tpu.vector_store %parallel_loop3A_377[%parallel_loop3A_378, %parallel_loop3A_379], %parallel_loop3A_244 {strides = array<i32>} : memref<64x384xf32, #tpu.memory_space<vmem>>, vector<16xf32>,
        %parallel_loop3A_381 = arith.constant 0 : i32
        %parallel_loop3A_382 = arith.constant 0 : i32
        %parallel_loop3A_383 = tpu.memref_slice %arg6[%parallel_loop3A_153, %parallel_loop3A_381, %parallel_loop3A_382] : memref<4x64x384xf32, #tpu.memory_space<vmem>> -> memref<1x64x384xf32, #tpu.memory_space<vmem>>
        %parallel_loop3A_384 = tpu.memref_squeeze %parallel_loop3A_383 : memref<1x64x384xf32, #tpu.memory_space<vmem>> -> memref<64x384xf32, #tpu.memory_space<vmem>>
        %parallel_loop3A_385 = arith.index_cast %parallel_loop3A_170 : i32 to index
        %parallel_loop3A_386 = arith.constant 256 : index
        %parallel_loop3A_387 = tpu.vector_load %parallel_loop3A_384[%parallel_loop3A_385, %parallel_loop3A_386] {strides = array<i32>} : memref<64x384xf32, #tpu.memory_space<vmem>>, vector<16xf32>,
        tpu.vector_store %parallel_loop3A_384[%parallel_loop3A_385, %parallel_loop3A_386], %parallel_loop3A_247 {strides = array<i32>} : memref<64x384xf32, #tpu.memory_space<vmem>>, vector<16xf32>,
        %parallel_loop3A_388 = arith.constant 0 : i32
        %parallel_loop3A_389 = arith.constant 0 : i32
        %parallel_loop3A_390 = tpu.memref_slice %arg6[%parallel_loop3A_153, %parallel_loop3A_388, %parallel_loop3A_389] : memref<4x64x384xf32, #tpu.memory_space<vmem>> -> memref<1x64x384xf32, #tpu.memory_space<vmem>>
        %parallel_loop3A_391 = tpu.memref_squeeze %parallel_loop3A_390 : memref<1x64x384xf32, #tpu.memory_space<vmem>> -> memref<64x384xf32, #tpu.memory_space<vmem>>
        %parallel_loop3A_392 = arith.index_cast %parallel_loop3A_170 : i32 to index
        %parallel_loop3A_393 = arith.constant 272 : index
        %parallel_loop3A_394 = tpu.vector_load %parallel_loop3A_391[%parallel_loop3A_392, %parallel_loop3A_393] {strides = array<i32>} : memref<64x384xf32, #tpu.memory_space<vmem>>, vector<16xf32>,
        tpu.vector_store %parallel_loop3A_391[%parallel_loop3A_392, %parallel_loop3A_393], %parallel_loop3A_250 {strides = array<i32>} : memref<64x384xf32, #tpu.memory_space<vmem>>, vector<16xf32>,
        %parallel_loop3A_395 = arith.constant 0 : i32
        %parallel_loop3A_396 = arith.constant 0 : i32
        %parallel_loop3A_397 = tpu.memref_slice %arg6[%parallel_loop3A_153, %parallel_loop3A_395, %parallel_loop3A_396] : memref<4x64x384xf32, #tpu.memory_space<vmem>> -> memref<1x64x384xf32, #tpu.memory_space<vmem>>
        %parallel_loop3A_398 = tpu.memref_squeeze %parallel_loop3A_397 : memref<1x64x384xf32, #tpu.memory_space<vmem>> -> memref<64x384xf32, #tpu.memory_space<vmem>>
        %parallel_loop3A_399 = arith.index_cast %parallel_loop3A_170 : i32 to index
        %parallel_loop3A_400 = arith.constant 288 : index
        %parallel_loop3A_401 = tpu.vector_load %parallel_loop3A_398[%parallel_loop3A_399, %parallel_loop3A_400] {strides = array<i32>} : memref<64x384xf32, #tpu.memory_space<vmem>>, vector<16xf32>,
        tpu.vector_store %parallel_loop3A_398[%parallel_loop3A_399, %parallel_loop3A_400], %parallel_loop3A_253 {strides = array<i32>} : memref<64x384xf32, #tpu.memory_space<vmem>>, vector<16xf32>,
        %parallel_loop3A_402 = arith.constant 0 : i32
        %parallel_loop3A_403 = arith.constant 0 : i32
        %parallel_loop3A_404 = tpu.memref_slice %arg6[%parallel_loop3A_153, %parallel_loop3A_402, %parallel_loop3A_403] : memref<4x64x384xf32, #tpu.memory_space<vmem>> -> memref<1x64x384xf32, #tpu.memory_space<vmem>>
        %parallel_loop3A_405 = tpu.memref_squeeze %parallel_loop3A_404 : memref<1x64x384xf32, #tpu.memory_space<vmem>> -> memref<64x384xf32, #tpu.memory_space<vmem>>
        %parallel_loop3A_406 = arith.index_cast %parallel_loop3A_170 : i32 to index
        %parallel_loop3A_407 = arith.constant 304 : index
        %parallel_loop3A_408 = tpu.vector_load %parallel_loop3A_405[%parallel_loop3A_406, %parallel_loop3A_407] {strides = array<i32>} : memref<64x384xf32, #tpu.memory_space<vmem>>, vector<16xf32>,
        tpu.vector_store %parallel_loop3A_405[%parallel_loop3A_406, %parallel_loop3A_407], %parallel_loop3A_256 {strides = array<i32>} : memref<64x384xf32, #tpu.memory_space<vmem>>, vector<16xf32>,
        %parallel_loop3A_409 = arith.constant 0 : i32
        %parallel_loop3A_410 = arith.constant 0 : i32
        %parallel_loop3A_411 = tpu.memref_slice %arg6[%parallel_loop3A_153, %parallel_loop3A_409, %parallel_loop3A_410] : memref<4x64x384xf32, #tpu.memory_space<vmem>> -> memref<1x64x384xf32, #tpu.memory_space<vmem>>
        %parallel_loop3A_412 = tpu.memref_squeeze %parallel_loop3A_411 : memref<1x64x384xf32, #tpu.memory_space<vmem>> -> memref<64x384xf32, #tpu.memory_space<vmem>>
        %parallel_loop3A_413 = arith.index_cast %parallel_loop3A_170 : i32 to index
        %parallel_loop3A_414 = arith.constant 320 : index
        %parallel_loop3A_415 = tpu.vector_load %parallel_loop3A_412[%parallel_loop3A_413, %parallel_loop3A_414] {strides = array<i32>} : memref<64x384xf32, #tpu.memory_space<vmem>>, vector<16xf32>,
        tpu.vector_store %parallel_loop3A_412[%parallel_loop3A_413, %parallel_loop3A_414], %parallel_loop3A_259 {strides = array<i32>} : memref<64x384xf32, #tpu.memory_space<vmem>>, vector<16xf32>,
        %parallel_loop3A_416 = arith.constant 0 : i32
        %parallel_loop3A_417 = arith.constant 0 : i32
        %parallel_loop3A_418 = tpu.memref_slice %arg6[%parallel_loop3A_153, %parallel_loop3A_416, %parallel_loop3A_417] : memref<4x64x384xf32, #tpu.memory_space<vmem>> -> memref<1x64x384xf32, #tpu.memory_space<vmem>>
        %parallel_loop3A_419 = tpu.memref_squeeze %parallel_loop3A_418 : memref<1x64x384xf32, #tpu.memory_space<vmem>> -> memref<64x384xf32, #tpu.memory_space<vmem>>
        %parallel_loop3A_420 = arith.index_cast %parallel_loop3A_170 : i32 to index
        %parallel_loop3A_421 = arith.constant 336 : index
        %parallel_loop3A_422 = tpu.vector_load %parallel_loop3A_419[%parallel_loop3A_420, %parallel_loop3A_421] {strides = array<i32>} : memref<64x384xf32, #tpu.memory_space<vmem>>, vector<16xf32>,
        tpu.vector_store %parallel_loop3A_419[%parallel_loop3A_420, %parallel_loop3A_421], %parallel_loop3A_262 {strides = array<i32>} : memref<64x384xf32, #tpu.memory_space<vmem>>, vector<16xf32>,
        %parallel_loop3A_423 = arith.constant 0 : i32
        %parallel_loop3A_424 = arith.constant 0 : i32
        %parallel_loop3A_425 = tpu.memref_slice %arg6[%parallel_loop3A_153, %parallel_loop3A_423, %parallel_loop3A_424] : memref<4x64x384xf32, #tpu.memory_space<vmem>> -> memref<1x64x384xf32, #tpu.memory_space<vmem>>
        %parallel_loop3A_426 = tpu.memref_squeeze %parallel_loop3A_425 : memref<1x64x384xf32, #tpu.memory_space<vmem>> -> memref<64x384xf32, #tpu.memory_space<vmem>>
        %parallel_loop3A_427 = arith.index_cast %parallel_loop3A_170 : i32 to index
        %parallel_loop3A_428 = arith.constant 352 : index
        %parallel_loop3A_429 = tpu.vector_load %parallel_loop3A_426[%parallel_loop3A_427, %parallel_loop3A_428] {strides = array<i32>} : memref<64x384xf32, #tpu.memory_space<vmem>>, vector<16xf32>,
        tpu.vector_store %parallel_loop3A_426[%parallel_loop3A_427, %parallel_loop3A_428], %parallel_loop3A_265 {strides = array<i32>} : memref<64x384xf32, #tpu.memory_space<vmem>>, vector<16xf32>,
        %parallel_loop3A_430 = arith.constant 0 : i32
        %parallel_loop3A_431 = arith.constant 0 : i32
        %parallel_loop3A_432 = tpu.memref_slice %arg6[%parallel_loop3A_153, %parallel_loop3A_430, %parallel_loop3A_431] : memref<4x64x384xf32, #tpu.memory_space<vmem>> -> memref<1x64x384xf32, #tpu.memory_space<vmem>>
        %parallel_loop3A_433 = tpu.memref_squeeze %parallel_loop3A_432 : memref<1x64x384xf32, #tpu.memory_space<vmem>> -> memref<64x384xf32, #tpu.memory_space<vmem>>
        %parallel_loop3A_434 = arith.index_cast %parallel_loop3A_170 : i32 to index
        %parallel_loop3A_435 = arith.constant 368 : index
        %parallel_loop3A_436 = tpu.vector_load %parallel_loop3A_433[%parallel_loop3A_434, %parallel_loop3A_435] {strides = array<i32>} : memref<64x384xf32, #tpu.memory_space<vmem>>, vector<16xf32>,
        tpu.vector_store %parallel_loop3A_433[%parallel_loop3A_434, %parallel_loop3A_435], %parallel_loop3A_268 {strides = array<i32>} : memref<64x384xf32, #tpu.memory_space<vmem>>, vector<16xf32>,
      } {sc.loop_unroll_factor = 2 : i64, sc.parallel_access}
      %mul3A_154 = arith.constant 64 : i32
      %mul3A_155 = arith.muli %add3A_144, %mul3A_154 : i32
      %add3A_156 = arith.addi %mul3A_2, %mul3A_155 : i32
      %dma_start3A_157 = arith.constant 3 : i32
      %dma_start3A_158 = arith.constant 0 : i32
      %dma_start3A_159 = arith.constant 0 : i32
      %dma_start3A_160 = tpu.memref_slice %arg6[%dma_start3A_157, %dma_start3A_158, %dma_start3A_159] : memref<4x64x384xf32, #tpu.memory_space<vmem>> -> memref<1x64x384xf32, #tpu.memory_space<vmem>>
      %dma_start3A_161 = tpu.memref_squeeze %dma_start3A_160 : memref<1x64x384xf32, #tpu.memory_space<vmem>> -> memref<64x384xf32, #tpu.memory_space<vmem>>
      %dma_start3A_162 = arith.constant 0 : i32
      %dma_start3A_163 = tpu.memref_slice %arg4[%add3A_156, %dma_start3A_162] : memref<32768x384xf32, #tpu.memory_space<hbm>> -> memref<64x384xf32, #tpu.memory_space<hbm>>
      %dma_start3A_164 = arith.constant 0 : i32
      %dma_start3A_165 = tpu.memref_slice %arg4[%add3A_156, %dma_start3A_164] : memref<32768x384xf32, #tpu.memory_space<hbm>> -> memref<64x384xf32, #tpu.memory_space<hbm>>
      %dma_start3A_166 = arith.constant 0 : i32
      %dma_start3A_167 = arith.constant 0 : i32
      %dma_start3A_168 = tpu.memref_slice %arg6[%dma_start3A_157, %dma_start3A_166, %dma_start3A_167] : memref<4x64x384xf32, #tpu.memory_space<vmem>> -> memref<1x64x384xf32, #tpu.memory_space<vmem>>
      %dma_start3A_169 = tpu.memref_squeeze %dma_start3A_168 : memref<1x64x384xf32, #tpu.memory_space<vmem>> -> memref<64x384xf32, #tpu.memory_space<vmem>>
      tpu.enqueue_dma source(%dma_start3A_169 : memref<64x384xf32, #tpu.memory_space<vmem>>) target(%dma_start3A_165 : memref<64x384xf32, #tpu.memory_space<hbm>>) target_semaphore(%arg8 : memref<!tpu.dma_semaphore, #tpu.memory_space<semaphore_mem>>)
    }
    %scan3A_8 = arith.constant 4 : i32
    %dma_wait3A_9 = arith.constant 0 : i32
    %dma_wait3A_10 = arith.constant 0 : i32
    %dma_wait3A_11 = arith.constant 0 : i32
    %dma_wait3A_12 = tpu.memref_slice %arg6[%dma_wait3A_9, %dma_wait3A_10, %dma_wait3A_11] : memref<4x64x384xf32, #tpu.memory_space<vmem>> -> memref<1x64x384xf32, #tpu.memory_space<vmem>>
    %dma_wait3A_13 = tpu.memref_squeeze %dma_wait3A_12 : memref<1x64x384xf32, #tpu.memory_space<vmem>> -> memref<64x384xf32, #tpu.memory_space<vmem>>
    %dma_wait3A_14 = arith.constant 0 : i32
    %dma_wait3A_15 = tpu.memref_slice %arg4[%mul3A_2, %dma_wait3A_14] : memref<32768x384xf32, #tpu.memory_space<hbm>> -> memref<64x384xf32, #tpu.memory_space<hbm>>
    %dma_wait3A_16 = arith.constant 0 : i32
    %dma_wait3A_17 = tpu.memref_slice %arg4[%mul3A_2, %dma_wait3A_16] : memref<32768x384xf32, #tpu.memory_space<hbm>> -> memref<64x384xf32, #tpu.memory_space<hbm>>
    %dma_wait3A_18 = arith.constant 0 : i32
    %dma_wait3A_19 = arith.constant 0 : i32
    %dma_wait3A_20 = tpu.memref_slice %arg6[%dma_wait3A_9, %dma_wait3A_18, %dma_wait3A_19] : memref<4x64x384xf32, #tpu.memory_space<vmem>> -> memref<1x64x384xf32, #tpu.memory_space<vmem>>
    %dma_wait3A_21 = tpu.memref_squeeze %dma_wait3A_20 : memref<1x64x384xf32, #tpu.memory_space<vmem>> -> memref<64x384xf32, #tpu.memory_space<vmem>>
    tpu.wait_dma2 semaphore(%arg8 : memref<!tpu.dma_semaphore, #tpu.memory_space<semaphore_mem>>) src(%dma_wait3A_21 : memref<64x384xf32, #tpu.memory_space<vmem>>) dst(%dma_wait3A_17 : memref<64x384xf32, #tpu.memory_space<hbm>>)
    %dma_wait3A_22 = arith.constant 1 : i32
    %dma_wait3A_23 = arith.constant 0 : i32
    %dma_wait3A_24 = arith.constant 0 : i32
    %dma_wait3A_25 = tpu.memref_slice %arg6[%dma_wait3A_22, %dma_wait3A_23, %dma_wait3A_24] : memref<4x64x384xf32, #tpu.memory_space<vmem>> -> memref<1x64x384xf32, #tpu.memory_space<vmem>>
    %dma_wait3A_26 = tpu.memref_squeeze %dma_wait3A_25 : memref<1x64x384xf32, #tpu.memory_space<vmem>> -> memref<64x384xf32, #tpu.memory_space<vmem>>
    %dma_wait3A_27 = arith.constant 0 : i32
    %dma_wait3A_28 = tpu.memref_slice %arg4[%mul3A_2, %dma_wait3A_27] : memref<32768x384xf32, #tpu.memory_space<hbm>> -> memref<64x384xf32, #tpu.memory_space<hbm>>
    %dma_wait3A_29 = arith.constant 0 : i32
    %dma_wait3A_30 = tpu.memref_slice %arg4[%mul3A_2, %dma_wait3A_29] : memref<32768x384xf32, #tpu.memory_space<hbm>> -> memref<64x384xf32, #tpu.memory_space<hbm>>
    %dma_wait3A_31 = arith.constant 0 : i32
    %dma_wait3A_32 = arith.constant 0 : i32
    %dma_wait3A_33 = tpu.memref_slice %arg6[%dma_wait3A_22, %dma_wait3A_31, %dma_wait3A_32] : memref<4x64x384xf32, #tpu.memory_space<vmem>> -> memref<1x64x384xf32, #tpu.memory_space<vmem>>
    %dma_wait3A_34 = tpu.memref_squeeze %dma_wait3A_33 : memref<1x64x384xf32, #tpu.memory_space<vmem>> -> memref<64x384xf32, #tpu.memory_space<vmem>>
    tpu.wait_dma2 semaphore(%arg8 : memref<!tpu.dma_semaphore, #tpu.memory_space<semaphore_mem>>) src(%dma_wait3A_34 : memref<64x384xf32, #tpu.memory_space<vmem>>) dst(%dma_wait3A_30 : memref<64x384xf32, #tpu.memory_space<hbm>>)
    %dma_wait3A_35 = arith.constant 2 : i32
    %dma_wait3A_36 = arith.constant 0 : i32
    %dma_wait3A_37 = arith.constant 0 : i32
    %dma_wait3A_38 = tpu.memref_slice %arg6[%dma_wait3A_35, %dma_wait3A_36, %dma_wait3A_37] : memref<4x64x384xf32, #tpu.memory_space<vmem>> -> memref<1x64x384xf32, #tpu.memory_space<vmem>>
    %dma_wait3A_39 = tpu.memref_squeeze %dma_wait3A_38 : memref<1x64x384xf32, #tpu.memory_space<vmem>> -> memref<64x384xf32, #tpu.memory_space<vmem>>
    %dma_wait3A_40 = arith.constant 0 : i32
    %dma_wait3A_41 = tpu.memref_slice %arg4[%mul3A_2, %dma_wait3A_40] : memref<32768x384xf32, #tpu.memory_space<hbm>> -> memref<64x384xf32, #tpu.memory_space<hbm>>
    %dma_wait3A_42 = arith.constant 0 : i32
    %dma_wait3A_43 = tpu.memref_slice %arg4[%mul3A_2, %dma_wait3A_42] : memref<32768x384xf32, #tpu.memory_space<hbm>> -> memref<64x384xf32, #tpu.memory_space<hbm>>
    %dma_wait3A_44 = arith.constant 0 : i32
    %dma_wait3A_45 = arith.constant 0 : i32
    %dma_wait3A_46 = tpu.memref_slice %arg6[%dma_wait3A_35, %dma_wait3A_44, %dma_wait3A_45] : memref<4x64x384xf32, #tpu.memory_space<vmem>> -> memref<1x64x384xf32, #tpu.memory_space<vmem>>
    %dma_wait3A_47 = tpu.memref_squeeze %dma_wait3A_46 : memref<1x64x384xf32, #tpu.memory_space<vmem>> -> memref<64x384xf32, #tpu.memory_space<vmem>>
    tpu.wait_dma2 semaphore(%arg8 : memref<!tpu.dma_semaphore, #tpu.memory_space<semaphore_mem>>) src(%dma_wait3A_47 : memref<64x384xf32, #tpu.memory_space<vmem>>) dst(%dma_wait3A_43 : memref<64x384xf32, #tpu.memory_space<hbm>>)
    %dma_wait3A_48 = arith.constant 3 : i32
    %dma_wait3A_49 = arith.constant 0 : i32
    %dma_wait3A_50 = arith.constant 0 : i32
    %dma_wait3A_51 = tpu.memref_slice %arg6[%dma_wait3A_48, %dma_wait3A_49, %dma_wait3A_50] : memref<4x64x384xf32, #tpu.memory_space<vmem>> -> memref<1x64x384xf32, #tpu.memory_space<vmem>>
    %dma_wait3A_52 = tpu.memref_squeeze %dma_wait3A_51 : memref<1x64x384xf32, #tpu.memory_space<vmem>> -> memref<64x384xf32, #tpu.memory_space<vmem>>
    %dma_wait3A_53 = arith.constant 0 : i32
    %dma_wait3A_54 = tpu.memref_slice %arg4[%mul3A_2, %dma_wait3A_53] : memref<32768x384xf32, #tpu.memory_space<hbm>> -> memref<64x384xf32, #tpu.memory_space<hbm>>
    %dma_wait3A_55 = arith.constant 0 : i32
    %dma_wait3A_56 = tpu.memref_slice %arg4[%mul3A_2, %dma_wait3A_55] : memref<32768x384xf32, #tpu.memory_space<hbm>> -> memref<64x384xf32, #tpu.memory_space<hbm>>
    %dma_wait3A_57 = arith.constant 0 : i32
    %dma_wait3A_58 = arith.constant 0 : i32
    %dma_wait3A_59 = tpu.memref_slice %arg6[%dma_wait3A_48, %dma_wait3A_57, %dma_wait3A_58] : memref<4x64x384xf32, #tpu.memory_space<vmem>> -> memref<1x64x384xf32, #tpu.memory_space<vmem>>
    %dma_wait3A_60 = tpu.memref_squeeze %dma_wait3A_59 : memref<1x64x384xf32, #tpu.memory_space<vmem>> -> memref<64x384xf32, #tpu.memory_space<vmem>>
    tpu.wait_dma2 semaphore(%arg8 : memref<!tpu.dma_semaphore, #tpu.memory_space<semaphore_mem>>) src(%dma_wait3A_60 : memref<64x384xf32, #tpu.memory_space<vmem>>) dst(%dma_wait3A_56 : memref<64x384xf32, #tpu.memory_space<hbm>>)
    return
  }
}

</mosaic_0001>

<sc_bundles>
// kernel: kernel.3.cloned.1.call-start
scs
__scs_entry_jumppad:
0x0: {  	(pc) =	sbr.rel $0x88, $3  }
0x1: {  	(tag) =	ssettag $0x0;
	lr =	simm.s32 $0x1  }
0x2: {  	[smem:$0x3F9F] =	sst lr;
	_ =	strace $0xD0000000  }
0x3: {  	_ = 	snop  }
0x4: {  	_ = 	snop  }
0x5: {  	_ = 	snop  }
0x6: {  	_ = 	snop  }
0x7: {  	_ = 	snop  }
__scs_overlays_trampoline_lowered:
0x8: {  	[smem:$0x3FAE] =	sst s0  }
0x9: {  	[smem:$0x3FAF] =	sst s1  }
0xa: {  	[smem:$0x3FB0] =	sst s2  }
0xb: {  	[smem:$0x3FB1] =	sst s3  }
0xc: {  	[smem:$0x3FB2] =	sst s4  }
0xd: {  	[smem:$0x3FB3] =	sst s5  }
0xe: {  	[smem:$0x3FB4] =	sst s6  }
0xf: {  	[smem:$0x3FB5] =	sst s7  }
0x10: {  	[smem:$0x3FB6] =	sst s8  }
0x11: {  	[smem:$0x3FB7] =	sst s9;
	s0 =	simm.s32 @!p0 $0x0  }
0x12: {  	s1 =	sld [smem:$0x3F9D];
	s0 =	simm.s32 @p0 $0x1  }
0x13: {  	[smem:$0x3FB8] =	sst s0;
	s0 =	simm.s32 @!p1 $0x0  }
0x14: {  	s2 =	sld [smem:$0x3F9C];
	s0 =	simm.s32 @p1 $0x1  }
0x15: {  	[smem:$0x3FB9] =	sst s0;
	s0 =	simm.s32 @!p2 $0x0  }
0x16: {  	s3 =	sld [smem:$0x3FDB];
	s0 =	simm.s32 @p2 $0x1  }
0x17: {  	s4 =	simm.s32 $0x1BF5;
	[smem:$0x3FBB] =	sst s0  }
0x18: {  	s0 =	sld [smem:$0x3F9E];
	_ =	swait.ge [sflag:s4], $0x0  }
0x19: {  	s7 =	sld [smem:$0x3F9F]  }
0x1a: {  	s8 =	sadd.s32 $0xFFFFE003, lr  }
0x1b: {  	s9 =	sadd.s32 $0xFFFFFEF7, lr;
	s5 =	simm.s32 $0xFFFFFFFF;
	p2 =	slt.u32 s8, $0xFFFFF086  }
0x1c: {  	p1 =	slt.u32 s9, $0xF7A;
	s5 =	simm.s32 @!p2 $0x0  }
0x1d: {  	s5 =	simm.s32 @p1 $0x1;
	p0 =	seq.s32 s7, s2  }
0x1e: {  	s7 =	smul.u32 @!p0 $0xF7A, s2;
	p2 =	seq.s32 @!p0 s5, $0x0  }
0x1f: {  	s9 =	smul.u32 $0xF7A, s1;
	s8 =	simm.s32 @!p0 $0x1BF5;
	p2 =	por !p2, p0  }
0x20: {  	[sflag:s8] =	ssyncset.s32 @!p0 $0xFFFFF086;
	s6 =	sadd.s32 @!p0 s3, s7;
	s7 =	simm.s32 @!p0 $0x108  }
0x21: {  	s3 =	sadd.s32 s3, s9;
	s6 =	sadd.s32 @!p0 $0x88, s6;
	s7 =	simm.s32 @p2 $0x1082  }
0x22: {  	[simem:s7], [sflag:s8] =	dma.local @!p0 [hbm:s6], $0xF7A  }
0x23: {  	s9 =	sor.u32 $0xD0000000, s2;
	s6 =	simm.s32 $0x108;
	_ =	swait.ge @!p0 [sflag:s8], $0x0  }
0x24: {  	s3 =	sadd.s32 $0x88, s3;
	s6 =	simm.s32 @!p1 $0x1082;
	[sflag:s4] =	ssyncset.s32 $0xFFFFF086  }
0x25: {  	[simem:s6], [sflag:s4] =	dma.local [hbm:s3], $0xF7A  }
0x26: {  	[smem:$0x3F9F] =	sst s1;
	(tag) =	ssettag s2;
	_ =	strace s9  }
0x27: {  	s1 =	sld [smem:$0x3FAF]  }
0x28: {  	s2 =	sld [smem:$0x3FB0]  }
0x29: {  	s4 =	sld [smem:$0x3FB2]  }
0x2a: {  	p0 =	seq.s32 s5, $0x0;
	s5 =	sld [smem:$0x3FB3]  }
0x2b: {  	s6 =	sld [smem:$0x3FB4]  }
0x2c: {  	s7 =	sld [smem:$0x3FB5]  }
0x2d: {  	s3 =	simm.s32 $0x108;
	s8 =	sld [smem:$0x3FB6]  }
0x2e: {  	s3 =	simm.s32 @!p0 $0x1082;
	s9 =	sld [smem:$0x3FB7]  }
0x2f: {  	lr =	sadd.s32 s0, s3;
	s0 =	sld [smem:$0x3FAE]  }
0x30: {  	s3 =	sld [smem:$0x3FB1]  }
0x31: {  	[smem:$0x3FBA] =	sst s10  }
0x32: {  	s10 =	sld [smem:$0x3FB8];
	_ =	sdelay $0x3  }
0x33: {  	p0 =	seq.s32 s10, $0x1;
	s10 =	sld [smem:$0x3FBA];
	_ =	sdelay $0x3  }
0x34: {  	[smem:$0x3FBA] =	sst s10  }
0x35: {  	s10 =	sld [smem:$0x3FB9];
	_ =	sdelay $0x3  }
0x36: {  	p1 =	seq.s32 s10, $0x1;
	s10 =	sld [smem:$0x3FBA];
	_ =	sdelay $0x3  }
0x37: {  	[smem:$0x3FBA] =	sst s10  }
0x38: {  	s10 =	sld [smem:$0x3FBB]  }
0x39: {  	_ = 	snop;
	(pc) =	sbr.ind lr, $3  }
0x3a: {  	_ = 	snop  }
0x3b: {  	_ = 	snop  }
0x3c: {  	p2 =	seq.s32 s10, $0x1;
	s10 =	sld [smem:$0x3FBA]  }
0x3d: {  	_ =	shalt  }
0x3e: {  	_ =	shalt  }
0x3f: {  	_ =	shalt  }
0x40: {  	_ =	shalt  }
0x41: {  	_ =	shalt  }
0x42: {  	_ =	shalt  }
0x43: {  	_ =	shalt  }
0x44: {  	_ =	shalt  }
0x45: {  	_ =	shalt  }
0x46: {  	_ =	shalt  }
0x47: {  	_ =	shalt  }
0x48: {  	_ =	shalt  }
0x49: {  	_ =	shalt  }
0x4a: {  	_ =	shalt  }
0x4b: {  	_ =	shalt  }
0x4c: {  	_ =	shalt  }
0x4d: {  	_ =	shalt  }
0x4e: {  	_ =	shalt  }
0x4f: {  	_ =	shalt  }
0x50: {  	_ =	shalt  }
0x51: {  	_ =	shalt  }
0x52: {  	_ =	shalt  }
0x53: {  	_ =	shalt  }
0x54: {  	_ =	shalt  }
0x55: {  	_ =	shalt  }
0x56: {  	_ =	shalt  }
0x57: {  	_ =	shalt  }
0x58: {  	_ =	shalt  }
0x59: {  	_ =	shalt  }
0x5a: {  	_ =	shalt  }
0x5b: {  	_ =	shalt  }
0x5c: {  	_ =	shalt  }
0x5d: {  	_ =	shalt  }
0x5e: {  	_ =	shalt  }
0x5f: {  	_ =	shalt  }
0x60: {  	_ =	shalt  }
0x61: {  	_ =	shalt  }
0x62: {  	_ =	shalt  }
0x63: {  	_ =	shalt  }
0x64: {  	_ =	shalt  }
0x65: {  	_ =	shalt  }
0x66: {  	_ =	shalt  }
0x67: {  	_ =	shalt  }
0x68: {  	_ =	shalt  }
0x69: {  	_ =	shalt  }
0x6a: {  	_ =	shalt  }
0x6b: {  	_ =	shalt  }
0x6c: {  	_ =	shalt  }
0x6d: {  	_ =	shalt  }
0x6e: {  	_ =	shalt  }
0x6f: {  	_ =	shalt  }
0x70: {  	_ =	shalt  }
0x71: {  	_ =	shalt  }
0x72: {  	_ =	shalt  }
0x73: {  	_ =	shalt  }
0x74: {  	_ =	shalt  }
0x75: {  	_ =	shalt  }
0x76: {  	_ =	shalt  }
0x77: {  	_ =	shalt  }
0x78: {  	_ =	shalt  }
0x79: {  	_ =	shalt  }
0x7a: {  	_ =	shalt  }
0x7b: {  	_ =	shalt  }
0x7c: {  	_ =	shalt  }
0x7d: {  	_ =	shalt  }
0x7e: {  	_ =	shalt  }
0x7f: {  	_ =	shalt  }
0x80: {  	_ =	shalt  }
0x81: {  	_ =	shalt  }
0x82: {  	_ =	shalt  }
0x83: {  	_ =	shalt  }
0x84: {  	_ =	shalt  }
0x85: {  	_ =	shalt  }
0x86: {  	_ =	shalt  }
0x87: {  	_ =	shalt  }
.Lfunc_end0:
.L_simem_size_0:
called_computation_lowered:
.L_overlay_start_0:
0x88: {  	s2 =	sld [smem:$0x3FD9]  }
0x89: {  	s3 =	sld [smem:$0x3FFE];
	_ =	sdelay $0x1  }
0x8a: {  	s1 =	srdreg.scid  }
0x8b: {  	s0 =	sand.u32 $0x1, s1  }
0x8c: {  	s17 =	sshll.u32 s0, $0xA;
	s2 =	sadd.s32 s3, s2  }
0x8d: {  	s2 =	sadd.s32 s2, s17  }
0x8e: {  	[smem:$0x3FC6] =	sst s2  }
0x8f: {  	_ = 	snop  }
0x90: {  	s2 =	sld [smem:$0x3FC9]  }
0x91: {  	s18 =	sld [smem:$0x3FD0];
	(tm) =	ssettm $0x1  }
0x92: {  	s4 =	sld [smem:$0x3FFB];
	_ =	sdelay $0x3  }
0x93: {  	_ =	strace s4  }
0x94: {  	s4 =	sld [smem:$0x3FFC];
	_ =	sdelay $0x3  }
0x95: {  	_ =	strace s4  }
0x96: {  	s4 =	sld [smem:$0x3FFD];
	_ =	sdelay $0x3  }
0x97: {  	_ =	strace s4  }
0x98: {  	_ =	strace $0x8FFFFFFF  }
0x99: {  	s19 =	sld [smem:$0x3FDB];
	_ =	sdelay $0x1  }
0x9a: {  	s5 =	simm.s32 $_scs_section_size  }
0x9b: {  	s6 =	simm.s32 $_size__tile_overlayer_lowered;
	s7 =	simm.s32 $_tile_overlayer_lowered  }
0x9c: {  	s22 =	simm.s32 $0x1BFF;
	s21 =	sshll.u32 s7, $0x1;
	s4 =	sadd.s32 s5, s19  }
0x9d: {  	s8 =	simm.s32 $0x0;
	s20 =	sshll.u32 s6, $0x1;
	s6 =	sadd.s32 s21, s4  }
0x9e: {  	[timem:s8], [sflag:s22] =	dma.local [hbm:s6], s20  }
0x9f: {  	_ =	swait.ge [sflag:s22], s20  }
0xa0: {  	s5 =	ssub.s32 $0x0, s20;
	[sflag:s22] =	ssyncset.done $0x0  }
0xa1: {  	[sflag:s22] =	ssyncadd.s32 s5;
	_ =	sdelay $0x1  }
0xa2: {  	s23 =	simm.s32 $0x1B8B  }
0xa3: {  	_ =	swait.ge [sflag:s23], $0x1  }
0xa4: {  	[sflag:s23] =	ssyncset.done $0x0  }
0xa5: {  	s25 =	simm.s32 $0x1B8E;
	s24 =	sld [smem:$0x3FFE];
	[sflag:s23] =	ssyncadd.s32 $0xFFFFFFFF  }
0xa6: {  	s26 =	simm.s32 $execute0_lowered;
	[smem:$0x3FD2] =	sst s25  }
0xa7: {  	s6 =	sshll.u32 s26, $0x1;
	_ =	strace $0x80000046;
	[dreg:$0x1] =	wrdreg $0xFFFFFFFF  }
0xa8: {  	s28 =	simm.s32 $_size_execute0_lowered;
	s4 =	sadd.s32 s4, s6;
	[dreg:$0x0] =	wrdreg $0x0  }
0xa9: {  	s6 =	sshll.u32 s28, $0x1;
	[dreg:$0x2] =	wrdreg s4  }
0xaa: {  	[dreg:$0x3] =	wrdreg s6  }
0xab: {  	[dreg:$0x4] =	wrdreg $0xC0  }
0xac: {  	_ =	task [dreg:s8], $0x5FFFF  }
0xad: {  	[dreg:$0x1] =	wrdreg $0xFFFFFFFF  }
0xae: {  	[dreg:$0x0] =	wrdreg $0x60  }
0xaf: {  	[dreg:$0x2] =	wrdreg s2  }
0xb0: {  	[dreg:$0x3] =	wrdreg s24  }
0xb1: {  	[dreg:$0x4] =	wrdreg s18  }
0xb2: {  	[dreg:$0x5] =	wrdreg $0x9  }
0xb3: {  	_ =	task.clear_ibuf [dreg:s8], $0x6FFFF;
	_ =	strace $0x90000046  }
0xb4: {  	s29 =	simm.s32 $0x9;
	_ =	strace $0x80000048  }
0xb5: {  	_ =	swait.ge [sflag:s29], $0x1  }
0xb6: {  	[sflag:s29] =	ssyncadd.s32 $0xFFFFFFFF  }
0xb7: {  	_ =	strace $0x90000048  }
0xb8: {  	_ =	sfence  }
0xb9: {  	s30 =	sld [smem:$0x0];
	_ =	sdelay $0x2  }
0xba: {  	s31 =	sshll.u32 s1, $0xD;
	s1 =	sshrl.u32 s1, $0x2  }
0xbb: {  	s3 =	sand.u32 $0x4000, s31;
	s1 =	sadd.s32 s1, s30  }
0xbc: {  	s0 =	sor.u32 s3, s0;
	s1 =	sshll.u32 s1, $0x11  }
0xbd: {  	s0 =	sor.u32 s1, s0  }
0xbe: {  	s0 =	sadd.s32 $0x8F2B, s0  }
0xbf: {  	[sflag:s0] =	ssyncadd.remote.s32 $0x1  }
0xc0: {  	_ =	sfence.sel $0xFFFF  }
0xc1: {  	[dreg:$0x0] =	wrdreg $0xFFFFFFFF;
	(pc) =	sbr.abs _section_cstart, $3  }
0xc2: {  	[dreg:$0x1] =	wrdreg $0xFFFFFFFF  }
0xc3: {  	_ =	task.clear_ibuf [dreg:s8], $0x2FFFF;
	_ =	strace $0x9FFFFFFF  }
0xc4: {  	(tm) =	ssettm $0x7FFFFFFF  }
0xc5: {  	_ =	shalt  }
tec
execute0_lowered:
.L_overlay_start_1:
0x0: {  	(tag) =	ssettag $0x1  }
0x1: {  	s0 =	rddreg [dreg:$0x0]  }
0x2: {  	s1 =	rddreg [dreg:$0x1];
	s2 =	srdreg.scid  }
0x3: {  	s5 =	simm.s32 $0x0;
	s4 =	stileid.u32;
	s12 =	simm.s32 $0x18400  }
0x4: {  	s8 =	simm.s32 $0x18440;
	s7 =	simm.s32 $0x18450;
	s17 =	simm.s32 $0x18460  }
0x5: {  	s18 =	simm.s32 $0x18470;
	s19 =	simm.s32 $0x18480;
	s20 =	simm.s32 $0x18490  }
0x6: {  	s21 =	simm.s32 $0x184A0;
	s22 =	simm.s32 $0x184B0;
	s23 =	simm.s32 $0x184C0  }
0x7: {  	s28 =	simm.s32 $0x18500;
	s29 =	simm.s32 $0x18510;
	s30 =	simm.s32 $0x18520  }
0x8: {  	s6 =	simm.s32 $0x18560;
	s10 =	simm.s32 $0x18570;
	s2 =	sand.u32 $0x1, s2  }
0x9: {  	s4 =	sshll.u32 s4, $0xB;
	[smem:$0x7FF] =	sst s5;
	s1 =	sadd.s32 $0x400, s1  }
0xa: {  	s5 =	simm.s32 $0x18410;
	s3 =	ssub.s32 $0x2, s2;
	s2 =	sshll.u32 s2, $0xA  }
0xb: {  	_ =	strace $0x80000047;
	[dreg:$0x5] =	wrdreg s1;
	s24 =	sshrl.u32 s3, $0x1  }
0xc: {  	s1 =	simm.s32 $0x18540;
	s4 =	sor.u32 s2, s4;
	s25 =	ssub.s32 s3, s24  }
0xd: {  	[dreg:$0x4] =	wrdreg s4;
	s26 =	sshrl.u32 s4, $0x3;
	s4 =	simm.s32 $0x1  }
0xe: {  	s24 =	simm.s32 $0x184D0;
	s3 =	simm.s32 $0x0;
	s0 =	sadd.s32 s0, s26  }
0xf: {  	s31 =	smax.u32 s25, $0x1;
	s25 =	simm.s32 $0x184E0;
	[dreg:$0x6] =	wrdreg s0  }
0x10: {  	v0 =	vlaneseq.u32;
	s26 =	simm.s32 $0x184F0;
	[dreg:$0x7] =	wrdreg s31;
	s0 =	simm.s32 $0x18530  }
.LBB2_1:
0x11: {  	[dreg:$0x8] =	wrdreg s3  }
0x12: {  	s2 =	simm.s32 $0x0;
	s16 =	rddreg [dreg:$0x5]  }
0x13: {  	[tilespmem:s12], [sflag:$0x1] =	stream.linear.gather [hbm4b:s16+s2], $0x780, $0x38;
	[tilespmem:$0x18B80] =	vst v63  }
0x14: {  	s31 =	rddreg [dreg:$0x6]  }
0x15: {  	[tilespmem:s2], [sflag:$0x1] =	stream.linear.gather [hbm4b:s31+s2], $0x400, $0x38;
	[tilespmem:$0x18B80] =	vst v63  }
0x16: {  	_ =	swait.ge [sflag:s4], $0x780  }
0x17: {  	[sflag:s4] =	ssyncset.done $0x0  }
0x18: {  	[sflag:s4] =	ssyncadd.s32 $0xFFFFF880  }
0x19: {  	_ =	swait.ge [sflag:s4], $0x400  }
0x1a: {  	s11 =	simm.s32 $0x0;
	[sflag:s4] =	ssyncset.done $0x0  }
0x1b: {  	s3 =	simm.s32 $0x18430;
	[sflag:s4] =	ssyncadd.s32 $0xFFFFFC00;
	s4 =	simm.s32 $0x18420  }
.LBB2_2:
0x1c: {  	s2 =	sshll.u32 s11, $0x8  }
0x1d: {  	[dreg:$0xe] =	wrdreg s2;
	s2 =	sand.u32 $0x3FFFFF00, s2  }
0x1e: {  	p0 =	seq.s32 s11, $0x0;
	v1 =	vmov s2  }
0x1f: {  	s2 =	simm.s32 @!p0 $0x1  }
0x20: {  	_ =	swait.ge @!p0 [sflag:s2], $0x6000  }
0x21: {  	s9 =	simm.s32 $0x0;
	[sflag:s2] =	ssyncset.done @!p0 $0x0  }
0x22: {  	s31 =	sand.u32 $0x30, s9;
	[sflag:s2] =	ssyncadd.s32 @!p0 $0xFFFFA000  }
0x23: {  	v2 =	vld.idx.msk [tilespmem:v1+s31+$0x0 ss:$0x1], $0xffff;
	_ =	sdelay $0x2  }
0x24: {  	s13 =	simm.s32 $0x1  }
0x25: {  	v3 =	vmov s13  }
0x26: {  	v3 =	vperm.xlane v2, v3;
	_ =	sdelay $0x1  }
0x27: {  	v3 =	vmul.u32 $0x180, v3;
	_ =	sdelay $0x1  }
0x28: {  	v11 =	vor.u32 v0, v3;
	_ =	sdelay $0x4  }
0x29: {  	v12 =	vld.idx.msk [tilespmem:v11+s12+$0x0], $0xffff  }
0x2a: {  	v14 =	vld.idx.msk [tilespmem:v11+s5+$0x0], $0xffff  }
0x2b: {  	v15 =	vld.idx.msk [tilespmem:v11+s4+$0x0], $0xffff  }
0x2c: {  	v17 =	vld.idx.msk [tilespmem:v11+s3+$0x0], $0xffff  }
0x2d: {  	v20 =	vld.idx.msk [tilespmem:v11+s8+$0x0], $0xffff  }
0x2e: {  	v22 =	vld.idx.msk [tilespmem:v11+s7+$0x0], $0xffff  }
0x2f: {  	v24 =	vld.idx.msk [tilespmem:v11+s17+$0x0], $0xffff  }
0x30: {  	v26 =	vld.idx.msk [tilespmem:v11+s18+$0x0], $0xffff  }
0x31: {  	v27 =	vld.idx.msk [tilespmem:v11+s19+$0x0], $0xffff  }
0x32: {  	v23 =	vld.idx.msk [tilespmem:v11+s20+$0x0], $0xffff  }
0x33: {  	v21 =	vld.idx.msk [tilespmem:v11+s21+$0x0], $0xffff  }
0x34: {  	v19 =	vld.idx.msk [tilespmem:v11+s22+$0x0], $0xffff  }
0x35: {  	v18 =	vld.idx.msk [tilespmem:v11+s23+$0x0], $0xffff  }
0x36: {  	v16 =	vld.idx.msk [tilespmem:v11+s24+$0x0], $0xffff  }
0x37: {  	s15 =	sand.u32 $0xE, s9;
	v13 =	vld.idx.msk [tilespmem:v11+s25+$0x0], $0xffff  }
0x38: {  	v3 =	vmov s15;
	v10 =	vld.idx.msk [tilespmem:v11+s26+$0x0], $0xffff  }
0x39: {  	v2 =	vperm.xlane v2, v3;
	v4 =	vld.idx.msk [tilespmem:v11+s28+$0x0], $0xffff  }
0x3a: {  	s16 =	simm.s32 $0x0;
	v5 =	vld.idx.msk [tilespmem:v11+s29+$0x0], $0xffff  }
0x3b: {  	s31 =	smul.u32 $0x3000, s16;
	v2 =	vmul.u32 $0x180, v2;
	v6 =	vld.idx.msk [tilespmem:v11+s30+$0x0], $0xffff  }
0x3c: {  	v7 =	vld.idx.msk [tilespmem:v11+s0+$0x0], $0xffff  }
0x3d: {  	s14 =	simm.s32 $0x18550;
	s2 =	simm.s32 $0x80;
	v2 =	vor.u32 v0, v2;
	v3 =	vld.idx.msk [tilespmem:v11+s1+$0x0], $0xffff;
	s7 =	sshra.s32 s31, $0x2  }
0x3e: {  	v8 =	vld.idx.msk [tilespmem:v11+s14+$0x0], $0xffff;
	s8 =	sand.u32 $0x380, s2;
	s3 =	sadd.s32 $0x400, s7  }
0x3f: {  	v9 =	vld.idx.msk [tilespmem:v11+s6+$0x0], $0xffff;
	s31 =	sor.u32 s8, s3  }
0x40: {  	v25 =	vld.idx.msk [tilespmem:v11+s10+$0x0], $0xffff;
	[tilespmem:s31+$0x0] =	vst v12  }
0x41: {  	[tilespmem:s31+$0x10] =	vst v14  }
0x42: {  	v11 =	vld.idx.msk [tilespmem:v2+s12+$0x0], $0xffff;
	[tilespmem:s31+$0x20] =	vst v15  }
0x43: {  	s16 =	simm.s32 $0x18420;
	v12 =	vld.idx.msk [tilespmem:v2+s5+$0x0], $0xffff;
	[tilespmem:s31+$0x30] =	vst v17  }
0x44: {  	s13 =	simm.s32 $0x18430;
	v14 =	vld.idx.msk [tilespmem:v2+s16+$0x0], $0xffff;
	[tilespmem:s31+$0x40] =	vst v20  }
0x45: {  	s4 =	simm.s32 $0x18440;
	v15 =	vld.idx.msk [tilespmem:v2+s13+$0x0], $0xffff;
	[tilespmem:s31+$0x50] =	vst v22  }
0x46: {  	s15 =	simm.s32 $0x18450;
	v17 =	vld.idx.msk [tilespmem:v2+s4+$0x0], $0xffff;
	[tilespmem:s31+$0x60] =	vst v24  }
0x47: {  	s14 =	simm.s32 $0x0;
	v20 =	vld.idx.msk [tilespmem:v2+s15+$0x0], $0xffff;
	[tilespmem:s31+$0x70] =	vst v26  }
0x48: {  	s16 =	sadd.s32 $0x800, s7;
	v22 =	vld.idx.msk [tilespmem:v2+s17+$0x0], $0xffff;
	s31 =	sshll.u32 s11, $0x2;
	[dreg:$0x9] =	wrdreg s11  }
0x49: {  	s6 =	sand.u32 $0x300, s14;
	s10 =	sor.u32 s8, s16;
	[dreg:$0xa] =	wrdreg s31  }
0x4a: {  	s4 =	sor.u32 s6, s3;
	s3 =	sor.u32 s6, s16;
	v24 =	vld.idx.msk [tilespmem:v2+s18+$0x0], $0xffff;
	[tilespmem:s10+$0x0] =	vst v27  }
.LBB2_3:
0x4b: {  	v26 =	vld.idx.msk [tilespmem:v2+s19+$0x0], $0xffff;
	[tilespmem:s10+$0x10] =	vst v23;
	s5 =	smov.u32 s9;
	s9 =	sadd.s32 $0x2, s9  }
0x4c: {  	s11 =	sand.u32 $0xE, s9;
	s12 =	sand.u32 $0x30, s9;
	p1 =	slt.u32 s9, $0x3E;
	v23 =	vld.idx.msk [tilespmem:v2+s20+$0x0], $0xffff;
	[tilespmem:s10+$0x20] =	vst v21  }
0x4d: {  	v21 =	vld.idx.msk [tilespmem:v1+s12+$0x0 ss:$0x1], $0xffff;
	s12 =	simm.s32 $0x18400;
	v27 =	vmov s11;
	[tilespmem:s10+$0x30] =	vst v19  }
0x4e: {  	v19 =	vld.idx.msk [tilespmem:v2+s21+$0x0], $0xffff;
	[tilespmem:s10+$0x40] =	vst v18  }
0x4f: {  	v18 =	vld.idx.msk [tilespmem:v2+s22+$0x0], $0xffff;
	[tilespmem:s10+$0x50] =	vst v16  }
0x50: {  	s7 =	sadd.s32 $0xC00, s7;
	v16 =	vld.idx.msk [tilespmem:v2+s23+$0x0], $0xffff;
	[tilespmem:s10+$0x60] =	vst v13  }
0x51: {  	s11 =	sadd.s32 $0x3, s5;
	s5 =	sor.u32 s6, s7;
	s6 =	sor.u32 s8, s7;
	v13 =	vld.idx.msk [tilespmem:v2+s24+$0x0], $0xffff;
	[tilespmem:s10+$0x70] =	vst v10  }
0x52: {  	v10 =	vmov s11;
	s11 =	simm.s32 $0x18410;
	v28 =	vld.idx.msk [tilespmem:v2+s25+$0x0], $0xffff;
	[tilespmem:s6+$0x70] =	vst v25  }
0x53: {  	v25 =	vperm.xlane v21, v27;
	v10 =	vperm.xlane v21, v10;
	v27 =	vld.idx.msk [tilespmem:v2+s26+$0x0], $0xffff;
	[tilespmem:s6+$0x0] =	vst v4  }
0x54: {  	v4 =	vld.idx.msk [tilespmem:v2+s28+$0x0], $0xffff;
	[tilespmem:s6+$0x10] =	vst v5  }
0x55: {  	v5 =	vmul.u32 $0x180, v25;
	v10 =	vmul.u32 $0x180, v10;
	v25 =	vld.idx.msk [tilespmem:v2+s29+$0x0], $0xffff;
	[tilespmem:s6+$0x20] =	vst v6  }
0x56: {  	v6 =	vld.idx.msk [tilespmem:v2+s30+$0x0], $0xffff;
	[tilespmem:s6+$0x30] =	vst v7  }
0x57: {  	v5 =	vor.u32 v0, v5;
	v29 =	vor.u32 v0, v10;
	v7 =	vld.idx.msk [tilespmem:v2+s0+$0x0], $0xffff;
	[tilespmem:s6+$0x40] =	vst v3  }
0x58: {  	s8 =	simm.s32 $0x18550;
	v3 =	vld.idx.msk [tilespmem:v2+s1+$0x0], $0xffff;
	[tilespmem:s6+$0x50] =	vst v8  }
0x59: {  	s10 =	simm.s32 $0x18560;
	v8 =	vld.idx.msk [tilespmem:v2+s8+$0x0], $0xffff;
	[tilespmem:s6+$0x60] =	vst v9  }
0x5a: {  	s16 =	simm.s32 $0x18570;
	v9 =	vld.idx.msk [tilespmem:v2+s10+$0x0], $0xffff  }
0x5b: {  	v30 =	vld.idx.msk [tilespmem:v2+s16+$0x0], $0xffff;
	[tilespmem:s4+$0x0] =	vst v11;
	v2 =	vmov v5  }
0x5c: {  	v11 =	vld.idx.msk [tilespmem:v29+s12+$0x0], $0xffff;
	[tilespmem:s4+$0x10] =	vst v12  }
0x5d: {  	s31 =	simm.s32 $0x18420;
	v12 =	vld.idx.msk [tilespmem:v29+s11+$0x0], $0xffff;
	[tilespmem:s4+$0x20] =	vst v14  }
0x5e: {  	s13 =	simm.s32 $0x18430;
	v14 =	vld.idx.msk [tilespmem:v29+s31+$0x0], $0xffff;
	[tilespmem:s4+$0x30] =	vst v15  }
0x5f: {  	s14 =	simm.s32 $0x18440;
	v15 =	vld.idx.msk [tilespmem:v29+s13+$0x0], $0xffff;
	[tilespmem:s4+$0x40] =	vst v17  }
0x60: {  	s15 =	simm.s32 $0x18450;
	v17 =	vld.idx.msk [tilespmem:v29+s14+$0x0], $0xffff;
	[tilespmem:s4+$0x50] =	vst v20  }
0x61: {  	v20 =	vld.idx.msk [tilespmem:v29+s15+$0x0], $0xffff;
	[tilespmem:s4+$0x60] =	vst v22  }
0x62: {  	v22 =	vld.idx.msk [tilespmem:v29+s17+$0x0], $0xffff;
	[tilespmem:s4+$0x70] =	vst v24  }
0x63: {  	v24 =	vld.idx.msk [tilespmem:v29+s18+$0x0], $0xffff;
	[tilespmem:s3+$0x0] =	vst v26  }
0x64: {  	v26 =	vld.idx.msk [tilespmem:v29+s19+$0x0], $0xffff;
	[tilespmem:s3+$0x10] =	vst v23  }
0x65: {  	v23 =	vld.idx.msk [tilespmem:v29+s20+$0x0], $0xffff;
	[tilespmem:s3+$0x20] =	vst v19  }
0x66: {  	v21 =	vld.idx.msk [tilespmem:v29+s21+$0x0], $0xffff;
	[tilespmem:s3+$0x30] =	vst v18  }
0x67: {  	v19 =	vld.idx.msk [tilespmem:v29+s22+$0x0], $0xffff;
	[tilespmem:s3+$0x40] =	vst v16  }
0x68: {  	v18 =	vld.idx.msk [tilespmem:v29+s23+$0x0], $0xffff;
	[tilespmem:s3+$0x50] =	vst v13  }
0x69: {  	v16 =	vld.idx.msk [tilespmem:v29+s24+$0x0], $0xffff;
	[tilespmem:s3+$0x60] =	vst v28  }
0x6a: {  	v13 =	vld.idx.msk [tilespmem:v29+s25+$0x0], $0xffff;
	[tilespmem:s3+$0x70] =	vst v27  }
0x6b: {  	v10 =	vld.idx.msk [tilespmem:v29+s26+$0x0], $0xffff;
	[tilespmem:s5+$0x0] =	vst v4  }
0x6c: {  	v4 =	vld.idx.msk [tilespmem:v29+s28+$0x0], $0xffff;
	[tilespmem:s5+$0x10] =	vst v25  }
0x6d: {  	s3 =	sshrl.u32 s9, $0x3;
	v5 =	vld.idx.msk [tilespmem:v29+s29+$0x0], $0xffff;
	[tilespmem:s5+$0x20] =	vst v6  }
0x6e: {  	s3 =	smul.u32 $0x3000, s3;
	v6 =	vld.idx.msk [tilespmem:v29+s30+$0x0], $0xffff;
	[tilespmem:s5+$0x30] =	vst v7  }
0x6f: {  	v7 =	vld.idx.msk [tilespmem:v29+s0+$0x0], $0xffff;
	[tilespmem:s5+$0x40] =	vst v3  }
0x70: {  	s2 =	sadd.s32 $0x100, s2;
	s7 =	sshra.s32 s3, $0x2;
	v3 =	vld.idx.msk [tilespmem:v29+s1+$0x0], $0xffff;
	[tilespmem:s5+$0x50] =	vst v8  }
0x71: {  	s3 =	sadd.s32 $0xFFFFFF80, s2;
	s4 =	sadd.s32 $0x400, s7;
	v8 =	vld.idx.msk [tilespmem:v29+s8+$0x0], $0xffff;
	s8 =	sand.u32 $0x380, s2;
	[tilespmem:s5+$0x60] =	vst v9  }
0x72: {  	s6 =	sand.u32 $0x300, s3;
	v9 =	vld.idx.msk [tilespmem:v29+s10+$0x0], $0xffff;
	s10 =	sor.u32 s8, s4;
	[tilespmem:s5+$0x70] =	vst v30  }
0x73: {  	s4 =	sor.u32 s6, s4;
	v25 =	vld.idx.msk [tilespmem:v29+s16+$0x0], $0xffff;
	[tilespmem:s10+$0x0] =	vst v11  }
0x74: {  	v11 =	vld.idx.msk [tilespmem:v2+s12+$0x0], $0xffff;
	[tilespmem:s10+$0x10] =	vst v12  }
0x75: {  	v12 =	vld.idx.msk [tilespmem:v2+s11+$0x0], $0xffff;
	[tilespmem:s10+$0x20] =	vst v14  }
0x76: {  	v14 =	vld.idx.msk [tilespmem:v2+s31+$0x0], $0xffff;
	[tilespmem:s10+$0x30] =	vst v15  }
.Ltmp0:
0x77: {  	v15 =	vld.idx.msk [tilespmem:v2+s13+$0x0], $0xffff;
	[tilespmem:s10+$0x40] =	vst v17;
	(pc) =	sbr.rel @p1 .LBB2_3-.Ltmp0, $4  }
0x78: {  	v17 =	vld.idx.msk [tilespmem:v2+s14+$0x0], $0xffff;
	[tilespmem:s10+$0x50] =	vst v20  }
0x79: {  	s5 =	sadd.s32 $0x800, s7;
	v20 =	vld.idx.msk [tilespmem:v2+s15+$0x0], $0xffff;
	[tilespmem:s10+$0x60] =	vst v22  }
0x7a: {  	s3 =	sor.u32 s6, s5;
	v22 =	vld.idx.msk [tilespmem:v2+s17+$0x0], $0xffff;
	[tilespmem:s10+$0x70] =	vst v24;
	s10 =	sor.u32 s8, s5  }
0x7b: {  	v24 =	vld.idx.msk [tilespmem:v2+s18+$0x0], $0xffff;
	[tilespmem:s10+$0x0] =	vst v26  }
0x7c: {  	_ =	sdelay $0x3  }
0x7d: {  	v1 =	vld.idx.msk [tilespmem:v2+s19+$0x0], $0xffff;
	[tilespmem:s10+$0x10] =	vst v23  }
0x7e: {  	v23 =	vld.idx.msk [tilespmem:v2+s20+$0x0], $0xffff;
	[tilespmem:s10+$0x20] =	vst v21  }
0x7f: {  	v21 =	vld.idx.msk [tilespmem:v2+s21+$0x0], $0xffff;
	[tilespmem:s10+$0x30] =	vst v19  }
0x80: {  	v19 =	vld.idx.msk [tilespmem:v2+s22+$0x0], $0xffff;
	[tilespmem:s10+$0x40] =	vst v18  }
0x81: {  	v18 =	vld.idx.msk [tilespmem:v2+s23+$0x0], $0xffff;
	[tilespmem:s10+$0x50] =	vst v16  }
0x82: {  	v16 =	vld.idx.msk [tilespmem:v2+s24+$0x0], $0xffff;
	s2 =	sadd.s32 $0xC00, s7;
	[tilespmem:s10+$0x60] =	vst v13  }
0x83: {  	v13 =	vld.idx.msk [tilespmem:v2+s25+$0x0], $0xffff;
	[tilespmem:s10+$0x70] =	vst v10;
	s5 =	sor.u32 s8, s2  }
0x84: {  	v10 =	vld.idx.msk [tilespmem:v2+s26+$0x0], $0xffff;
	[tilespmem:s5+$0x70] =	vst v25  }
0x85: {  	v25 =	vld.idx.msk [tilespmem:v2+s28+$0x0], $0xffff;
	[tilespmem:s5+$0x0] =	vst v4  }
0x86: {  	v4 =	vld.idx.msk [tilespmem:v2+s29+$0x0], $0xffff;
	[tilespmem:s5+$0x10] =	vst v5  }
0x87: {  	v5 =	vld.idx.msk [tilespmem:v2+s30+$0x0], $0xffff;
	[tilespmem:s5+$0x20] =	vst v6  }
0x88: {  	v6 =	vld.idx.msk [tilespmem:v2+s0+$0x0], $0xffff;
	[tilespmem:s5+$0x30] =	vst v7  }
0x89: {  	s7 =	simm.s32 $0x18550;
	v7 =	vld.idx.msk [tilespmem:v2+s1+$0x0], $0xffff;
	[tilespmem:s5+$0x40] =	vst v3  }
0x8a: {  	s10 =	simm.s32 $0x18560;
	v3 =	vld.idx.msk [tilespmem:v2+s7+$0x0], $0xffff;
	[tilespmem:s5+$0x50] =	vst v8  }
0x8b: {  	s16 =	simm.s32 $0x18570;
	v8 =	vld.idx.msk [tilespmem:v2+s10+$0x0], $0xffff;
	[tilespmem:s5+$0x60] =	vst v9  }
0x8c: {  	v2 =	vld.idx.msk [tilespmem:v2+s16+$0x0], $0xffff;
	[tilespmem:s4+$0x0] =	vst v11  }
0x8d: {  	[tilespmem:s4+$0x10] =	vst v12  }
0x8e: {  	[tilespmem:s4+$0x20] =	vst v14  }
0x8f: {  	[tilespmem:s4+$0x30] =	vst v15  }
0x90: {  	[tilespmem:s4+$0x40] =	vst v17  }
0x91: {  	[tilespmem:s4+$0x50] =	vst v20  }
0x92: {  	[tilespmem:s4+$0x60] =	vst v22  }
0x93: {  	[tilespmem:s4+$0x70] =	vst v24  }
0x94: {  	[tilespmem:s3+$0x0] =	vst v1  }
0x95: {  	[tilespmem:s3+$0x10] =	vst v23  }
0x96: {  	[tilespmem:s3+$0x20] =	vst v21  }
0x97: {  	[tilespmem:s3+$0x30] =	vst v19  }
0x98: {  	[tilespmem:s3+$0x40] =	vst v18  }
0x99: {  	[tilespmem:s3+$0x50] =	vst v16  }
0x9a: {  	[tilespmem:s3+$0x60] =	vst v13  }
0x9b: {  	s2 =	sor.u32 s6, s2;
	[tilespmem:s3+$0x70] =	vst v10  }
0x9c: {  	[tilespmem:s2+$0x0] =	vst v25  }
0x9d: {  	[tilespmem:s2+$0x10] =	vst v4  }
0x9e: {  	[tilespmem:s2+$0x20] =	vst v5  }
0x9f: {  	[tilespmem:s2+$0x30] =	vst v6  }
0xa0: {  	s3 =	rddreg [dreg:$0x4]  }
0xa1: {  	s4 =	rddreg [dreg:$0xe];
	[tilespmem:s2+$0x40] =	vst v7  }
0xa2: {  	[tilespmem:s2+$0x50] =	vst v3;
	s3 =	sadd.s32 s3, s4  }
0xa3: {  	s9 =	rddreg [dreg:$0xa];
	s3 =	sshrl.u32 s3, $0x3  }
0xa4: {  	s4 =	sor.u32 $0x1, s9;
	s3 =	smul.u32 $0x180, s3  }
0xa5: {  	s13 =	rddreg [dreg:$0x2];
	s15 =	simm.s32 $0x0;
	[tilespmem:s2+$0x60] =	vst v8;
	s4 =	sshll.u32 s4, $0x6  }
0xa6: {  	s31 =	simm.s32 $0x400;
	[tilespmem:s2+$0x70] =	vst v2;
	s14 =	sand.u32 $0x3FFFFFC0, s4;
	s2 =	sadd.s32 s13, s3  }
0xa7: {  	v1 =	vmov s14;
	[hbm4b:s2+s15] =	stream.linear.scatter [tilespmem:s31], [sflag:$0x1], $0x6000, $0x38;
	[tilespmem:$0x18B80] =	vst v63  }
0xa8: {  	[dreg:$0xb] =	wrdreg s4;
	s2 =	simm.s32 @!p0 $0x1  }
0xa9: {  	_ =	swait.ge @!p0 [sflag:s2], $0x6000  }
0xaa: {  	s9 =	simm.s32 $0x0;
	[sflag:s2] =	ssyncset.done @!p0 $0x0  }
0xab: {  	s4 =	sand.u32 $0x30, s9;
	[sflag:s2] =	ssyncadd.s32 @!p0 $0xFFFFA000  }
0xac: {  	v2 =	vld.idx.msk [tilespmem:v1+s4+$0x0 ss:$0x1], $0xffff;
	_ =	sdelay $0x2  }
0xad: {  	s5 =	simm.s32 $0x1  }
0xae: {  	v3 =	vmov s5  }
0xaf: {  	v3 =	vperm.xlane v2, v3;
	_ =	sdelay $0x1  }
0xb0: {  	v3 =	vmul.u32 $0x180, v3;
	_ =	sdelay $0x1  }
0xb1: {  	v11 =	vor.u32 v0, v3;
	_ =	sdelay $0x4  }
0xb2: {  	v12 =	vld.idx.msk [tilespmem:v11+s12+$0x0], $0xffff  }
0xb3: {  	s14 =	simm.s32 $0x18420;
	v14 =	vld.idx.msk [tilespmem:v11+s11+$0x0], $0xffff  }
0xb4: {  	s13 =	simm.s32 $0x18430;
	v15 =	vld.idx.msk [tilespmem:v11+s14+$0x0], $0xffff  }
0xb5: {  	s6 =	simm.s32 $0x18440;
	v17 =	vld.idx.msk [tilespmem:v11+s13+$0x0], $0xffff  }
0xb6: {  	s31 =	simm.s32 $0x18450;
	v20 =	vld.idx.msk [tilespmem:v11+s6+$0x0], $0xffff  }
0xb7: {  	v22 =	vld.idx.msk [tilespmem:v11+s31+$0x0], $0xffff  }
0xb8: {  	v24 =	vld.idx.msk [tilespmem:v11+s17+$0x0], $0xffff  }
0xb9: {  	v26 =	vld.idx.msk [tilespmem:v11+s18+$0x0], $0xffff  }
0xba: {  	v27 =	vld.idx.msk [tilespmem:v11+s19+$0x0], $0xffff  }
0xbb: {  	v23 =	vld.idx.msk [tilespmem:v11+s20+$0x0], $0xffff  }
0xbc: {  	v21 =	vld.idx.msk [tilespmem:v11+s21+$0x0], $0xffff  }
0xbd: {  	v19 =	vld.idx.msk [tilespmem:v11+s22+$0x0], $0xffff  }
0xbe: {  	v18 =	vld.idx.msk [tilespmem:v11+s23+$0x0], $0xffff  }
0xbf: {  	s3 =	sand.u32 $0xE, s9;
	v16 =	vld.idx.msk [tilespmem:v11+s24+$0x0], $0xffff  }
0xc0: {  	v3 =	vmov s3;
	v13 =	vld.idx.msk [tilespmem:v11+s25+$0x0], $0xffff  }
0xc1: {  	v2 =	vperm.xlane v2, v3;
	v10 =	vld.idx.msk [tilespmem:v11+s26+$0x0], $0xffff  }
0xc2: {  	v4 =	vld.idx.msk [tilespmem:v11+s28+$0x0], $0xffff  }
0xc3: {  	s4 =	simm.s32 $0x0;
	v2 =	vmul.u32 $0x180, v2;
	v5 =	vld.idx.msk [tilespmem:v11+s29+$0x0], $0xffff  }
0xc4: {  	s8 =	smul.u32 $0x3000, s4;
	v6 =	vld.idx.msk [tilespmem:v11+s30+$0x0], $0xffff  }
0xc5: {  	v7 =	vld.idx.msk [tilespmem:v11+s0+$0x0], $0xffff;
	v2 =	vor.u32 v0, v2  }
0xc6: {  	s2 =	simm.s32 $0x80;
	s8 =	sshra.s32 s8, $0x2;
	v3 =	vld.idx.msk [tilespmem:v11+s1+$0x0], $0xffff  }
0xc7: {  	s3 =	sadd.s32 $0x6400, s8;
	v8 =	vld.idx.msk [tilespmem:v11+s7+$0x0], $0xffff;
	s7 =	sand.u32 $0x380, s2  }
0xc8: {  	v9 =	vld.idx.msk [tilespmem:v11+s10+$0x0], $0xffff;
	s15 =	sor.u32 s7, s3  }
0xc9: {  	v25 =	vld.idx.msk [tilespmem:v11+s16+$0x0], $0xffff;
	[tilespmem:s15+$0x0] =	vst v12  }
0xca: {  	s17 =	simm.s32 $0x0;
	v11 =	vld.idx.msk [tilespmem:v2+s12+$0x0], $0xffff;
	[tilespmem:s15+$0x10] =	vst v14  }
0xcb: {  	s30 =	simm.s32 $0x18530;
	s0 =	simm.s32 $0x18550;
	s29 =	simm.s32 $0x18520;
	v12 =	vld.idx.msk [tilespmem:v2+s11+$0x0], $0xffff;
	[tilespmem:s15+$0x20] =	vst v15  }
0xcc: {  	s28 =	simm.s32 $0x18510;
	s26 =	simm.s32 $0x18500;
	s25 =	simm.s32 $0x184F0;
	v14 =	vld.idx.msk [tilespmem:v2+s14+$0x0], $0xffff;
	[tilespmem:s15+$0x30] =	vst v17  }
0xcd: {  	s24 =	simm.s32 $0x184E0;
	s23 =	simm.s32 $0x184D0;
	s22 =	simm.s32 $0x184C0;
	v15 =	vld.idx.msk [tilespmem:v2+s13+$0x0], $0xffff;
	[tilespmem:s15+$0x40] =	vst v20  }
0xce: {  	s21 =	simm.s32 $0x184B0;
	s20 =	simm.s32 $0x184A0;
	s16 =	simm.s32 $0x18480;
	v17 =	vld.idx.msk [tilespmem:v2+s6+$0x0], $0xffff;
	[tilespmem:s15+$0x50] =	vst v22  }
0xcf: {  	s18 =	simm.s32 $0x18470;
	s19 =	simm.s32 $0x18460;
	v20 =	vld.idx.msk [tilespmem:v2+s31+$0x0], $0xffff;
	s31 =	sadd.s32 $0x6800, s8;
	[tilespmem:s15+$0x60] =	vst v24  }
0xd0: {  	s14 =	simm.s32 $0x18490;
	s6 =	sand.u32 $0x300, s17;
	v22 =	vld.idx.msk [tilespmem:v2+s19+$0x0], $0xffff;
	[tilespmem:s15+$0x70] =	vst v26;
	s10 =	sor.u32 s7, s31  }
0xd1: {  	s13 =	simm.s32 $0x18440;
	v24 =	vld.idx.msk [tilespmem:v2+s18+$0x0], $0xffff;
	s4 =	sor.u32 s6, s3;
	s3 =	sor.u32 s6, s31;
	[tilespmem:s10+$0x0] =	vst v27  }
.LBB2_5:
0xd2: {  	v26 =	vld.idx.msk [tilespmem:v2+s16+$0x0], $0xffff;
	[tilespmem:s10+$0x10] =	vst v23;
	s5 =	smov.u32 s9;
	s9 =	sadd.s32 $0x2, s9  }
0xd3: {  	s11 =	sand.u32 $0xE, s9;
	s12 =	sand.u32 $0x30, s9;
	p1 =	slt.u32 s9, $0x3E;
	v23 =	vld.idx.msk [tilespmem:v2+s14+$0x0], $0xffff;
	[tilespmem:s10+$0x20] =	vst v21  }
0xd4: {  	v21 =	vld.idx.msk [tilespmem:v1+s12+$0x0 ss:$0x1], $0xffff;
	s12 =	simm.s32 $0x18400;
	v27 =	vmov s11;
	[tilespmem:s10+$0x30] =	vst v19  }
0xd5: {  	v19 =	vld.idx.msk [tilespmem:v2+s20+$0x0], $0xffff;
	[tilespmem:s10+$0x40] =	vst v18  }
0xd6: {  	v18 =	vld.idx.msk [tilespmem:v2+s21+$0x0], $0xffff;
	[tilespmem:s10+$0x50] =	vst v16  }
0xd7: {  	s8 =	sadd.s32 $0x6C00, s8;
	v16 =	vld.idx.msk [tilespmem:v2+s22+$0x0], $0xffff;
	[tilespmem:s10+$0x60] =	vst v13  }
0xd8: {  	s11 =	sadd.s32 $0x3, s5;
	s5 =	sor.u32 s6, s8;
	s6 =	sor.u32 s7, s8;
	v13 =	vld.idx.msk [tilespmem:v2+s23+$0x0], $0xffff;
	[tilespmem:s10+$0x70] =	vst v10  }
0xd9: {  	v10 =	vmov s11;
	v28 =	vld.idx.msk [tilespmem:v2+s24+$0x0], $0xffff;
	[tilespmem:s6+$0x70] =	vst v25  }
0xda: {  	v25 =	vperm.xlane v21, v27;
	v10 =	vperm.xlane v21, v10;
	v27 =	vld.idx.msk [tilespmem:v2+s25+$0x0], $0xffff;
	[tilespmem:s6+$0x0] =	vst v4  }
0xdb: {  	v4 =	vld.idx.msk [tilespmem:v2+s26+$0x0], $0xffff;
	[tilespmem:s6+$0x10] =	vst v5  }
0xdc: {  	v5 =	vmul.u32 $0x180, v25;
	v10 =	vmul.u32 $0x180, v10;
	v25 =	vld.idx.msk [tilespmem:v2+s28+$0x0], $0xffff;
	[tilespmem:s6+$0x20] =	vst v6  }
0xdd: {  	v6 =	vld.idx.msk [tilespmem:v2+s29+$0x0], $0xffff;
	[tilespmem:s6+$0x30] =	vst v7  }
0xde: {  	s7 =	simm.s32 $0x18540;
	v5 =	vor.u32 v0, v5;
	v29 =	vor.u32 v0, v10;
	v7 =	vld.idx.msk [tilespmem:v2+s30+$0x0], $0xffff;
	[tilespmem:s6+$0x40] =	vst v3  }
0xdf: {  	v3 =	vld.idx.msk [tilespmem:v2+s7+$0x0], $0xffff;
	[tilespmem:s6+$0x50] =	vst v8  }
0xe0: {  	s10 =	simm.s32 $0x18560;
	v8 =	vld.idx.msk [tilespmem:v2+s0+$0x0], $0xffff;
	[tilespmem:s6+$0x60] =	vst v9  }
0xe1: {  	s11 =	simm.s32 $0x18570;
	v9 =	vld.idx.msk [tilespmem:v2+s10+$0x0], $0xffff  }
0xe2: {  	v30 =	vld.idx.msk [tilespmem:v2+s11+$0x0], $0xffff;
	[tilespmem:s4+$0x0] =	vst v11;
	v2 =	vmov v5  }
0xe3: {  	s19 =	simm.s32 $0x18410;
	v11 =	vld.idx.msk [tilespmem:v29+s12+$0x0], $0xffff;
	[tilespmem:s4+$0x10] =	vst v12  }
0xe4: {  	s1 =	simm.s32 $0x18420;
	v12 =	vld.idx.msk [tilespmem:v29+s19+$0x0], $0xffff;
	[tilespmem:s4+$0x20] =	vst v14  }
0xe5: {  	s15 =	simm.s32 $0x18430;
	v14 =	vld.idx.msk [tilespmem:v29+s1+$0x0], $0xffff;
	[tilespmem:s4+$0x30] =	vst v15  }
0xe6: {  	v15 =	vld.idx.msk [tilespmem:v29+s15+$0x0], $0xffff;
	[tilespmem:s4+$0x40] =	vst v17  }
0xe7: {  	s17 =	simm.s32 $0x18450;
	v17 =	vld.idx.msk [tilespmem:v29+s13+$0x0], $0xffff;
	[tilespmem:s4+$0x50] =	vst v20  }
0xe8: {  	s31 =	simm.s32 $0x18460;
	v20 =	vld.idx.msk [tilespmem:v29+s17+$0x0], $0xffff;
	[tilespmem:s4+$0x60] =	vst v22  }
0xe9: {  	s18 =	simm.s32 $0x18470;
	v22 =	vld.idx.msk [tilespmem:v29+s31+$0x0], $0xffff;
	[tilespmem:s4+$0x70] =	vst v24  }
0xea: {  	v24 =	vld.idx.msk [tilespmem:v29+s18+$0x0], $0xffff;
	[tilespmem:s3+$0x0] =	vst v26  }
0xeb: {  	v26 =	vld.idx.msk [tilespmem:v29+s16+$0x0], $0xffff;
	[tilespmem:s3+$0x10] =	vst v23  }
0xec: {  	v23 =	vld.idx.msk [tilespmem:v29+s14+$0x0], $0xffff;
	[tilespmem:s3+$0x20] =	vst v19  }
0xed: {  	v21 =	vld.idx.msk [tilespmem:v29+s20+$0x0], $0xffff;
	[tilespmem:s3+$0x30] =	vst v18  }
0xee: {  	v19 =	vld.idx.msk [tilespmem:v29+s21+$0x0], $0xffff;
	[tilespmem:s3+$0x40] =	vst v16  }
0xef: {  	v18 =	vld.idx.msk [tilespmem:v29+s22+$0x0], $0xffff;
	[tilespmem:s3+$0x50] =	vst v13  }
0xf0: {  	v16 =	vld.idx.msk [tilespmem:v29+s23+$0x0], $0xffff;
	[tilespmem:s3+$0x60] =	vst v28  }
0xf1: {  	v13 =	vld.idx.msk [tilespmem:v29+s24+$0x0], $0xffff;
	[tilespmem:s3+$0x70] =	vst v27  }
0xf2: {  	v10 =	vld.idx.msk [tilespmem:v29+s25+$0x0], $0xffff;
	[tilespmem:s5+$0x0] =	vst v4  }
0xf3: {  	v4 =	vld.idx.msk [tilespmem:v29+s26+$0x0], $0xffff;
	[tilespmem:s5+$0x10] =	vst v25  }
0xf4: {  	s3 =	sshrl.u32 s9, $0x3;
	v5 =	vld.idx.msk [tilespmem:v29+s28+$0x0], $0xffff;
	[tilespmem:s5+$0x20] =	vst v6  }
0xf5: {  	s3 =	smul.u32 $0x3000, s3;
	v6 =	vld.idx.msk [tilespmem:v29+s29+$0x0], $0xffff;
	[tilespmem:s5+$0x30] =	vst v7  }
0xf6: {  	v7 =	vld.idx.msk [tilespmem:v29+s30+$0x0], $0xffff;
	[tilespmem:s5+$0x40] =	vst v3  }
0xf7: {  	s2 =	sadd.s32 $0x100, s2;
	s8 =	sshra.s32 s3, $0x2;
	v3 =	vld.idx.msk [tilespmem:v29+s7+$0x0], $0xffff;
	[tilespmem:s5+$0x50] =	vst v8  }
0xf8: {  	s3 =	sadd.s32 $0xFFFFFF80, s2;
	s4 =	sadd.s32 $0x6400, s8;
	s7 =	sand.u32 $0x380, s2;
	v8 =	vld.idx.msk [tilespmem:v29+s0+$0x0], $0xffff;
	[tilespmem:s5+$0x60] =	vst v9  }
0xf9: {  	s6 =	sand.u32 $0x300, s3;
	v9 =	vld.idx.msk [tilespmem:v29+s10+$0x0], $0xffff;
	s10 =	sor.u32 s7, s4;
	[tilespmem:s5+$0x70] =	vst v30  }
0xfa: {  	s4 =	sor.u32 s6, s4;
	v25 =	vld.idx.msk [tilespmem:v29+s11+$0x0], $0xffff;
	[tilespmem:s10+$0x0] =	vst v11  }
0xfb: {  	v11 =	vld.idx.msk [tilespmem:v2+s12+$0x0], $0xffff;
	[tilespmem:s10+$0x10] =	vst v12  }
0xfc: {  	v12 =	vld.idx.msk [tilespmem:v2+s19+$0x0], $0xffff;
	[tilespmem:s10+$0x20] =	vst v14  }
0xfd: {  	v14 =	vld.idx.msk [tilespmem:v2+s1+$0x0], $0xffff;
	[tilespmem:s10+$0x30] =	vst v15  }
.Ltmp1:
0xfe: {  	v15 =	vld.idx.msk [tilespmem:v2+s15+$0x0], $0xffff;
	[tilespmem:s10+$0x40] =	vst v17;
	(pc) =	sbr.rel @p1 .LBB2_5-.Ltmp1, $4  }
0xff: {  	v17 =	vld.idx.msk [tilespmem:v2+s13+$0x0], $0xffff;
	[tilespmem:s10+$0x50] =	vst v20  }
0x100: {  	s5 =	sadd.s32 $0x6800, s8;
	v20 =	vld.idx.msk [tilespmem:v2+s17+$0x0], $0xffff;
	[tilespmem:s10+$0x60] =	vst v22  }
0x101: {  	s3 =	sor.u32 s6, s5;
	v22 =	vld.idx.msk [tilespmem:v2+s31+$0x0], $0xffff;
	[tilespmem:s10+$0x70] =	vst v24;
	s10 =	sor.u32 s7, s5  }
0x102: {  	v24 =	vld.idx.msk [tilespmem:v2+s18+$0x0], $0xffff;
	[tilespmem:s10+$0x0] =	vst v26  }
0x103: {  	_ =	sdelay $0x3  }
0x104: {  	v1 =	vld.idx.msk [tilespmem:v2+s16+$0x0], $0xffff;
	[tilespmem:s10+$0x10] =	vst v23  }
0x105: {  	v23 =	vld.idx.msk [tilespmem:v2+s14+$0x0], $0xffff;
	[tilespmem:s10+$0x20] =	vst v21  }
0x106: {  	v21 =	vld.idx.msk [tilespmem:v2+s20+$0x0], $0xffff;
	[tilespmem:s10+$0x30] =	vst v19  }
0x107: {  	v19 =	vld.idx.msk [tilespmem:v2+s21+$0x0], $0xffff;
	[tilespmem:s10+$0x40] =	vst v18  }
0x108: {  	v18 =	vld.idx.msk [tilespmem:v2+s22+$0x0], $0xffff;
	[tilespmem:s10+$0x50] =	vst v16  }
0x109: {  	v16 =	vld.idx.msk [tilespmem:v2+s23+$0x0], $0xffff;
	s2 =	sadd.s32 $0x6C00, s8;
	[tilespmem:s10+$0x60] =	vst v13  }
0x10a: {  	v13 =	vld.idx.msk [tilespmem:v2+s24+$0x0], $0xffff;
	[tilespmem:s10+$0x70] =	vst v10;
	s5 =	sor.u32 s7, s2  }
0x10b: {  	v10 =	vld.idx.msk [tilespmem:v2+s25+$0x0], $0xffff;
	[tilespmem:s5+$0x70] =	vst v25  }
0x10c: {  	v25 =	vld.idx.msk [tilespmem:v2+s26+$0x0], $0xffff;
	[tilespmem:s5+$0x0] =	vst v4  }
0x10d: {  	v4 =	vld.idx.msk [tilespmem:v2+s28+$0x0], $0xffff;
	[tilespmem:s5+$0x10] =	vst v5  }
0x10e: {  	v5 =	vld.idx.msk [tilespmem:v2+s29+$0x0], $0xffff;
	[tilespmem:s5+$0x20] =	vst v6  }
0x10f: {  	s7 =	simm.s32 $0x18540;
	v6 =	vld.idx.msk [tilespmem:v2+s30+$0x0], $0xffff;
	[tilespmem:s5+$0x30] =	vst v7  }
0x110: {  	v7 =	vld.idx.msk [tilespmem:v2+s7+$0x0], $0xffff;
	[tilespmem:s5+$0x40] =	vst v3  }
0x111: {  	s10 =	simm.s32 $0x18560;
	v3 =	vld.idx.msk [tilespmem:v2+s0+$0x0], $0xffff;
	[tilespmem:s5+$0x50] =	vst v8  }
0x112: {  	s1 =	simm.s32 $0x18570;
	v8 =	vld.idx.msk [tilespmem:v2+s10+$0x0], $0xffff;
	[tilespmem:s5+$0x60] =	vst v9  }
0x113: {  	v2 =	vld.idx.msk [tilespmem:v2+s1+$0x0], $0xffff;
	[tilespmem:s4+$0x0] =	vst v11  }
0x114: {  	[tilespmem:s4+$0x10] =	vst v12  }
0x115: {  	[tilespmem:s4+$0x20] =	vst v14  }
0x116: {  	[tilespmem:s4+$0x30] =	vst v15  }
0x117: {  	[tilespmem:s4+$0x40] =	vst v17  }
0x118: {  	[tilespmem:s4+$0x50] =	vst v20  }
0x119: {  	[tilespmem:s4+$0x60] =	vst v22  }
0x11a: {  	[tilespmem:s4+$0x70] =	vst v24  }
0x11b: {  	[tilespmem:s3+$0x0] =	vst v1  }
0x11c: {  	[tilespmem:s3+$0x10] =	vst v23  }
0x11d: {  	[tilespmem:s3+$0x20] =	vst v21  }
0x11e: {  	[tilespmem:s3+$0x30] =	vst v19  }
0x11f: {  	[tilespmem:s3+$0x40] =	vst v18  }
0x120: {  	[tilespmem:s3+$0x50] =	vst v16  }
0x121: {  	[tilespmem:s3+$0x60] =	vst v13  }
0x122: {  	s2 =	sor.u32 s6, s2;
	[tilespmem:s3+$0x70] =	vst v10  }
0x123: {  	[tilespmem:s2+$0x0] =	vst v25  }
0x124: {  	[tilespmem:s2+$0x10] =	vst v4  }
0x125: {  	[tilespmem:s2+$0x20] =	vst v5  }
0x126: {  	[tilespmem:s2+$0x30] =	vst v6  }
0x127: {  	s3 =	rddreg [dreg:$0x4]  }
0x128: {  	s4 =	rddreg [dreg:$0xb];
	[tilespmem:s2+$0x40] =	vst v7  }
0x129: {  	[tilespmem:s2+$0x50] =	vst v3;
	s3 =	sadd.s32 s3, s4  }
0x12a: {  	s5 =	rddreg [dreg:$0xa];
	s3 =	sshrl.u32 s3, $0x3  }
0x12b: {  	s6 =	sor.u32 $0x2, s5;
	s3 =	smul.u32 $0x180, s3  }
0x12c: {  	s8 =	rddreg [dreg:$0x2];
	s11 =	simm.s32 $0x0;
	[tilespmem:s2+$0x60] =	vst v8;
	s4 =	sshll.u32 s6, $0x6  }
0x12d: {  	s15 =	simm.s32 $0x6400;
	[tilespmem:s2+$0x70] =	vst v2;
	s9 =	sand.u32 $0x3FFFFFC0, s4;
	s2 =	sadd.s32 s8, s3  }
0x12e: {  	v1 =	vmov s9;
	[hbm4b:s2+s11] =	stream.linear.scatter [tilespmem:s15], [sflag:$0x1], $0x6000, $0x38;
	[tilespmem:$0x18B80] =	vst v63  }
0x12f: {  	[dreg:$0xc] =	wrdreg s4;
	s2 =	simm.s32 @!p0 $0x1  }
0x130: {  	_ =	swait.ge @!p0 [sflag:s2], $0x6000  }
0x131: {  	s9 =	simm.s32 $0x0;
	[sflag:s2] =	ssyncset.done @!p0 $0x0  }
0x132: {  	s17 =	sand.u32 $0x30, s9;
	[sflag:s2] =	ssyncadd.s32 @!p0 $0xFFFFA000  }
0x133: {  	v2 =	vld.idx.msk [tilespmem:v1+s17+$0x0 ss:$0x1], $0xffff;
	_ =	sdelay $0x2  }
0x134: {  	s18 =	simm.s32 $0x1  }
0x135: {  	v3 =	vmov s18  }
0x136: {  	v3 =	vperm.xlane v2, v3;
	_ =	sdelay $0x1  }
0x137: {  	v3 =	vmul.u32 $0x180, v3;
	_ =	sdelay $0x1  }
0x138: {  	v11 =	vor.u32 v0, v3;
	_ =	sdelay $0x4  }
0x139: {  	s19 =	simm.s32 $0x18410;
	v12 =	vld.idx.msk [tilespmem:v11+s12+$0x0], $0xffff  }
0x13a: {  	s31 =	simm.s32 $0x18420;
	v14 =	vld.idx.msk [tilespmem:v11+s19+$0x0], $0xffff  }
0x13b: {  	s11 =	simm.s32 $0x18430;
	v15 =	vld.idx.msk [tilespmem:v11+s31+$0x0], $0xffff  }
0x13c: {  	v17 =	vld.idx.msk [tilespmem:v11+s11+$0x0], $0xffff  }
0x13d: {  	s15 =	simm.s32 $0x18450;
	v20 =	vld.idx.msk [tilespmem:v11+s13+$0x0], $0xffff  }
0x13e: {  	s18 =	simm.s32 $0x18460;
	v22 =	vld.idx.msk [tilespmem:v11+s15+$0x0], $0xffff  }
0x13f: {  	s17 =	simm.s32 $0x18470;
	v24 =	vld.idx.msk [tilespmem:v11+s18+$0x0], $0xffff  }
0x140: {  	v26 =	vld.idx.msk [tilespmem:v11+s17+$0x0], $0xffff  }
0x141: {  	v27 =	vld.idx.msk [tilespmem:v11+s16+$0x0], $0xffff  }
0x142: {  	v23 =	vld.idx.msk [tilespmem:v11+s14+$0x0], $0xffff  }
0x143: {  	v21 =	vld.idx.msk [tilespmem:v11+s20+$0x0], $0xffff  }
0x144: {  	v19 =	vld.idx.msk [tilespmem:v11+s21+$0x0], $0xffff  }
0x145: {  	v18 =	vld.idx.msk [tilespmem:v11+s22+$0x0], $0xffff  }
0x146: {  	s3 =	sand.u32 $0xE, s9;
	v16 =	vld.idx.msk [tilespmem:v11+s23+$0x0], $0xffff  }
0x147: {  	v3 =	vmov s3;
	v13 =	vld.idx.msk [tilespmem:v11+s24+$0x0], $0xffff  }
0x148: {  	v2 =	vperm.xlane v2, v3;
	v10 =	vld.idx.msk [tilespmem:v11+s25+$0x0], $0xffff  }
0x149: {  	v4 =	vld.idx.msk [tilespmem:v11+s26+$0x0], $0xffff  }
0x14a: {  	s4 =	simm.s32 $0x0;
	v2 =	vmul.u32 $0x180, v2;
	v5 =	vld.idx.msk [tilespmem:v11+s28+$0x0], $0xffff  }
0x14b: {  	s8 =	smul.u32 $0x3000, s4;
	v6 =	vld.idx.msk [tilespmem:v11+s29+$0x0], $0xffff  }
0x14c: {  	v7 =	vld.idx.msk [tilespmem:v11+s30+$0x0], $0xffff;
	v2 =	vor.u32 v0, v2  }
0x14d: {  	s0 =	simm.s32 $0x18550;
	s8 =	sshra.s32 s8, $0x2;
	s2 =	simm.s32 $0x80;
	v3 =	vld.idx.msk [tilespmem:v11+s7+$0x0], $0xffff  }
0x14e: {  	s3 =	sadd.s32 $0xC400, s8;
	v8 =	vld.idx.msk [tilespmem:v11+s0+$0x0], $0xffff;
	s7 =	sand.u32 $0x380, s2  }
0x14f: {  	v9 =	vld.idx.msk [tilespmem:v11+s10+$0x0], $0xffff;
	s10 =	sor.u32 s7, s3  }
0x150: {  	v25 =	vld.idx.msk [tilespmem:v11+s1+$0x0], $0xffff;
	[tilespmem:s10+$0x0] =	vst v12  }
0x151: {  	v11 =	vld.idx.msk [tilespmem:v2+s12+$0x0], $0xffff;
	[tilespmem:s10+$0x10] =	vst v14  }
0x152: {  	v12 =	vld.idx.msk [tilespmem:v2+s19+$0x0], $0xffff;
	[tilespmem:s10+$0x20] =	vst v15  }
0x153: {  	v14 =	vld.idx.msk [tilespmem:v2+s31+$0x0], $0xffff;
	[tilespmem:s10+$0x30] =	vst v17  }
0x154: {  	v15 =	vld.idx.msk [tilespmem:v2+s11+$0x0], $0xffff;
	[tilespmem:s10+$0x40] =	vst v20  }
0x155: {  	v17 =	vld.idx.msk [tilespmem:v2+s13+$0x0], $0xffff;
	[tilespmem:s10+$0x50] =	vst v22  }
0x156: {  	s19 =	simm.s32 $0x0;
	v20 =	vld.idx.msk [tilespmem:v2+s15+$0x0], $0xffff;
	s31 =	sadd.s32 $0xC800, s8;
	[tilespmem:s10+$0x60] =	vst v24  }
0x157: {  	v22 =	vld.idx.msk [tilespmem:v2+s18+$0x0], $0xffff;
	[tilespmem:s10+$0x70] =	vst v26;
	s6 =	sand.u32 $0x300, s19;
	s10 =	sor.u32 s7, s31  }
0x158: {  	v24 =	vld.idx.msk [tilespmem:v2+s17+$0x0], $0xffff;
	s4 =	sor.u32 s6, s3;
	s3 =	sor.u32 s6, s31;
	[tilespmem:s10+$0x0] =	vst v27  }
.LBB2_7:
0x159: {  	v26 =	vld.idx.msk [tilespmem:v2+s16+$0x0], $0xffff;
	[tilespmem:s10+$0x10] =	vst v23;
	s5 =	smov.u32 s9;
	s9 =	sadd.s32 $0x2, s9  }
0x15a: {  	s11 =	sand.u32 $0xE, s9;
	s12 =	sand.u32 $0x30, s9;
	p1 =	slt.u32 s9, $0x3E;
	v23 =	vld.idx.msk [tilespmem:v2+s14+$0x0], $0xffff;
	[tilespmem:s10+$0x20] =	vst v21  }
0x15b: {  	v21 =	vld.idx.msk [tilespmem:v1+s12+$0x0 ss:$0x1], $0xffff;
	s12 =	simm.s32 $0x18400;
	v27 =	vmov s11;
	[tilespmem:s10+$0x30] =	vst v19  }
0x15c: {  	v19 =	vld.idx.msk [tilespmem:v2+s20+$0x0], $0xffff;
	[tilespmem:s10+$0x40] =	vst v18  }
0x15d: {  	v18 =	vld.idx.msk [tilespmem:v2+s21+$0x0], $0xffff;
	[tilespmem:s10+$0x50] =	vst v16  }
0x15e: {  	s8 =	sadd.s32 $0xCC00, s8;
	v16 =	vld.idx.msk [tilespmem:v2+s22+$0x0], $0xffff;
	[tilespmem:s10+$0x60] =	vst v13  }
0x15f: {  	s11 =	sadd.s32 $0x3, s5;
	s5 =	sor.u32 s6, s8;
	s6 =	sor.u32 s7, s8;
	v13 =	vld.idx.msk [tilespmem:v2+s23+$0x0], $0xffff;
	[tilespmem:s10+$0x70] =	vst v10  }
0x160: {  	v10 =	vmov s11;
	v28 =	vld.idx.msk [tilespmem:v2+s24+$0x0], $0xffff;
	[tilespmem:s6+$0x70] =	vst v25  }
0x161: {  	v25 =	vperm.xlane v21, v27;
	v10 =	vperm.xlane v21, v10;
	v27 =	vld.idx.msk [tilespmem:v2+s25+$0x0], $0xffff;
	[tilespmem:s6+$0x0] =	vst v4  }
0x162: {  	v4 =	vld.idx.msk [tilespmem:v2+s26+$0x0], $0xffff;
	[tilespmem:s6+$0x10] =	vst v5  }
0x163: {  	v5 =	vmul.u32 $0x180, v25;
	v10 =	vmul.u32 $0x180, v10;
	v25 =	vld.idx.msk [tilespmem:v2+s28+$0x0], $0xffff;
	[tilespmem:s6+$0x20] =	vst v6  }
0x164: {  	v6 =	vld.idx.msk [tilespmem:v2+s29+$0x0], $0xffff;
	[tilespmem:s6+$0x30] =	vst v7  }
0x165: {  	s7 =	simm.s32 $0x18540;
	v5 =	vor.u32 v0, v5;
	v29 =	vor.u32 v0, v10;
	v7 =	vld.idx.msk [tilespmem:v2+s30+$0x0], $0xffff;
	[tilespmem:s6+$0x40] =	vst v3  }
0x166: {  	v3 =	vld.idx.msk [tilespmem:v2+s7+$0x0], $0xffff;
	[tilespmem:s6+$0x50] =	vst v8  }
0x167: {  	s10 =	simm.s32 $0x18560;
	v8 =	vld.idx.msk [tilespmem:v2+s0+$0x0], $0xffff;
	[tilespmem:s6+$0x60] =	vst v9  }
0x168: {  	s11 =	simm.s32 $0x18570;
	v9 =	vld.idx.msk [tilespmem:v2+s10+$0x0], $0xffff  }
0x169: {  	v30 =	vld.idx.msk [tilespmem:v2+s11+$0x0], $0xffff;
	[tilespmem:s4+$0x0] =	vst v11;
	v2 =	vmov v5  }
0x16a: {  	s19 =	simm.s32 $0x18410;
	v11 =	vld.idx.msk [tilespmem:v29+s12+$0x0], $0xffff;
	[tilespmem:s4+$0x10] =	vst v12  }
0x16b: {  	s1 =	simm.s32 $0x18420;
	v12 =	vld.idx.msk [tilespmem:v29+s19+$0x0], $0xffff;
	[tilespmem:s4+$0x20] =	vst v14  }
0x16c: {  	s15 =	simm.s32 $0x18430;
	v14 =	vld.idx.msk [tilespmem:v29+s1+$0x0], $0xffff;
	[tilespmem:s4+$0x30] =	vst v15  }
0x16d: {  	v15 =	vld.idx.msk [tilespmem:v29+s15+$0x0], $0xffff;
	[tilespmem:s4+$0x40] =	vst v17  }
0x16e: {  	s17 =	simm.s32 $0x18450;
	v17 =	vld.idx.msk [tilespmem:v29+s13+$0x0], $0xffff;
	[tilespmem:s4+$0x50] =	vst v20  }
0x16f: {  	s31 =	simm.s32 $0x18460;
	v20 =	vld.idx.msk [tilespmem:v29+s17+$0x0], $0xffff;
	[tilespmem:s4+$0x60] =	vst v22  }
0x170: {  	s18 =	simm.s32 $0x18470;
	v22 =	vld.idx.msk [tilespmem:v29+s31+$0x0], $0xffff;
	[tilespmem:s4+$0x70] =	vst v24  }
0x171: {  	v24 =	vld.idx.msk [tilespmem:v29+s18+$0x0], $0xffff;
	[tilespmem:s3+$0x0] =	vst v26  }
0x172: {  	v26 =	vld.idx.msk [tilespmem:v29+s16+$0x0], $0xffff;
	[tilespmem:s3+$0x10] =	vst v23  }
0x173: {  	v23 =	vld.idx.msk [tilespmem:v29+s14+$0x0], $0xffff;
	[tilespmem:s3+$0x20] =	vst v19  }
0x174: {  	v21 =	vld.idx.msk [tilespmem:v29+s20+$0x0], $0xffff;
	[tilespmem:s3+$0x30] =	vst v18  }
0x175: {  	v19 =	vld.idx.msk [tilespmem:v29+s21+$0x0], $0xffff;
	[tilespmem:s3+$0x40] =	vst v16  }
0x176: {  	v18 =	vld.idx.msk [tilespmem:v29+s22+$0x0], $0xffff;
	[tilespmem:s3+$0x50] =	vst v13  }
0x177: {  	v16 =	vld.idx.msk [tilespmem:v29+s23+$0x0], $0xffff;
	[tilespmem:s3+$0x60] =	vst v28  }
0x178: {  	v13 =	vld.idx.msk [tilespmem:v29+s24+$0x0], $0xffff;
	[tilespmem:s3+$0x70] =	vst v27  }
0x179: {  	v10 =	vld.idx.msk [tilespmem:v29+s25+$0x0], $0xffff;
	[tilespmem:s5+$0x0] =	vst v4  }
0x17a: {  	v4 =	vld.idx.msk [tilespmem:v29+s26+$0x0], $0xffff;
	[tilespmem:s5+$0x10] =	vst v25  }
0x17b: {  	s3 =	sshrl.u32 s9, $0x3;
	v5 =	vld.idx.msk [tilespmem:v29+s28+$0x0], $0xffff;
	[tilespmem:s5+$0x20] =	vst v6  }
0x17c: {  	s3 =	smul.u32 $0x3000, s3;
	v6 =	vld.idx.msk [tilespmem:v29+s29+$0x0], $0xffff;
	[tilespmem:s5+$0x30] =	vst v7  }
0x17d: {  	v7 =	vld.idx.msk [tilespmem:v29+s30+$0x0], $0xffff;
	[tilespmem:s5+$0x40] =	vst v3  }
0x17e: {  	s2 =	sadd.s32 $0x100, s2;
	s8 =	sshra.s32 s3, $0x2;
	v3 =	vld.idx.msk [tilespmem:v29+s7+$0x0], $0xffff;
	[tilespmem:s5+$0x50] =	vst v8  }
0x17f: {  	s3 =	sadd.s32 $0xFFFFFF80, s2;
	s4 =	sadd.s32 $0xC400, s8;
	s7 =	sand.u32 $0x380, s2;
	v8 =	vld.idx.msk [tilespmem:v29+s0+$0x0], $0xffff;
	[tilespmem:s5+$0x60] =	vst v9  }
0x180: {  	s6 =	sand.u32 $0x300, s3;
	v9 =	vld.idx.msk [tilespmem:v29+s10+$0x0], $0xffff;
	s10 =	sor.u32 s7, s4;
	[tilespmem:s5+$0x70] =	vst v30  }
0x181: {  	s4 =	sor.u32 s6, s4;
	v25 =	vld.idx.msk [tilespmem:v29+s11+$0x0], $0xffff;
	[tilespmem:s10+$0x0] =	vst v11  }
0x182: {  	v11 =	vld.idx.msk [tilespmem:v2+s12+$0x0], $0xffff;
	[tilespmem:s10+$0x10] =	vst v12  }
0x183: {  	v12 =	vld.idx.msk [tilespmem:v2+s19+$0x0], $0xffff;
	[tilespmem:s10+$0x20] =	vst v14  }
0x184: {  	v14 =	vld.idx.msk [tilespmem:v2+s1+$0x0], $0xffff;
	[tilespmem:s10+$0x30] =	vst v15  }
.Ltmp2:
0x185: {  	v15 =	vld.idx.msk [tilespmem:v2+s15+$0x0], $0xffff;
	[tilespmem:s10+$0x40] =	vst v17;
	(pc) =	sbr.rel @p1 .LBB2_7-.Ltmp2, $4  }
0x186: {  	v17 =	vld.idx.msk [tilespmem:v2+s13+$0x0], $0xffff;
	[tilespmem:s10+$0x50] =	vst v20  }
0x187: {  	s5 =	sadd.s32 $0xC800, s8;
	v20 =	vld.idx.msk [tilespmem:v2+s17+$0x0], $0xffff;
	[tilespmem:s10+$0x60] =	vst v22  }
0x188: {  	s3 =	sor.u32 s6, s5;
	v22 =	vld.idx.msk [tilespmem:v2+s31+$0x0], $0xffff;
	[tilespmem:s10+$0x70] =	vst v24;
	s10 =	sor.u32 s7, s5  }
0x189: {  	v24 =	vld.idx.msk [tilespmem:v2+s18+$0x0], $0xffff;
	[tilespmem:s10+$0x0] =	vst v26  }
0x18a: {  	_ =	sdelay $0x3  }
0x18b: {  	v1 =	vld.idx.msk [tilespmem:v2+s16+$0x0], $0xffff;
	[tilespmem:s10+$0x10] =	vst v23  }
0x18c: {  	v23 =	vld.idx.msk [tilespmem:v2+s14+$0x0], $0xffff;
	[tilespmem:s10+$0x20] =	vst v21  }
0x18d: {  	v21 =	vld.idx.msk [tilespmem:v2+s20+$0x0], $0xffff;
	[tilespmem:s10+$0x30] =	vst v19  }
0x18e: {  	v19 =	vld.idx.msk [tilespmem:v2+s21+$0x0], $0xffff;
	[tilespmem:s10+$0x40] =	vst v18  }
0x18f: {  	v18 =	vld.idx.msk [tilespmem:v2+s22+$0x0], $0xffff;
	[tilespmem:s10+$0x50] =	vst v16  }
0x190: {  	v16 =	vld.idx.msk [tilespmem:v2+s23+$0x0], $0xffff;
	s2 =	sadd.s32 $0xCC00, s8;
	[tilespmem:s10+$0x60] =	vst v13  }
0x191: {  	v13 =	vld.idx.msk [tilespmem:v2+s24+$0x0], $0xffff;
	[tilespmem:s10+$0x70] =	vst v10;
	s5 =	sor.u32 s7, s2  }
0x192: {  	v10 =	vld.idx.msk [tilespmem:v2+s25+$0x0], $0xffff;
	[tilespmem:s5+$0x70] =	vst v25  }
0x193: {  	v25 =	vld.idx.msk [tilespmem:v2+s26+$0x0], $0xffff;
	[tilespmem:s5+$0x0] =	vst v4  }
0x194: {  	v4 =	vld.idx.msk [tilespmem:v2+s28+$0x0], $0xffff;
	[tilespmem:s5+$0x10] =	vst v5  }
0x195: {  	v5 =	vld.idx.msk [tilespmem:v2+s29+$0x0], $0xffff;
	[tilespmem:s5+$0x20] =	vst v6  }
0x196: {  	s8 =	simm.s32 $0x18540;
	v6 =	vld.idx.msk [tilespmem:v2+s30+$0x0], $0xffff;
	[tilespmem:s5+$0x30] =	vst v7  }
0x197: {  	v7 =	vld.idx.msk [tilespmem:v2+s8+$0x0], $0xffff;
	[tilespmem:s5+$0x40] =	vst v3  }
0x198: {  	s9 =	simm.s32 $0x18560;
	v3 =	vld.idx.msk [tilespmem:v2+s0+$0x0], $0xffff;
	[tilespmem:s5+$0x50] =	vst v8  }
0x199: {  	s1 =	simm.s32 $0x18570;
	v8 =	vld.idx.msk [tilespmem:v2+s9+$0x0], $0xffff;
	[tilespmem:s5+$0x60] =	vst v9  }
0x19a: {  	v2 =	vld.idx.msk [tilespmem:v2+s1+$0x0], $0xffff;
	[tilespmem:s4+$0x0] =	vst v11  }
0x19b: {  	[tilespmem:s4+$0x10] =	vst v12  }
0x19c: {  	[tilespmem:s4+$0x20] =	vst v14  }
0x19d: {  	[tilespmem:s4+$0x30] =	vst v15  }
0x19e: {  	[tilespmem:s4+$0x40] =	vst v17  }
0x19f: {  	[tilespmem:s4+$0x50] =	vst v20  }
0x1a0: {  	[tilespmem:s4+$0x60] =	vst v22  }
0x1a1: {  	[tilespmem:s4+$0x70] =	vst v24  }
0x1a2: {  	[tilespmem:s3+$0x0] =	vst v1  }
0x1a3: {  	[tilespmem:s3+$0x10] =	vst v23  }
0x1a4: {  	[tilespmem:s3+$0x20] =	vst v21  }
0x1a5: {  	[tilespmem:s3+$0x30] =	vst v19  }
0x1a6: {  	[tilespmem:s3+$0x40] =	vst v18  }
0x1a7: {  	[tilespmem:s3+$0x50] =	vst v16  }
0x1a8: {  	[tilespmem:s3+$0x60] =	vst v13  }
0x1a9: {  	s2 =	sor.u32 s6, s2;
	[tilespmem:s3+$0x70] =	vst v10  }
0x1aa: {  	[tilespmem:s2+$0x0] =	vst v25  }
0x1ab: {  	[tilespmem:s2+$0x10] =	vst v4  }
0x1ac: {  	[tilespmem:s2+$0x20] =	vst v5  }
0x1ad: {  	[tilespmem:s2+$0x30] =	vst v6  }
0x1ae: {  	s3 =	rddreg [dreg:$0x4]  }
0x1af: {  	s10 =	rddreg [dreg:$0xc];
	[tilespmem:s2+$0x40] =	vst v7  }
0x1b0: {  	[tilespmem:s2+$0x50] =	vst v3;
	s3 =	sadd.s32 s3, s10  }
0x1b1: {  	s11 =	rddreg [dreg:$0xa];
	s3 =	sshrl.u32 s3, $0x3  }
0x1b2: {  	s15 =	sor.u32 $0x3, s11;
	s3 =	smul.u32 $0x180, s3  }
0x1b3: {  	s17 =	rddreg [dreg:$0x2];
	s19 =	simm.s32 $0x0;
	[tilespmem:s2+$0x60] =	vst v8;
	s0 =	sshll.u32 s15, $0x6  }
0x1b4: {  	s31 =	simm.s32 $0xC400;
	[tilespmem:s2+$0x70] =	vst v2;
	s18 =	sand.u32 $0x3FFFFFC0, s0;
	s2 =	sadd.s32 s17, s3  }
0x1b5: {  	v1 =	vmov s18;
	[hbm4b:s2+s19] =	stream.linear.scatter [tilespmem:s31], [sflag:$0x1], $0x6000, $0x38;
	[tilespmem:$0x18B80] =	vst v63  }
0x1b6: {  	[dreg:$0xd] =	wrdreg s0;
	s2 =	simm.s32 @!p0 $0x1  }
0x1b7: {  	_ =	swait.ge @!p0 [sflag:s2], $0x6000  }
0x1b8: {  	s7 =	simm.s32 $0x0;
	[sflag:s2] =	ssyncset.done @!p0 $0x0  }
0x1b9: {  	s0 =	sand.u32 $0x30, s7;
	[sflag:s2] =	ssyncadd.s32 @!p0 $0xFFFFA000  }
0x1ba: {  	v2 =	vld.idx.msk [tilespmem:v1+s0+$0x0 ss:$0x1], $0xffff;
	_ =	sdelay $0x2  }
0x1bb: {  	s3 =	simm.s32 $0x1  }
0x1bc: {  	v3 =	vmov s3  }
0x1bd: {  	v3 =	vperm.xlane v2, v3;
	_ =	sdelay $0x1  }
0x1be: {  	v3 =	vmul.u32 $0x180, v3;
	_ =	sdelay $0x1  }
0x1bf: {  	v11 =	vor.u32 v0, v3;
	_ =	sdelay $0x4  }
0x1c0: {  	s4 =	simm.s32 $0x18410;
	v12 =	vld.idx.msk [tilespmem:v11+s12+$0x0], $0xffff  }
0x1c1: {  	s10 =	simm.s32 $0x18420;
	v14 =	vld.idx.msk [tilespmem:v11+s4+$0x0], $0xffff  }
0x1c2: {  	s15 =	simm.s32 $0x18430;
	v15 =	vld.idx.msk [tilespmem:v11+s10+$0x0], $0xffff  }
0x1c3: {  	v17 =	vld.idx.msk [tilespmem:v11+s15+$0x0], $0xffff  }
0x1c4: {  	s11 =	simm.s32 $0x18450;
	v20 =	vld.idx.msk [tilespmem:v11+s13+$0x0], $0xffff  }
0x1c5: {  	s19 =	simm.s32 $0x18460;
	v22 =	vld.idx.msk [tilespmem:v11+s11+$0x0], $0xffff  }
0x1c6: {  	s18 =	simm.s32 $0x18470;
	v24 =	vld.idx.msk [tilespmem:v11+s19+$0x0], $0xffff  }
0x1c7: {  	v26 =	vld.idx.msk [tilespmem:v11+s18+$0x0], $0xffff  }
0x1c8: {  	v27 =	vld.idx.msk [tilespmem:v11+s16+$0x0], $0xffff  }
0x1c9: {  	v23 =	vld.idx.msk [tilespmem:v11+s14+$0x0], $0xffff  }
0x1ca: {  	v21 =	vld.idx.msk [tilespmem:v11+s20+$0x0], $0xffff  }
0x1cb: {  	v19 =	vld.idx.msk [tilespmem:v11+s21+$0x0], $0xffff  }
0x1cc: {  	v18 =	vld.idx.msk [tilespmem:v11+s22+$0x0], $0xffff  }
0x1cd: {  	v16 =	vld.idx.msk [tilespmem:v11+s23+$0x0], $0xffff;
	s23 =	sand.u32 $0xE, s7  }
0x1ce: {  	v13 =	vld.idx.msk [tilespmem:v11+s24+$0x0], $0xffff;
	v3 =	vmov s23  }
0x1cf: {  	v10 =	vld.idx.msk [tilespmem:v11+s25+$0x0], $0xffff;
	v2 =	vperm.xlane v2, v3  }
0x1d0: {  	v4 =	vld.idx.msk [tilespmem:v11+s26+$0x0], $0xffff  }
0x1d1: {  	v5 =	vld.idx.msk [tilespmem:v11+s28+$0x0], $0xffff;
	s26 =	simm.s32 $0x0;
	v2 =	vmul.u32 $0x180, v2  }
0x1d2: {  	v6 =	vld.idx.msk [tilespmem:v11+s29+$0x0], $0xffff;
	s28 =	smul.u32 $0x3000, s26  }
0x1d3: {  	v7 =	vld.idx.msk [tilespmem:v11+s30+$0x0], $0xffff;
	v2 =	vor.u32 v0, v2  }
0x1d4: {  	s6 =	simm.s32 $0x18550;
	s2 =	simm.s32 $0x80;
	v3 =	vld.idx.msk [tilespmem:v11+s8+$0x0], $0xffff;
	s8 =	sshra.s32 s28, $0x2  }
0x1d5: {  	v8 =	vld.idx.msk [tilespmem:v11+s6+$0x0], $0xffff;
	s6 =	sand.u32 $0x380, s2;
	s3 =	sadd.s32 $0x12400, s8  }
0x1d6: {  	v9 =	vld.idx.msk [tilespmem:v11+s9+$0x0], $0xffff;
	s29 =	sor.u32 s6, s3  }
0x1d7: {  	v25 =	vld.idx.msk [tilespmem:v11+s1+$0x0], $0xffff;
	[tilespmem:s29+$0x0] =	vst v12  }
0x1d8: {  	[tilespmem:s29+$0x10] =	vst v14;
	v11 =	vld.idx.msk [tilespmem:v2+s12+$0x0], $0xffff  }
0x1d9: {  	[tilespmem:s29+$0x20] =	vst v15;
	v12 =	vld.idx.msk [tilespmem:v2+s4+$0x0], $0xffff  }
0x1da: {  	[tilespmem:s29+$0x30] =	vst v17;
	v14 =	vld.idx.msk [tilespmem:v2+s10+$0x0], $0xffff  }
0x1db: {  	[tilespmem:s29+$0x40] =	vst v20;
	v15 =	vld.idx.msk [tilespmem:v2+s15+$0x0], $0xffff  }
0x1dc: {  	[tilespmem:s29+$0x50] =	vst v22;
	v17 =	vld.idx.msk [tilespmem:v2+s13+$0x0], $0xffff  }
0x1dd: {  	s30 =	simm.s32 $0x0;
	s31 =	sadd.s32 $0x12800, s8;
	[tilespmem:s29+$0x60] =	vst v24;
	v20 =	vld.idx.msk [tilespmem:v2+s11+$0x0], $0xffff  }
0x1de: {  	s17 =	simm.s32 $0x18430;
	s9 =	sand.u32 $0x300, s30;
	[tilespmem:s29+$0x70] =	vst v26;
	v22 =	vld.idx.msk [tilespmem:v2+s19+$0x0], $0xffff;
	s10 =	sor.u32 s6, s31  }
0x1df: {  	s15 =	simm.s32 $0x18450;
	s4 =	sor.u32 s9, s3;
	s3 =	sor.u32 s9, s31;
	v24 =	vld.idx.msk [tilespmem:v2+s18+$0x0], $0xffff;
	[tilespmem:s10+$0x0] =	vst v27  }
.LBB2_9:
0x1e0: {  	s16 =	simm.s32 $0x18480  }
0x1e1: {  	[tilespmem:s10+$0x10] =	vst v23;
	s5 =	smov.u32 s7;
	s7 =	sadd.s32 $0x2, s7;
	s14 =	simm.s32 $0x18490;
	v26 =	vld.idx.msk [tilespmem:v2+s16+$0x0], $0xffff  }
0x1e2: {  	s11 =	sand.u32 $0xE, s7;
	s12 =	sand.u32 $0x30, s7;
	p0 =	slt.u32 s7, $0x3E;
	v23 =	vld.idx.msk [tilespmem:v2+s14+$0x0], $0xffff;
	[tilespmem:s10+$0x20] =	vst v21  }
0x1e3: {  	s20 =	simm.s32 $0x184A0;
	v27 =	vmov s11;
	v21 =	vld.idx.msk [tilespmem:v1+s12+$0x0 ss:$0x1], $0xffff;
	s12 =	simm.s32 $0x18400;
	[tilespmem:s10+$0x30] =	vst v19  }
0x1e4: {  	s21 =	simm.s32 $0x184B0;
	v19 =	vld.idx.msk [tilespmem:v2+s20+$0x0], $0xffff;
	[tilespmem:s10+$0x40] =	vst v18  }
0x1e5: {  	s22 =	simm.s32 $0x184C0;
	v18 =	vld.idx.msk [tilespmem:v2+s21+$0x0], $0xffff;
	[tilespmem:s10+$0x50] =	vst v16  }
0x1e6: {  	s8 =	sadd.s32 $0x12C00, s8;
	s23 =	simm.s32 $0x184D0;
	s24 =	simm.s32 $0x184E0;
	v16 =	vld.idx.msk [tilespmem:v2+s22+$0x0], $0xffff;
	[tilespmem:s10+$0x60] =	vst v13  }
0x1e7: {  	s6 =	sor.u32 s6, s8;
	s11 =	sadd.s32 $0x3, s5;
	s5 =	sor.u32 s9, s8;
	v13 =	vld.idx.msk [tilespmem:v2+s23+$0x0], $0xffff;
	[tilespmem:s10+$0x70] =	vst v10  }
0x1e8: {  	s25 =	simm.s32 $0x184F0;
	v10 =	vmov s11;
	v28 =	vld.idx.msk [tilespmem:v2+s24+$0x0], $0xffff;
	[tilespmem:s6+$0x70] =	vst v25  }
0x1e9: {  	s26 =	simm.s32 $0x18500;
	v25 =	vperm.xlane v21, v27;
	v10 =	vperm.xlane v21, v10;
	v27 =	vld.idx.msk [tilespmem:v2+s25+$0x0], $0xffff;
	[tilespmem:s6+$0x0] =	vst v4  }
0x1ea: {  	s28 =	simm.s32 $0x18510;
	v4 =	vld.idx.msk [tilespmem:v2+s26+$0x0], $0xffff;
	[tilespmem:s6+$0x10] =	vst v5  }
0x1eb: {  	s11 =	simm.s32 $0x18520;
	v5 =	vmul.u32 $0x180, v25;
	v10 =	vmul.u32 $0x180, v10;
	v25 =	vld.idx.msk [tilespmem:v2+s28+$0x0], $0xffff;
	[tilespmem:s6+$0x20] =	vst v6  }
0x1ec: {  	s8 =	simm.s32 $0x18530;
	v6 =	vld.idx.msk [tilespmem:v2+s11+$0x0], $0xffff;
	[tilespmem:s6+$0x30] =	vst v7  }
0x1ed: {  	s9 =	simm.s32 $0x18540;
	v5 =	vor.u32 v0, v5;
	v29 =	vor.u32 v0, v10;
	v7 =	vld.idx.msk [tilespmem:v2+s8+$0x0], $0xffff;
	[tilespmem:s6+$0x40] =	vst v3  }
0x1ee: {  	s0 =	simm.s32 $0x18550;
	v3 =	vld.idx.msk [tilespmem:v2+s9+$0x0], $0xffff;
	[tilespmem:s6+$0x50] =	vst v8  }
0x1ef: {  	s10 =	simm.s32 $0x18560;
	v8 =	vld.idx.msk [tilespmem:v2+s0+$0x0], $0xffff;
	[tilespmem:s6+$0x60] =	vst v9  }
0x1f0: {  	s1 =	simm.s32 $0x18570;
	v9 =	vld.idx.msk [tilespmem:v2+s10+$0x0], $0xffff  }
0x1f1: {  	v30 =	vld.idx.msk [tilespmem:v2+s1+$0x0], $0xffff;
	[tilespmem:s4+$0x0] =	vst v11;
	v2 =	vmov v5  }
0x1f2: {  	s18 =	simm.s32 $0x18410;
	v11 =	vld.idx.msk [tilespmem:v29+s12+$0x0], $0xffff;
	[tilespmem:s4+$0x10] =	vst v12  }
0x1f3: {  	s19 =	simm.s32 $0x18420;
	v12 =	vld.idx.msk [tilespmem:v29+s18+$0x0], $0xffff;
	[tilespmem:s4+$0x20] =	vst v14  }
0x1f4: {  	s6 =	simm.s32 $0x18470;
	v14 =	vld.idx.msk [tilespmem:v29+s19+$0x0], $0xffff;
	[tilespmem:s4+$0x30] =	vst v15  }
0x1f5: {  	v15 =	vld.idx.msk [tilespmem:v29+s17+$0x0], $0xffff;
	[tilespmem:s4+$0x40] =	vst v17  }
0x1f6: {  	v17 =	vld.idx.msk [tilespmem:v29+s13+$0x0], $0xffff;
	[tilespmem:s4+$0x50] =	vst v20  }
0x1f7: {  	s13 =	simm.s32 $0x18460;
	v20 =	vld.idx.msk [tilespmem:v29+s15+$0x0], $0xffff;
	[tilespmem:s4+$0x60] =	vst v22  }
0x1f8: {  	s17 =	simm.s32 $0x18430;
	s15 =	simm.s32 $0x18440;
	v22 =	vld.idx.msk [tilespmem:v29+s13+$0x0], $0xffff;
	[tilespmem:s4+$0x70] =	vst v24  }
0x1f9: {  	v24 =	vld.idx.msk [tilespmem:v29+s6+$0x0], $0xffff;
	[tilespmem:s3+$0x0] =	vst v26  }
0x1fa: {  	v26 =	vld.idx.msk [tilespmem:v29+s16+$0x0], $0xffff;
	[tilespmem:s3+$0x10] =	vst v23  }
0x1fb: {  	s16 =	simm.s32 $0x18490;
	v23 =	vld.idx.msk [tilespmem:v29+s14+$0x0], $0xffff;
	[tilespmem:s3+$0x20] =	vst v19  }
0x1fc: {  	s14 =	simm.s32 $0x184A0;
	v21 =	vld.idx.msk [tilespmem:v29+s20+$0x0], $0xffff;
	[tilespmem:s3+$0x30] =	vst v18  }
0x1fd: {  	s20 =	simm.s32 $0x184B0;
	v19 =	vld.idx.msk [tilespmem:v29+s21+$0x0], $0xffff;
	[tilespmem:s3+$0x40] =	vst v16  }
0x1fe: {  	s21 =	simm.s32 $0x184C0;
	v18 =	vld.idx.msk [tilespmem:v29+s22+$0x0], $0xffff;
	[tilespmem:s3+$0x50] =	vst v13  }
0x1ff: {  	s22 =	simm.s32 $0x184D0;
	v16 =	vld.idx.msk [tilespmem:v29+s23+$0x0], $0xffff;
	[tilespmem:s3+$0x60] =	vst v28  }
0x200: {  	s23 =	simm.s32 $0x184E0;
	v13 =	vld.idx.msk [tilespmem:v29+s24+$0x0], $0xffff;
	[tilespmem:s3+$0x70] =	vst v27  }
0x201: {  	s24 =	simm.s32 $0x184F0;
	v10 =	vld.idx.msk [tilespmem:v29+s25+$0x0], $0xffff;
	[tilespmem:s5+$0x0] =	vst v4  }
0x202: {  	s25 =	simm.s32 $0x18500;
	v4 =	vld.idx.msk [tilespmem:v29+s26+$0x0], $0xffff;
	[tilespmem:s5+$0x10] =	vst v25  }
0x203: {  	s3 =	sshrl.u32 s7, $0x3;
	s26 =	simm.s32 $0x18510;
	v5 =	vld.idx.msk [tilespmem:v29+s28+$0x0], $0xffff;
	[tilespmem:s5+$0x20] =	vst v6  }
0x204: {  	s3 =	smul.u32 $0x3000, s3;
	s28 =	simm.s32 $0x18520;
	v6 =	vld.idx.msk [tilespmem:v29+s11+$0x0], $0xffff;
	[tilespmem:s5+$0x30] =	vst v7  }
0x205: {  	s29 =	simm.s32 $0x18530;
	s30 =	simm.s32 $0x18540;
	v7 =	vld.idx.msk [tilespmem:v29+s8+$0x0], $0xffff;
	[tilespmem:s5+$0x40] =	vst v3  }
0x206: {  	s2 =	sadd.s32 $0x100, s2;
	s31 =	simm.s32 $0x18550;
	s8 =	sshra.s32 s3, $0x2;
	v3 =	vld.idx.msk [tilespmem:v29+s9+$0x0], $0xffff;
	[tilespmem:s5+$0x50] =	vst v8  }
0x207: {  	s6 =	sand.u32 $0x380, s2;
	s3 =	sadd.s32 $0xFFFFFF80, s2;
	s4 =	sadd.s32 $0x12400, s8;
	v8 =	vld.idx.msk [tilespmem:v29+s0+$0x0], $0xffff;
	[tilespmem:s5+$0x60] =	vst v9  }
0x208: {  	s11 =	simm.s32 $0x18560;
	s9 =	sand.u32 $0x300, s3;
	v9 =	vld.idx.msk [tilespmem:v29+s10+$0x0], $0xffff;
	s10 =	sor.u32 s6, s4;
	[tilespmem:s5+$0x70] =	vst v30  }
0x209: {  	s0 =	simm.s32 $0x18570;
	s4 =	sor.u32 s9, s4;
	v25 =	vld.idx.msk [tilespmem:v29+s1+$0x0], $0xffff;
	[tilespmem:s10+$0x0] =	vst v11  }
0x20a: {  	v11 =	vld.idx.msk [tilespmem:v2+s12+$0x0], $0xffff;
	[tilespmem:s10+$0x10] =	vst v12  }
0x20b: {  	v12 =	vld.idx.msk [tilespmem:v2+s18+$0x0], $0xffff;
	[tilespmem:s10+$0x20] =	vst v14  }
0x20c: {  	s1 =	simm.s32 $0x18470;
	v14 =	vld.idx.msk [tilespmem:v2+s19+$0x0], $0xffff;
	[tilespmem:s10+$0x30] =	vst v15  }
.Ltmp3:
0x20d: {  	s3 =	simm.s32 $0x18450;
	v15 =	vld.idx.msk [tilespmem:v2+s17+$0x0], $0xffff;
	[tilespmem:s10+$0x40] =	vst v17;
	(pc) =	sbr.rel @p0 .LBB2_9-.Ltmp3, $4  }
0x20e: {  	s17 =	simm.s32 $0x18430;
	v17 =	vld.idx.msk [tilespmem:v2+s15+$0x0], $0xffff;
	[tilespmem:s10+$0x50] =	vst v20  }
0x20f: {  	s5 =	sadd.s32 $0x12800, s8;
	s15 =	simm.s32 $0x18450;
	v20 =	vld.idx.msk [tilespmem:v2+s3+$0x0], $0xffff;
	[tilespmem:s10+$0x60] =	vst v22  }
0x210: {  	s3 =	sor.u32 s9, s5;
	v22 =	vld.idx.msk [tilespmem:v2+s13+$0x0], $0xffff;
	s13 =	simm.s32 $0x18440;
	[tilespmem:s10+$0x70] =	vst v24;
	s10 =	sor.u32 s6, s5  }
0x211: {  	v24 =	vld.idx.msk [tilespmem:v2+s1+$0x0], $0xffff;
	[tilespmem:s10+$0x0] =	vst v26  }
0x212: {  	_ =	sdelay $0x3  }
0x213: {  	[tilespmem:s10+$0x10] =	vst v23;
	v51 =	vld.idx.msk [tilespmem:v2+s16+$0x0], $0xffff  }
0x214: {  	[tilespmem:s10+$0x20] =	vst v21;
	v52 =	vld.idx.msk [tilespmem:v2+s14+$0x0], $0xffff  }
0x215: {  	[tilespmem:s10+$0x30] =	vst v19;
	v53 =	vld.idx.msk [tilespmem:v2+s20+$0x0], $0xffff  }
0x216: {  	[tilespmem:s10+$0x40] =	vst v18;
	v54 =	vld.idx.msk [tilespmem:v2+s21+$0x0], $0xffff  }
0x217: {  	[tilespmem:s10+$0x50] =	vst v16;
	v55 =	vld.idx.msk [tilespmem:v2+s22+$0x0], $0xffff  }
0x218: {  	s2 =	sadd.s32 $0x12C00, s8;
	[tilespmem:s10+$0x60] =	vst v13;
	v56 =	vld.idx.msk [tilespmem:v2+s23+$0x0], $0xffff  }
0x219: {  	[tilespmem:s10+$0x70] =	vst v10;
	v57 =	vld.idx.msk [tilespmem:v2+s24+$0x0], $0xffff;
	s5 =	sor.u32 s6, s2  }
0x21a: {  	v58 =	vld.idx.msk [tilespmem:v2+s25+$0x0], $0xffff;
	[tilespmem:s5+$0x70] =	vst v25  }
0x21b: {  	v59 =	vld.idx.msk [tilespmem:v2+s26+$0x0], $0xffff;
	[tilespmem:s5+$0x0] =	vst v4  }
0x21c: {  	v60 =	vld.idx.msk [tilespmem:v2+s28+$0x0], $0xffff;
	[tilespmem:s5+$0x10] =	vst v5  }
0x21d: {  	v61 =	vld.idx.msk [tilespmem:v2+s29+$0x0], $0xffff;
	[tilespmem:s5+$0x20] =	vst v6  }
0x21e: {  	v62 =	vld.idx.msk [tilespmem:v2+s30+$0x0], $0xffff;
	[tilespmem:s5+$0x30] =	vst v7  }
0x21f: {  	s1 =	simm.s32 $0x18480;
	v63 =	vld.idx.msk [tilespmem:v2+s11+$0x0], $0xffff;
	[tilespmem:s5+$0x40] =	vst v3  }
0x220: {  	v1 =	vld.idx.msk [tilespmem:v2+s1+$0x0], $0xffff;
	[tilespmem:s5+$0x50] =	vst v8  }
0x221: {  	v3 =	vld.idx.msk [tilespmem:v2+s31+$0x0], $0xffff;
	[tilespmem:s5+$0x60] =	vst v9  }
0x222: {  	v2 =	vld.idx.msk [tilespmem:v2+s0+$0x0], $0xffff;
	[tilespmem:s4+$0x0] =	vst v11  }
0x223: {  	[tilespmem:s4+$0x10] =	vst v12  }
0x224: {  	[tilespmem:s4+$0x20] =	vst v14  }
0x225: {  	[tilespmem:s4+$0x30] =	vst v15  }
0x226: {  	[tilespmem:s4+$0x40] =	vst v17  }
0x227: {  	[tilespmem:s4+$0x50] =	vst v20  }
0x228: {  	[tilespmem:s4+$0x60] =	vst v22  }
0x229: {  	[tilespmem:s4+$0x70] =	vst v24  }
0x22a: {  	[tilespmem:s3+$0x10] =	vst v51  }
0x22b: {  	[tilespmem:s3+$0x20] =	vst v52  }
0x22c: {  	[tilespmem:s3+$0x30] =	vst v53  }
0x22d: {  	[tilespmem:s3+$0x40] =	vst v54  }
0x22e: {  	[tilespmem:s3+$0x50] =	vst v55  }
0x22f: {  	[tilespmem:s3+$0x60] =	vst v56  }
0x230: {  	[tilespmem:s3+$0x70] =	vst v57  }
0x231: {  	s2 =	sor.u32 s9, s2;
	[tilespmem:s3+$0x0] =	vst v1  }
0x232: {  	[tilespmem:s2+$0x0] =	vst v58  }
0x233: {  	[tilespmem:s2+$0x10] =	vst v59  }
0x234: {  	[tilespmem:s2+$0x20] =	vst v60  }
0x235: {  	s24 =	rddreg [dreg:$0x2];
	[tilespmem:s2+$0x30] =	vst v61  }
0x236: {  	s3 =	rddreg [dreg:$0x4]  }
0x237: {  	s25 =	simm.s32 $0x0;
	s26 =	simm.s32 $0x12400;
	s23 =	rddreg [dreg:$0xd];
	[tilespmem:s2+$0x40] =	vst v62  }
0x238: {  	s8 =	simm.s32 $0x18440;
	s7 =	simm.s32 $0x18450;
	s17 =	simm.s32 $0x18460;
	[tilespmem:s2+$0x50] =	vst v3  }
0x239: {  	s18 =	simm.s32 $0x18470;
	s19 =	simm.s32 $0x18480;
	s20 =	simm.s32 $0x18490;
	[tilespmem:s2+$0x60] =	vst v63  }
0x23a: {  	s21 =	simm.s32 $0x184A0;
	s22 =	simm.s32 $0x184B0;
	s28 =	simm.s32 $0x18500;
	[tilespmem:s2+$0x70] =	vst v2  }
0x23b: {  	s29 =	simm.s32 $0x18510;
	s3 =	sadd.s32 s3, s23;
	s31 =	rddreg [dreg:$0x9]  }
0x23c: {  	s30 =	simm.s32 $0x18520;
	s3 =	sshrl.u32 s3, $0x3;
	s11 =	sadd.s32 $0x1, s31  }
0x23d: {  	s10 =	simm.s32 $0x18570;
	s3 =	smul.u32 $0x180, s3;
	p0 =	sne.s32 s11, $0x4  }
.Ltmp4:
0x23e: {  	s1 =	simm.s32 $0x18540;
	s6 =	simm.s32 $0x18560;
	(pc) =	sbr.rel @p0 .LBB2_2-.Ltmp4, $4  }
0x23f: {  	s5 =	simm.s32 $0x18410;
	s0 =	simm.s32 $0x18530;
	s4 =	simm.s32 $0x18420  }
0x240: {  	s23 =	simm.s32 $0x184C0;
	s2 =	sadd.s32 s24, s3;
	s3 =	simm.s32 $0x18430  }
0x241: {  	[hbm4b:s2+s25] =	stream.linear.scatter [tilespmem:s26], [sflag:$0x1], $0x6000, $0x38;
	[tilespmem:$0x18B80] =	vst v63  }
0x242: {  	s24 =	simm.s32 $0x184D0;
	s25 =	simm.s32 $0x184E0;
	s26 =	simm.s32 $0x184F0  }
0x243: {  	s4 =	simm.s32 $0x1  }
0x244: {  	_ =	swait.ge [sflag:s4], $0x6000  }
0x245: {  	[sflag:s4] =	ssyncset.done $0x0  }
0x246: {  	[sflag:s4] =	ssyncadd.s32 $0xFFFFA000  }
0x247: {  	_ =	swait.ge [sflag:s4], $0x6000  }
0x248: {  	[sflag:s4] =	ssyncset.done $0x0  }
0x249: {  	[sflag:s4] =	ssyncadd.s32 $0xFFFFA000  }
0x24a: {  	_ =	swait.ge [sflag:s4], $0x6000  }
0x24b: {  	[sflag:s4] =	ssyncset.done $0x0  }
0x24c: {  	[sflag:s4] =	ssyncadd.s32 $0xFFFFA000  }
0x24d: {  	_ =	swait.ge [sflag:s4], $0x6000  }
0x24e: {  	s3 =	rddreg [dreg:$0x8]  }
0x24f: {  	s2 =	rddreg [dreg:$0x7];
	s3 =	sadd.s32 $0x1, s3  }
0x250: {  	p0 =	sne.s32 s3, s2  }
.Ltmp5:
0x251: {  	_ = 	snop;
	(pc) =	sbr.rel @p0 .LBB2_1-.Ltmp5, $3  }
0x252: {  	_ =	sdelay $0x1  }
0x253: {  	[sflag:s4] =	ssyncset.done $0x0  }
0x254: {  	[sflag:s4] =	ssyncadd.s32 $0xFFFFA000  }
0x255: {  	_ =	sfence.sel $0x180000  }
0x256: {  	[bflag:$0x0] =	sbarrier.arrive $0xFFFF  }
0x257: {  	_ =	strace $0x90000047  }
0x258: {  	s0 =	stileid.u32;
	[bflag:$0x2] =	sbarrier.arrive $0xFFFF  }
0x259: {  	p0 =	sne.s32 s0, $0x0;
	s0 =	rddreg [dreg:$0x3]  }
0x25a: {  	s0 =	sadd.s32 @!p0 $0x100000, s0  }
0x25b: {  	[sflag:s0] =	ssyncadd.tile.s32 @!p0 $0x1;
	_ =	shalt  }
.Lfunc_end2:
_tile_overlayer_lowered:
.L_overlay_start_2:
0x25c: {  	(tag) =	ssettag $0x2  }
0x25d: {  	s0 =	rddreg [dreg:$0x0];
	s2 =	stileid.u32  }
0x25e: {  	s1 =	rddreg [dreg:$0x1];
	p0 =	sne.s32 s2, $0x0  }
0x25f: {  	s3 =	rddreg [dreg:$0x2];
	[bflag:$0x3] =	sbarrier.arrive $0xFFFF;
	s2 =	simm.s32 @!p0 $0x1C02  }
0x260: {  	[timem:s3], [sflag:s2] =	dma.local @!p0 [hbm:s0], s1  }
0x261: {  	s0 =	simm.s32 @!p0 $0x2  }
0x262: {  	_ =	swait.ge @!p0 [sflag:s0], s1  }
0x263: {  	s1 =	ssub.s32 @!p0 $0x0, s1;
	[sflag:s0] =	ssyncset.done @!p0 $0x0  }
0x264: {  	[sflag:s0] =	ssyncadd.s32 @!p0 s1  }
0x265: {  	[bflag:$0x3] =	sbarrier.arrive $0xFFFF  }
0x266: {  	_ =	shalt  }

</sc_bundles>
